<compile_context>
chip_gen: v7x
topology: tpu7x:2x2x1
jax: 0.10.2.dev20260603
libtpu: 0.0.44.dev20260713+nightly
codegen_flags: <defaults>
</compile_context>

<pallas_src>
import functools

import jax
import jax.numpy as jnp
from jax import lax
from jax.experimental import pallas as pl
from jax.experimental.pallas import tpu as pltpu
from jax.experimental.pallas import tpu_sc as plsc

N_NODES = 10000
D = 128
NC = 2
NS = 16
NW = NC * NS
EPB = 128
N_ACC = 10048
CH_STRIDE = 632
CH_TAIL = N_ACC - 15 * CH_STRIDE
B0 = 160
PH0 = 80
PK_ROWS = NS * B0
DEG_W = 128
ROWS = 400
_MESH = dict(core_axis_name="c", subcore_axis_name="s")


def _copy_chunk(s, src, dst):
    b = s * CH_STRIDE

    @pl.when(s < NS - 1)
    def _():
        pltpu.sync_copy(src.at[pl.ds(b, CH_STRIDE)], dst.at[pl.ds(b, CH_STRIDE)])

    @pl.when(s == NS - 1)
    def _():
        pltpu.sync_copy(src.at[pl.ds(b, CH_TAIL)], dst.at[pl.ds(b, CH_TAIL)])


def _deg_call(n_blk, dst_r, ones_hbm, zeros_hbm):

    @functools.partial(
        pl.kernel,
        out_type=jax.ShapeDtypeStruct((NC, N_ACC, DEG_W), jnp.float32),
        mesh=plsc.VectorSubcoreMesh(**_MESH),
        scratch_types=[
            pltpu.VMEM((n_blk, EPB), jnp.int32),
            pltpu.VMEM((EPB, DEG_W), jnp.float32),
            pltpu.VMEM_SHARED((N_ACC, DEG_W), jnp.float32),
        ],
    )
    def deg_kernel(dst_hbm, ones_h, zeros_h, deg_hbm, idx_v, ones_v, acc_sh):
        c = lax.axis_index("c")
        s = lax.axis_index("s")
        wid = c * NS + s
        _copy_chunk(s, zeros_h, acc_sh)
        pltpu.sync_copy(dst_hbm.at[wid], idx_v)
        pltpu.sync_copy(ones_h, ones_v)
        plsc.subcore_barrier()

        @pl.loop(0, n_blk)
        def _(j):
            pltpu.sync_copy(ones_v, acc_sh.at[idx_v.at[j]], add=True)

        plsc.subcore_barrier()
        _copy_chunk(s, acc_sh, deg_hbm.at[c])

    return deg_kernel(dst_r, ones_hbm, zeros_hbm)


def _unpack_block(pk, j, t, row):
    for k in range(EPB // 16):
        v = pk[j, pl.ds(k * 16, 16)]
        t[row, pl.ds(k * 16, 16)] = lax.bitwise_and(v, jnp.int32(16383))
        t[row + 1, pl.ds(k * 16, 16)] = lax.shift_right_logical(v, jnp.int32(14))


def _scatter_call(y, pk_flat, zeros_hbm):

    @functools.partial(
        pl.kernel,
        out_type=jax.ShapeDtypeStruct((N_ACC, D), jnp.float32),
        mesh=plsc.VectorSubcoreMesh(**_MESH),
        scratch_types=[
            pltpu.VMEM((PH0, EPB), jnp.int32),
            pltpu.VMEM((4, EPB), jnp.int32),
            pltpu.VMEM((EPB, D), jnp.float32),
            pltpu.VMEM((EPB, D), jnp.float32),
            pltpu.VMEM_SHARED((N_ACC, D), jnp.float32),
            pltpu.SemaphoreType.DMA,
            pltpu.SemaphoreType.DMA,
        ],
    )
    def scat_kernel(y_hbm, pk_hbm, zeros_h, out_hbm,
                    pk, ix, g0, g1, acc_sh, gsem0, gsem1):
        c = lax.axis_index("c")
        s = lax.axis_index("s")

        @pl.when(c == 0)
        def _():
            _copy_chunk(s, zeros_h, acc_sh)
            plsc.subcore_barrier()

            for p in range(2):
                cstart = s * B0 + p * PH0
                pltpu.sync_copy(pk_hbm.at[pl.ds(cstart, PH0)], pk)
                _unpack_block(pk, 0, ix, 0)
                pltpu.async_copy(y_hbm.at[ix.at[0]], g0, gsem0)
                _unpack_block(pk, 1, ix, 2)
                pltpu.async_copy(y_hbm.at[ix.at[2]], g1, gsem1)

                @pl.loop(0, PH0 - 2, step=2)
                def _(j):
                    pltpu.make_async_copy(y_hbm.at[ix.at[0]], g0, gsem0).wait()
                    pltpu.sync_copy(g0, acc_sh.at[ix.at[1]], add=True)
                    _unpack_block(pk, j + 2, ix, 0)
                    pltpu.async_copy(y_hbm.at[ix.at[0]], g0, gsem0)
                    pltpu.make_async_copy(y_hbm.at[ix.at[2]], g1, gsem1).wait()
                    pltpu.sync_copy(g1, acc_sh.at[ix.at[3]], add=True)
                    _unpack_block(pk, j + 3, ix, 2)
                    pltpu.async_copy(y_hbm.at[ix.at[2]], g1, gsem1)

                pltpu.make_async_copy(y_hbm.at[ix.at[0]], g0, gsem0).wait()
                pltpu.sync_copy(g0, acc_sh.at[ix.at[1]], add=True)
                pltpu.make_async_copy(y_hbm.at[ix.at[2]], g1, gsem1).wait()
                pltpu.sync_copy(g1, acc_sh.at[ix.at[3]], add=True)

            plsc.subcore_barrier()
            _copy_chunk(s, acc_sh, out_hbm)

    return scat_kernel(y, pk_flat, zeros_hbm)


def _pre_call(x, W1, deg2):

    def body(x_ref, w_ref, deg_ref, y_ref, dinv_ref):
        d = deg_ref[0, :, 0:1] + deg_ref[1, :, 0:1] + 1.0
        dinv = lax.rsqrt(d)
        xw = jnp.dot(x_ref[...], w_ref[...], preferred_element_type=jnp.float32)
        y_ref[...] = xw * dinv
        dinv_ref[...] = jnp.broadcast_to(dinv, (ROWS, D))

    return pl.pallas_call(
        body,
        grid=(N_NODES // ROWS,),
        in_specs=[
            pl.BlockSpec((ROWS, D), lambda i: (i, 0)),
            pl.BlockSpec((D, D), lambda i: (0, 0)),
            pl.BlockSpec((NC, ROWS, DEG_W), lambda i: (0, i, 0)),
        ],
        out_specs=[
            pl.BlockSpec((ROWS, D), lambda i: (i, 0)),
            pl.BlockSpec((ROWS, D), lambda i: (i, 0)),
        ],
        out_shape=[
            jax.ShapeDtypeStruct((N_NODES, D), jnp.float32),
            jax.ShapeDtypeStruct((N_NODES, D), jnp.float32),
        ],
    )(x, W1, deg2)


def _mid_call(acc, y, dinv, b, h_prev, W_next):

    def body(acc_ref, y_ref, dinv_ref, b_ref, hp_ref, w_ref, h_ref, yn_ref):
        conv = dinv_ref[...] * (acc_ref[...] + y_ref[...]) + b_ref[...]
        h = jnp.maximum(conv + hp_ref[...], 0.0)
        h_ref[...] = h
        hw = jnp.dot(h, w_ref[...], preferred_element_type=jnp.float32)
        yn_ref[...] = hw * dinv_ref[...]

    return pl.pallas_call(
        body,
        grid=(N_NODES // ROWS,),
        in_specs=[
            pl.BlockSpec((ROWS, D), lambda i: (i, 0)),
            pl.BlockSpec((ROWS, D), lambda i: (i, 0)),
            pl.BlockSpec((ROWS, D), lambda i: (i, 0)),
            pl.BlockSpec((1, D), lambda i: (0, 0)),
            pl.BlockSpec((ROWS, D), lambda i: (i, 0)),
            pl.BlockSpec((D, D), lambda i: (0, 0)),
        ],
        out_specs=[
            pl.BlockSpec((ROWS, D), lambda i: (i, 0)),
            pl.BlockSpec((ROWS, D), lambda i: (i, 0)),
        ],
        out_shape=[
            jax.ShapeDtypeStruct((N_NODES, D), jnp.float32),
            jax.ShapeDtypeStruct((N_NODES, D), jnp.float32),
        ],
    )(acc, y, dinv, b, h_prev, W_next)


def kernel(x, edge_index, W1, b1, W2, b2, W3, b3):
    ei = edge_index.astype(jnp.int32)
    src, dst = ei[0], ei[1]
    e = src.shape[0]
    e_pad = NS * B0 * EPB
    assert e <= e_pad
    n_blk = e_pad // (NW * EPB)
    pad = e_pad - e
    src_p = jnp.concatenate([src, jnp.zeros((pad,), jnp.int32)])
    dst_p = jnp.concatenate([dst, jnp.full((pad,), N_NODES, jnp.int32)])
    dst_r = dst_p.reshape(NW, n_blk, EPB)
    pk_flat = (dst_p * 16384 + src_p).reshape(e_pad // EPB, EPB)
    pk_flat = jnp.concatenate(
        [pk_flat, jnp.zeros((PK_ROWS - e_pad // EPB, EPB), jnp.int32)])

    ones16 = jnp.ones((EPB, DEG_W), jnp.float32)
    zeros_deg = jnp.zeros((N_ACC, DEG_W), jnp.float32)
    zeros_acc = jnp.zeros((N_ACC, D), jnp.float32)

    deg2 = _deg_call(n_blk, dst_r, ones16, zeros_deg)
    y1, dinv = _pre_call(x, W1, deg2)

    w_stack = jnp.stack([W2, W3, W3])
    b_stack = jnp.stack([b1, b2, b3]).reshape(3, 1, D)

    def step(carry, wb):
        h_prev, y = carry
        w_next, b = wb
        acc = _scatter_call(y, pk_flat, zeros_acc)
        h, y_next = _mid_call(acc, y, dinv, b, h_prev, w_next)
        return (h, y_next), None

    (h3, _), _ = lax.scan(step, (x, y1), (w_stack, b_stack))
    return h3

# --- scband reference (transcript-rebuilt; emitter-appended) ---
"""Pipeline reference for scband-gcn-3710851744313 (READ-ONLY COPY).

The authoritative reference and input builder live on the scoring server;
editing this copy changes nothing except your own understanding.
"""

import jax, jax.numpy as jnp
import numpy as np

N_NODES = 10000
N_EDGES = 320000
D_FEAT = 128
D_HID = 128


def gcn_conv(x, edge_index, W, b):
    n = x.shape[0]
    x = x @ W
    src = edge_index[0]
    dst = edge_index[1]
    # add self loops (as in PyG GCNConv default)
    loop = jnp.arange(n, dtype=edge_index.dtype)
    src = jnp.concatenate([src, loop])
    dst = jnp.concatenate([dst, loop])
    # symmetric normalization D^-1/2 (A+I) D^-1/2
    deg = jnp.zeros((n,), dtype=x.dtype).at[dst].add(1.0)
    deg_inv_sqrt = jnp.where(deg > 0, deg ** -0.5, 0.0)
    norm = deg_inv_sqrt[src] * deg_inv_sqrt[dst]
    msg = x[src] * norm[:, None]
    out = jnp.zeros((n, x.shape[1]), dtype=x.dtype).at[dst].add(msg)
    return out + b


def setup_inputs(seed: int = 0) -> dict:
    key = jax.random.key(seed)
    k_x, k_e, k1, k2, k3 = jax.random.split(key, 5)
    x = jax.random.normal(k_x, (N_NODES, D_FEAT), dtype=jnp.float32)
    edge_index = jax.random.randint(k_e, (2, N_EDGES), 0, N_NODES, dtype=jnp.int64)
    s1 = 1.0 / np.sqrt(D_FEAT)
    s2 = 1.0 / np.sqrt(D_HID)
    W1 = jax.random.uniform(k1, (D_FEAT, D_HID), jnp.float32, -s1, s1)
    b1 = jnp.zeros((D_HID,), jnp.float32)
    W2 = jax.random.uniform(k2, (D_HID, D_HID), jnp.float32, -s2, s2)
    b2 = jnp.zeros((D_HID,), jnp.float32)
    W3 = jax.random.uniform(k3, (D_HID, D_HID), jnp.float32, -s2, s2)
    b3 = jnp.zeros((D_HID,), jnp.float32)
    return {"x": x, "edge_index": edge_index, "W1": W1, "b1": b1, "W2": W2, "b2": b2, "W3": W3, "b3": b3}


def reference(x, edge_index, W1, b1, W2, b2, W3, b3):
    # eval mode: dropout is identity; skip1 is Identity since num_features == hidden_channels
    residual = x
    h = gcn_conv(x, edge_index, W1, b1)
    h = jax.nn.relu(h + residual)
    residual = h
    h2 = gcn_conv(h, edge_index, W2, b2)
    h2 = jax.nn.relu(h2 + residual)
    residual = h2
    h3 = gcn_conv(h2, edge_index, W3, b3)
    h3 = jax.nn.relu(h3 + residual)
    return h3

if __name__ == "__main__":
    import jax
    _d = setup_inputs()
    print(jax.jit(kernel)(*tuple(_d.values())))

</pallas_src>

<mosaic_0001>
#map = affine_map<(d0, d1) -> (0, 0, 0)>
#map1 = affine_map<(d0, d1) -> (0, 0)>
module attributes {stable_mosaic.version = 14 : i64} {
  func.func @deg_kernel(%arg0: i32, %arg1: i32, %arg2: memref<32x80x128xi32, #tpu.memory_space<hbm>>, %arg3: memref<128x128xf32, #tpu.memory_space<hbm>>, %arg4: memref<10048x128xf32, #tpu.memory_space<hbm>>, %arg5: memref<2x10048x128xf32, #tpu.memory_space<hbm>>, %arg6: memref<80x128xi32, #tpu.memory_space<vmem>>, %arg7: memref<128x128xf32, #tpu.memory_space<vmem>>, %arg8: memref<10048x128xf32, #tpu.memory_space<vmem_shared>>) attributes {dimension_semantics = [#tpu.dimension_semantics<core_parallel>, #tpu.dimension_semantics<subcore_parallel>], iteration_bounds = array<i64: 2, 16>, scalar_prefetch = 0 : i64, scratch_operands = 3 : i64, tpu.core_type = #tpu.core_type<sc_vector_subcore>, window_params = [{transform_indices = #map}, {transform_indices = #map1}, {transform_indices = #map1}, {transform_indices = #map}]} {
    %mul3A = arith.constant 16 : i32
    %mul3A_0 = arith.muli %arg0, %mul3A : i32
    %add3A = arith.addi %mul3A_0, %arg1 : i32
    %mul3A_1 = arith.constant 632 : i32
    %mul3A_2 = arith.muli %arg1, %mul3A_1 : i32
    %lt3A = arith.constant 15 : i32
    %lt3A_3 = arith.cmpi slt, %arg1, %lt3A : i32
    %convert_element_type3A = arith.extui %lt3A_3 : i1 to i32
    %cond3A = arith.constant 0 : i32
    %cond3A_4 = arith.cmpi ne, %convert_element_type3A, %cond3A : i32
    scf.if %cond3A_4 {
      "tpu.region"() ({
        %run_scoped3A = tpu.sem_alloc : memref<!tpu.dma_semaphore, #tpu.memory_space<semaphore_mem>>
        %dma_start3A = arith.constant 0 : i32
        %dma_start3A_26 = tpu.memref_slice %arg8[%mul3A_2, %dma_start3A] : memref<10048x128xf32, #tpu.memory_space<vmem_shared>> -> memref<632x128xf32, #tpu.memory_space<vmem_shared>>
        %dma_start3A_27 = arith.constant 0 : i32
        %dma_start3A_28 = tpu.memref_slice %arg4[%mul3A_2, %dma_start3A_27] : memref<10048x128xf32, #tpu.memory_space<hbm>> -> memref<632x128xf32, #tpu.memory_space<hbm>>
        tpu.enqueue_dma source(%dma_start3A_28 : memref<632x128xf32, #tpu.memory_space<hbm>>) target(%dma_start3A_26 : memref<632x128xf32, #tpu.memory_space<vmem_shared>>) target_semaphore(%run_scoped3A : memref<!tpu.dma_semaphore, #tpu.memory_space<semaphore_mem>>)
        %dma_wait3A = arith.constant 0 : i32
        %dma_wait3A_29 = tpu.memref_slice %arg8[%mul3A_2, %dma_wait3A] : memref<10048x128xf32, #tpu.memory_space<vmem_shared>> -> memref<632x128xf32, #tpu.memory_space<vmem_shared>>
        %dma_wait3A_30 = arith.constant 0 : i32
        %dma_wait3A_31 = tpu.memref_slice %arg4[%mul3A_2, %dma_wait3A_30] : memref<10048x128xf32, #tpu.memory_space<hbm>> -> memref<632x128xf32, #tpu.memory_space<hbm>>
        tpu.wait_dma2 semaphore(%run_scoped3A : memref<!tpu.dma_semaphore, #tpu.memory_space<semaphore_mem>>) src(%dma_wait3A_31 : memref<632x128xf32, #tpu.memory_space<hbm>>) dst(%dma_wait3A_29 : memref<632x128xf32, #tpu.memory_space<vmem_shared>>)
        tpu.yield
      }) : () -> ()
    } else {
    }
    %eq3A = arith.constant 15 : i32
    %eq3A_5 = arith.cmpi eq, %arg1, %eq3A : i32
    %convert_element_type3A_6 = arith.extui %eq3A_5 : i1 to i32
    %cond3A_7 = arith.constant 0 : i32
    %cond3A_8 = arith.cmpi ne, %convert_element_type3A_6, %cond3A_7 : i32
    scf.if %cond3A_8 {
      "tpu.region"() ({
        %run_scoped3A = tpu.sem_alloc : memref<!tpu.dma_semaphore, #tpu.memory_space<semaphore_mem>>
        %dma_start3A = arith.constant 0 : i32
        %dma_start3A_26 = tpu.memref_slice %arg8[%mul3A_2, %dma_start3A] : memref<10048x128xf32, #tpu.memory_space<vmem_shared>> -> memref<568x128xf32, #tpu.memory_space<vmem_shared>>
        %dma_start3A_27 = arith.constant 0 : i32
        %dma_start3A_28 = tpu.memref_slice %arg4[%mul3A_2, %dma_start3A_27] : memref<10048x128xf32, #tpu.memory_space<hbm>> -> memref<568x128xf32, #tpu.memory_space<hbm>>
        tpu.enqueue_dma source(%dma_start3A_28 : memref<568x128xf32, #tpu.memory_space<hbm>>) target(%dma_start3A_26 : memref<568x128xf32, #tpu.memory_space<vmem_shared>>) target_semaphore(%run_scoped3A : memref<!tpu.dma_semaphore, #tpu.memory_space<semaphore_mem>>)
        %dma_wait3A = arith.constant 0 : i32
        %dma_wait3A_29 = tpu.memref_slice %arg8[%mul3A_2, %dma_wait3A] : memref<10048x128xf32, #tpu.memory_space<vmem_shared>> -> memref<568x128xf32, #tpu.memory_space<vmem_shared>>
        %dma_wait3A_30 = arith.constant 0 : i32
        %dma_wait3A_31 = tpu.memref_slice %arg4[%mul3A_2, %dma_wait3A_30] : memref<10048x128xf32, #tpu.memory_space<hbm>> -> memref<568x128xf32, #tpu.memory_space<hbm>>
        tpu.wait_dma2 semaphore(%run_scoped3A : memref<!tpu.dma_semaphore, #tpu.memory_space<semaphore_mem>>) src(%dma_wait3A_31 : memref<568x128xf32, #tpu.memory_space<hbm>>) dst(%dma_wait3A_29 : memref<568x128xf32, #tpu.memory_space<vmem_shared>>)
        tpu.yield
      }) : () -> ()
    } else {
    }
    "tpu.region"() ({
      %run_scoped3A = tpu.sem_alloc : memref<!tpu.dma_semaphore, #tpu.memory_space<semaphore_mem>>
      %dma_start3A = arith.constant 0 : i32
      %dma_start3A_26 = arith.constant 0 : i32
      %dma_start3A_27 = tpu.memref_slice %arg2[%add3A, %dma_start3A, %dma_start3A_26] : memref<32x80x128xi32, #tpu.memory_space<hbm>> -> memref<1x80x128xi32, #tpu.memory_space<hbm>>
      %dma_start3A_28 = tpu.memref_squeeze %dma_start3A_27 : memref<1x80x128xi32, #tpu.memory_space<hbm>> -> memref<80x128xi32, #tpu.memory_space<hbm>>
      %dma_start3A_29 = arith.constant 0 : i32
      %dma_start3A_30 = arith.constant 0 : i32
      %dma_start3A_31 = tpu.memref_slice %arg2[%add3A, %dma_start3A_29, %dma_start3A_30] : memref<32x80x128xi32, #tpu.memory_space<hbm>> -> memref<1x80x128xi32, #tpu.memory_space<hbm>>
      %dma_start3A_32 = tpu.memref_squeeze %dma_start3A_31 : memref<1x80x128xi32, #tpu.memory_space<hbm>> -> memref<80x128xi32, #tpu.memory_space<hbm>>
      tpu.enqueue_dma source(%dma_start3A_32 : memref<80x128xi32, #tpu.memory_space<hbm>>) target(%arg6 : memref<80x128xi32, #tpu.memory_space<vmem>>) target_semaphore(%run_scoped3A : memref<!tpu.dma_semaphore, #tpu.memory_space<semaphore_mem>>)
      %dma_wait3A = arith.constant 0 : i32
      %dma_wait3A_33 = arith.constant 0 : i32
      %dma_wait3A_34 = tpu.memref_slice %arg2[%add3A, %dma_wait3A, %dma_wait3A_33] : memref<32x80x128xi32, #tpu.memory_space<hbm>> -> memref<1x80x128xi32, #tpu.memory_space<hbm>>
      %dma_wait3A_35 = tpu.memref_squeeze %dma_wait3A_34 : memref<1x80x128xi32, #tpu.memory_space<hbm>> -> memref<80x128xi32, #tpu.memory_space<hbm>>
      %dma_wait3A_36 = arith.constant 0 : i32
      %dma_wait3A_37 = arith.constant 0 : i32
      %dma_wait3A_38 = tpu.memref_slice %arg2[%add3A, %dma_wait3A_36, %dma_wait3A_37] : memref<32x80x128xi32, #tpu.memory_space<hbm>> -> memref<1x80x128xi32, #tpu.memory_space<hbm>>
      %dma_wait3A_39 = tpu.memref_squeeze %dma_wait3A_38 : memref<1x80x128xi32, #tpu.memory_space<hbm>> -> memref<80x128xi32, #tpu.memory_space<hbm>>
      tpu.wait_dma2 semaphore(%run_scoped3A : memref<!tpu.dma_semaphore, #tpu.memory_space<semaphore_mem>>) src(%dma_wait3A_39 : memref<80x128xi32, #tpu.memory_space<hbm>>) dst(%arg6 : memref<80x128xi32, #tpu.memory_space<vmem>>)
      tpu.yield
    }) : () -> ()
    "tpu.region"() ({
      %run_scoped3A = tpu.sem_alloc : memref<!tpu.dma_semaphore, #tpu.memory_space<semaphore_mem>>
      tpu.enqueue_dma source(%arg3 : memref<128x128xf32, #tpu.memory_space<hbm>>) target(%arg7 : memref<128x128xf32, #tpu.memory_space<vmem>>) target_semaphore(%run_scoped3A : memref<!tpu.dma_semaphore, #tpu.memory_space<semaphore_mem>>)
      tpu.wait_dma2 semaphore(%run_scoped3A : memref<!tpu.dma_semaphore, #tpu.memory_space<semaphore_mem>>) src(%arg3 : memref<128x128xf32, #tpu.memory_space<hbm>>) dst(%arg7 : memref<128x128xf32, #tpu.memory_space<vmem>>)
      tpu.yield
    }) : () -> ()
    %barrier3A = arith.constant 0 : index
    tpu.barrier barrier_id(%barrier3A)
    %scan3A = arith.constant 0 : i32
    %scan3A_9 = arith.constant 80 : i32
    %scan3A_10 = arith.addi %scan3A, %scan3A_9 : i32
    %scan3A_11 = arith.constant 1 : i32
    scf.for %scan3A_26 = %scan3A to %scan3A_10 step %scan3A_11  : i32 {
      %mul3A_27 = arith.constant 1 : i32
      %mul3A_28 = arith.muli %scan3A_26, %mul3A_27 : i32
      %add3A_29 = arith.constant 0 : i32
      %add3A_30 = arith.addi %add3A_29, %mul3A_28 : i32
      "tpu.region"() ({
        %run_scoped3A = tpu.sem_alloc : memref<!tpu.dma_semaphore, #tpu.memory_space<semaphore_mem>>
        %dma_start3A = arith.constant 0 : i32
        %dma_start3A_31 = tpu.memref_slice %arg6[%add3A_30, %dma_start3A] : memref<80x128xi32, #tpu.memory_space<vmem>> -> memref<1x128xi32, #tpu.memory_space<vmem>>
        %dma_start3A_32 = tpu.memref_squeeze %dma_start3A_31 : memref<1x128xi32, #tpu.memory_space<vmem>> -> memref<128xi32, #tpu.memory_space<vmem>>
        %dma_start3A_33 = arith.constant 0 : i32
        %dma_start3A_34 = arith.constant 0 : i32
        %dma_start3A_35 = tpu.memref_slice %arg8[%dma_start3A_33, %dma_start3A_34] : memref<10048x128xf32, #tpu.memory_space<vmem_shared>> -> memref<10048x128xf32, #tpu.memory_space<vmem_shared>>
        tpu.enqueue_indirect_dma source(%arg7 : memref<128x128xf32, #tpu.memory_space<vmem>>) target(%dma_start3A_35 : memref<10048x128xf32, #tpu.memory_space<vmem_shared>>) offsets(%dma_start3A_32 : memref<128xi32, #tpu.memory_space<vmem>>) semaphore(%run_scoped3A : memref<!tpu.dma_semaphore, #tpu.memory_space<semaphore_mem>>) {add = true}
        %dma_wait3A = arith.constant 0 : i32
        %dma_wait3A_36 = tpu.memref_slice %arg6[%add3A_30, %dma_wait3A] : memref<80x128xi32, #tpu.memory_space<vmem>> -> memref<1x128xi32, #tpu.memory_space<vmem>>
        %dma_wait3A_37 = tpu.memref_squeeze %dma_wait3A_36 : memref<1x128xi32, #tpu.memory_space<vmem>> -> memref<128xi32, #tpu.memory_space<vmem>>
        %dma_wait3A_38 = arith.constant 0 : i32
        %dma_wait3A_39 = arith.constant 0 : i32
        %dma_wait3A_40 = tpu.memref_slice %arg8[%dma_wait3A_38, %dma_wait3A_39] : memref<10048x128xf32, #tpu.memory_space<vmem_shared>> -> memref<10048x128xf32, #tpu.memory_space<vmem_shared>>
        tpu.wait_indirect_dma semaphore(%run_scoped3A : memref<!tpu.dma_semaphore, #tpu.memory_space<semaphore_mem>>) src(%arg7 : memref<128x128xf32, #tpu.memory_space<vmem>>) dst(%dma_wait3A_40 : memref<10048x128xf32, #tpu.memory_space<vmem_shared>>)
        tpu.yield
      }) : () -> ()
    }
    %scan3A_12 = arith.constant 80 : i32
    %barrier3A_13 = arith.constant 0 : index
    tpu.barrier barrier_id(%barrier3A_13)
    %mul3A_14 = arith.constant 632 : i32
    %mul3A_15 = arith.muli %arg1, %mul3A_14 : i32
    %lt3A_16 = arith.constant 15 : i32
    %lt3A_17 = arith.cmpi slt, %arg1, %lt3A_16 : i32
    %convert_element_type3A_18 = arith.extui %lt3A_17 : i1 to i32
    %cond3A_19 = arith.constant 0 : i32
    %cond3A_20 = arith.cmpi ne, %convert_element_type3A_18, %cond3A_19 : i32
    scf.if %cond3A_20 {
      "tpu.region"() ({
        %run_scoped3A = tpu.sem_alloc : memref<!tpu.dma_semaphore, #tpu.memory_space<semaphore_mem>>
        %dma_start3A = arith.constant 0 : i32
        %dma_start3A_26 = arith.constant 0 : i32
        %dma_start3A_27 = tpu.memref_slice %arg5[%arg0, %dma_start3A, %dma_start3A_26] : memref<2x10048x128xf32, #tpu.memory_space<hbm>> -> memref<1x10048x128xf32, #tpu.memory_space<hbm>>
        %dma_start3A_28 = tpu.memref_squeeze %dma_start3A_27 : memref<1x10048x128xf32, #tpu.memory_space<hbm>> -> memref<10048x128xf32, #tpu.memory_space<hbm>>
        %dma_start3A_29 = arith.constant 0 : i32
        %dma_start3A_30 = tpu.memref_slice %dma_start3A_28[%mul3A_15, %dma_start3A_29] : memref<10048x128xf32, #tpu.memory_space<hbm>> -> memref<632x128xf32, #tpu.memory_space<hbm>>
        %dma_start3A_31 = arith.constant 0 : i32
        %dma_start3A_32 = tpu.memref_slice %arg8[%mul3A_15, %dma_start3A_31] : memref<10048x128xf32, #tpu.memory_space<vmem_shared>> -> memref<632x128xf32, #tpu.memory_space<vmem_shared>>
        tpu.enqueue_dma source(%dma_start3A_32 : memref<632x128xf32, #tpu.memory_space<vmem_shared>>) target(%dma_start3A_30 : memref<632x128xf32, #tpu.memory_space<hbm>>) target_semaphore(%run_scoped3A : memref<!tpu.dma_semaphore, #tpu.memory_space<semaphore_mem>>)
        %dma_wait3A = arith.constant 0 : i32
        %dma_wait3A_33 = arith.constant 0 : i32
        %dma_wait3A_34 = tpu.memref_slice %arg5[%arg0, %dma_wait3A, %dma_wait3A_33] : memref<2x10048x128xf32, #tpu.memory_space<hbm>> -> memref<1x10048x128xf32, #tpu.memory_space<hbm>>
        %dma_wait3A_35 = tpu.memref_squeeze %dma_wait3A_34 : memref<1x10048x128xf32, #tpu.memory_space<hbm>> -> memref<10048x128xf32, #tpu.memory_space<hbm>>
        %dma_wait3A_36 = arith.constant 0 : i32
        %dma_wait3A_37 = tpu.memref_slice %dma_wait3A_35[%mul3A_15, %dma_wait3A_36] : memref<10048x128xf32, #tpu.memory_space<hbm>> -> memref<632x128xf32, #tpu.memory_space<hbm>>
        %dma_wait3A_38 = arith.constant 0 : i32
        %dma_wait3A_39 = tpu.memref_slice %arg8[%mul3A_15, %dma_wait3A_38] : memref<10048x128xf32, #tpu.memory_space<vmem_shared>> -> memref<632x128xf32, #tpu.memory_space<vmem_shared>>
        tpu.wait_dma2 semaphore(%run_scoped3A : memref<!tpu.dma_semaphore, #tpu.memory_space<semaphore_mem>>) src(%dma_wait3A_39 : memref<632x128xf32, #tpu.memory_space<vmem_shared>>) dst(%dma_wait3A_37 : memref<632x128xf32, #tpu.memory_space<hbm>>)
        tpu.yield
      }) : () -> ()
    } else {
    }
    %eq3A_21 = arith.constant 15 : i32
    %eq3A_22 = arith.cmpi eq, %arg1, %eq3A_21 : i32
    %convert_element_type3A_23 = arith.extui %eq3A_22 : i1 to i32
    %cond3A_24 = arith.constant 0 : i32
    %cond3A_25 = arith.cmpi ne, %convert_element_type3A_23, %cond3A_24 : i32
    scf.if %cond3A_25 {
      "tpu.region"() ({
        %run_scoped3A = tpu.sem_alloc : memref<!tpu.dma_semaphore, #tpu.memory_space<semaphore_mem>>
        %dma_start3A = arith.constant 0 : i32
        %dma_start3A_26 = arith.constant 0 : i32
        %dma_start3A_27 = tpu.memref_slice %arg5[%arg0, %dma_start3A, %dma_start3A_26] : memref<2x10048x128xf32, #tpu.memory_space<hbm>> -> memref<1x10048x128xf32, #tpu.memory_space<hbm>>
        %dma_start3A_28 = tpu.memref_squeeze %dma_start3A_27 : memref<1x10048x128xf32, #tpu.memory_space<hbm>> -> memref<10048x128xf32, #tpu.memory_space<hbm>>
        %dma_start3A_29 = arith.constant 0 : i32
        %dma_start3A_30 = tpu.memref_slice %dma_start3A_28[%mul3A_15, %dma_start3A_29] : memref<10048x128xf32, #tpu.memory_space<hbm>> -> memref<568x128xf32, #tpu.memory_space<hbm>>
        %dma_start3A_31 = arith.constant 0 : i32
        %dma_start3A_32 = tpu.memref_slice %arg8[%mul3A_15, %dma_start3A_31] : memref<10048x128xf32, #tpu.memory_space<vmem_shared>> -> memref<568x128xf32, #tpu.memory_space<vmem_shared>>
        tpu.enqueue_dma source(%dma_start3A_32 : memref<568x128xf32, #tpu.memory_space<vmem_shared>>) target(%dma_start3A_30 : memref<568x128xf32, #tpu.memory_space<hbm>>) target_semaphore(%run_scoped3A : memref<!tpu.dma_semaphore, #tpu.memory_space<semaphore_mem>>)
        %dma_wait3A = arith.constant 0 : i32
        %dma_wait3A_33 = arith.constant 0 : i32
        %dma_wait3A_34 = tpu.memref_slice %arg5[%arg0, %dma_wait3A, %dma_wait3A_33] : memref<2x10048x128xf32, #tpu.memory_space<hbm>> -> memref<1x10048x128xf32, #tpu.memory_space<hbm>>
        %dma_wait3A_35 = tpu.memref_squeeze %dma_wait3A_34 : memref<1x10048x128xf32, #tpu.memory_space<hbm>> -> memref<10048x128xf32, #tpu.memory_space<hbm>>
        %dma_wait3A_36 = arith.constant 0 : i32
        %dma_wait3A_37 = tpu.memref_slice %dma_wait3A_35[%mul3A_15, %dma_wait3A_36] : memref<10048x128xf32, #tpu.memory_space<hbm>> -> memref<568x128xf32, #tpu.memory_space<hbm>>
        %dma_wait3A_38 = arith.constant 0 : i32
        %dma_wait3A_39 = tpu.memref_slice %arg8[%mul3A_15, %dma_wait3A_38] : memref<10048x128xf32, #tpu.memory_space<vmem_shared>> -> memref<568x128xf32, #tpu.memory_space<vmem_shared>>
        tpu.wait_dma2 semaphore(%run_scoped3A : memref<!tpu.dma_semaphore, #tpu.memory_space<semaphore_mem>>) src(%dma_wait3A_39 : memref<568x128xf32, #tpu.memory_space<vmem_shared>>) dst(%dma_wait3A_37 : memref<568x128xf32, #tpu.memory_space<hbm>>)
        tpu.yield
      }) : () -> ()
    } else {
    }
    return
  }
}

#map = affine_map<(d0, d1) -> (0, 0)>
module attributes {stable_mosaic.version = 14 : i64} {
  func.func @scat_kernel(%arg0: i32, %arg1: i32, %arg2: memref<10000x128xf32, #tpu.memory_space<hbm>>, %arg3: memref<2560x128xi32, #tpu.memory_space<hbm>>, %arg4: memref<10048x128xf32, #tpu.memory_space<hbm>>, %arg5: memref<10048x128xf32, #tpu.memory_space<hbm>>, %arg6: memref<80x128xi32, #tpu.memory_space<vmem>>, %arg7: memref<4x128xi32, #tpu.memory_space<vmem>>, %arg8: memref<128x128xf32, #tpu.memory_space<vmem>>, %arg9: memref<128x128xf32, #tpu.memory_space<vmem>>, %arg10: memref<10048x128xf32, #tpu.memory_space<vmem_shared>>, %arg11: memref<!tpu.dma_semaphore, #tpu.memory_space<semaphore_mem>>, %arg12: memref<!tpu.dma_semaphore, #tpu.memory_space<semaphore_mem>>) attributes {dimension_semantics = [#tpu.dimension_semantics<core_parallel>, #tpu.dimension_semantics<subcore_parallel>], iteration_bounds = array<i64: 2, 16>, scalar_prefetch = 0 : i64, scratch_operands = 7 : i64, tpu.core_type = #tpu.core_type<sc_vector_subcore>, window_params = [{transform_indices = #map}, {transform_indices = #map}, {transform_indices = #map}, {transform_indices = #map}]} {
    %eq3A = arith.constant 0 : i32
    %eq3A_0 = arith.cmpi eq, %arg0, %eq3A : i32
    %convert_element_type3A = arith.extui %eq3A_0 : i1 to i32
    %cond3A = arith.constant 0 : i32
    %cond3A_1 = arith.cmpi ne, %convert_element_type3A, %cond3A : i32
    scf.if %cond3A_1 {
      %mul3A = arith.constant 632 : i32
      %mul3A_2 = arith.muli %arg1, %mul3A : i32
      %lt3A = arith.constant 15 : i32
      %lt3A_3 = arith.cmpi slt, %arg1, %lt3A : i32
      %convert_element_type3A_4 = arith.extui %lt3A_3 : i1 to i32
      %cond3A_5 = arith.constant 0 : i32
      %cond3A_6 = arith.cmpi ne, %convert_element_type3A_4, %cond3A_5 : i32
      scf.if %cond3A_6 {
        "tpu.region"() ({
          %run_scoped3A_830 = tpu.sem_alloc : memref<!tpu.dma_semaphore, #tpu.memory_space<semaphore_mem>>
          %dma_start3A_831 = arith.constant 0 : i32
          %dma_start3A_832 = tpu.memref_slice %arg10[%mul3A_2, %dma_start3A_831] : memref<10048x128xf32, #tpu.memory_space<vmem_shared>> -> memref<632x128xf32, #tpu.memory_space<vmem_shared>>
          %dma_start3A_833 = arith.constant 0 : i32
          %dma_start3A_834 = tpu.memref_slice %arg4[%mul3A_2, %dma_start3A_833] : memref<10048x128xf32, #tpu.memory_space<hbm>> -> memref<632x128xf32, #tpu.memory_space<hbm>>
          tpu.enqueue_dma source(%dma_start3A_834 : memref<632x128xf32, #tpu.memory_space<hbm>>) target(%dma_start3A_832 : memref<632x128xf32, #tpu.memory_space<vmem_shared>>) target_semaphore(%run_scoped3A_830 : memref<!tpu.dma_semaphore, #tpu.memory_space<semaphore_mem>>)
          %dma_wait3A_835 = arith.constant 0 : i32
          %dma_wait3A_836 = tpu.memref_slice %arg10[%mul3A_2, %dma_wait3A_835] : memref<10048x128xf32, #tpu.memory_space<vmem_shared>> -> memref<632x128xf32, #tpu.memory_space<vmem_shared>>
          %dma_wait3A_837 = arith.constant 0 : i32
          %dma_wait3A_838 = tpu.memref_slice %arg4[%mul3A_2, %dma_wait3A_837] : memref<10048x128xf32, #tpu.memory_space<hbm>> -> memref<632x128xf32, #tpu.memory_space<hbm>>
          tpu.wait_dma2 semaphore(%run_scoped3A_830 : memref<!tpu.dma_semaphore, #tpu.memory_space<semaphore_mem>>) src(%dma_wait3A_838 : memref<632x128xf32, #tpu.memory_space<hbm>>) dst(%dma_wait3A_836 : memref<632x128xf32, #tpu.memory_space<vmem_shared>>)
          tpu.yield
        }) : () -> ()
      } else {
      }
      %eq3A_7 = arith.constant 15 : i32
      %eq3A_8 = arith.cmpi eq, %arg1, %eq3A_7 : i32
      %convert_element_type3A_9 = arith.extui %eq3A_8 : i1 to i32
      %cond3A_10 = arith.constant 0 : i32
      %cond3A_11 = arith.cmpi ne, %convert_element_type3A_9, %cond3A_10 : i32
      scf.if %cond3A_11 {
        "tpu.region"() ({
          %run_scoped3A_830 = tpu.sem_alloc : memref<!tpu.dma_semaphore, #tpu.memory_space<semaphore_mem>>
          %dma_start3A_831 = arith.constant 0 : i32
          %dma_start3A_832 = tpu.memref_slice %arg10[%mul3A_2, %dma_start3A_831] : memref<10048x128xf32, #tpu.memory_space<vmem_shared>> -> memref<568x128xf32, #tpu.memory_space<vmem_shared>>
          %dma_start3A_833 = arith.constant 0 : i32
          %dma_start3A_834 = tpu.memref_slice %arg4[%mul3A_2, %dma_start3A_833] : memref<10048x128xf32, #tpu.memory_space<hbm>> -> memref<568x128xf32, #tpu.memory_space<hbm>>
          tpu.enqueue_dma source(%dma_start3A_834 : memref<568x128xf32, #tpu.memory_space<hbm>>) target(%dma_start3A_832 : memref<568x128xf32, #tpu.memory_space<vmem_shared>>) target_semaphore(%run_scoped3A_830 : memref<!tpu.dma_semaphore, #tpu.memory_space<semaphore_mem>>)
          %dma_wait3A_835 = arith.constant 0 : i32
          %dma_wait3A_836 = tpu.memref_slice %arg10[%mul3A_2, %dma_wait3A_835] : memref<10048x128xf32, #tpu.memory_space<vmem_shared>> -> memref<568x128xf32, #tpu.memory_space<vmem_shared>>
          %dma_wait3A_837 = arith.constant 0 : i32
          %dma_wait3A_838 = tpu.memref_slice %arg4[%mul3A_2, %dma_wait3A_837] : memref<10048x128xf32, #tpu.memory_space<hbm>> -> memref<568x128xf32, #tpu.memory_space<hbm>>
          tpu.wait_dma2 semaphore(%run_scoped3A_830 : memref<!tpu.dma_semaphore, #tpu.memory_space<semaphore_mem>>) src(%dma_wait3A_838 : memref<568x128xf32, #tpu.memory_space<hbm>>) dst(%dma_wait3A_836 : memref<568x128xf32, #tpu.memory_space<vmem_shared>>)
          tpu.yield
        }) : () -> ()
      } else {
      }
      %barrier3A = arith.constant 0 : index
      tpu.barrier barrier_id(%barrier3A)
      %mul3A_12 = arith.constant 160 : i32
      %mul3A_13 = arith.muli %arg1, %mul3A_12 : i32
      %add3A = arith.constant 0 : i32
      %add3A_14 = arith.addi %mul3A_13, %add3A : i32
      "tpu.region"() ({
        %run_scoped3A_830 = tpu.sem_alloc : memref<!tpu.dma_semaphore, #tpu.memory_space<semaphore_mem>>
        %dma_start3A_831 = arith.constant 0 : i32
        %dma_start3A_832 = tpu.memref_slice %arg3[%add3A_14, %dma_start3A_831] : memref<2560x128xi32, #tpu.memory_space<hbm>> -> memref<80x128xi32, #tpu.memory_space<hbm>>
        %dma_start3A_833 = arith.constant 0 : i32
        %dma_start3A_834 = tpu.memref_slice %arg3[%add3A_14, %dma_start3A_833] : memref<2560x128xi32, #tpu.memory_space<hbm>> -> memref<80x128xi32, #tpu.memory_space<hbm>>
        tpu.enqueue_dma source(%dma_start3A_834 : memref<80x128xi32, #tpu.memory_space<hbm>>) target(%arg6 : memref<80x128xi32, #tpu.memory_space<vmem>>) target_semaphore(%run_scoped3A_830 : memref<!tpu.dma_semaphore, #tpu.memory_space<semaphore_mem>>)
        %dma_wait3A_835 = arith.constant 0 : i32
        %dma_wait3A_836 = tpu.memref_slice %arg3[%add3A_14, %dma_wait3A_835] : memref<2560x128xi32, #tpu.memory_space<hbm>> -> memref<80x128xi32, #tpu.memory_space<hbm>>
        %dma_wait3A_837 = arith.constant 0 : i32
        %dma_wait3A_838 = tpu.memref_slice %arg3[%add3A_14, %dma_wait3A_837] : memref<2560x128xi32, #tpu.memory_space<hbm>> -> memref<80x128xi32, #tpu.memory_space<hbm>>
        tpu.wait_dma2 semaphore(%run_scoped3A_830 : memref<!tpu.dma_semaphore, #tpu.memory_space<semaphore_mem>>) src(%dma_wait3A_838 : memref<80x128xi32, #tpu.memory_space<hbm>>) dst(%arg6 : memref<80x128xi32, #tpu.memory_space<vmem>>)
        tpu.yield
      }) : () -> ()
      %get3A = arith.constant 0 : i32
      %get3A_15 = arith.index_cast %get3A : i32 to index
      %get3A_16 = arith.constant 0 : index
      %get3A_17 = tpu.vector_load %arg6[%get3A_15, %get3A_16] {strides = array<i32>} : memref<80x128xi32, #tpu.memory_space<vmem>>, vector<1x16xi32>,
      %get3A_18 = vector.shape_cast %get3A_17 : vector<1x16xi32> to vector<16xi32>
      %and3A = arith.constant 16383 : i32
      %and3A_19 = vector.broadcast %and3A : i32 to vector<16xi32>
      %and3A_20 = arith.andi %get3A_18, %and3A_19 : vector<16xi32>
      %swap3A = arith.constant 0 : i32
      %swap3A_21 = arith.index_cast %swap3A : i32 to index
      %swap3A_22 = arith.constant 0 : index
      %swap3A_23 = tpu.vector_load %arg7[%swap3A_21, %swap3A_22] {strides = array<i32>} : memref<4x128xi32, #tpu.memory_space<vmem>>, vector<1x16xi32>,
      %swap3A_24 = vector.shape_cast %swap3A_23 : vector<1x16xi32> to vector<16xi32>
      %swap3A_25 = vector.shape_cast %and3A_20 : vector<16xi32> to vector<1x16xi32>
      tpu.vector_store %arg7[%swap3A_21, %swap3A_22], %swap3A_25 {strides = array<i32>} : memref<4x128xi32, #tpu.memory_space<vmem>>, vector<1x16xi32>,
      %shift_right_logical3A = arith.constant 14 : i32
      %shift_right_logical3A_26 = vector.broadcast %shift_right_logical3A : i32 to vector<16xi32>
      %shift_right_logical3A_27 = arith.shrui %get3A_18, %shift_right_logical3A_26 : vector<16xi32>
      %swap3A_28 = arith.constant 1 : i32
      %swap3A_29 = arith.index_cast %swap3A_28 : i32 to index
      %swap3A_30 = arith.constant 0 : index
      %swap3A_31 = tpu.vector_load %arg7[%swap3A_29, %swap3A_30] {strides = array<i32>} : memref<4x128xi32, #tpu.memory_space<vmem>>, vector<1x16xi32>,
      %swap3A_32 = vector.shape_cast %swap3A_31 : vector<1x16xi32> to vector<16xi32>
      %swap3A_33 = vector.shape_cast %shift_right_logical3A_27 : vector<16xi32> to vector<1x16xi32>
      tpu.vector_store %arg7[%swap3A_29, %swap3A_30], %swap3A_33 {strides = array<i32>} : memref<4x128xi32, #tpu.memory_space<vmem>>, vector<1x16xi32>,
      %get3A_34 = arith.constant 0 : i32
      %get3A_35 = arith.index_cast %get3A_34 : i32 to index
      %get3A_36 = arith.constant 16 : index
      %get3A_37 = tpu.vector_load %arg6[%get3A_35, %get3A_36] {strides = array<i32>} : memref<80x128xi32, #tpu.memory_space<vmem>>, vector<1x16xi32>,
      %get3A_38 = vector.shape_cast %get3A_37 : vector<1x16xi32> to vector<16xi32>
      %and3A_39 = arith.constant 16383 : i32
      %and3A_40 = vector.broadcast %and3A_39 : i32 to vector<16xi32>
      %and3A_41 = arith.andi %get3A_38, %and3A_40 : vector<16xi32>
      %swap3A_42 = arith.constant 0 : i32
      %swap3A_43 = arith.index_cast %swap3A_42 : i32 to index
      %swap3A_44 = arith.constant 16 : index
      %swap3A_45 = tpu.vector_load %arg7[%swap3A_43, %swap3A_44] {strides = array<i32>} : memref<4x128xi32, #tpu.memory_space<vmem>>, vector<1x16xi32>,
      %swap3A_46 = vector.shape_cast %swap3A_45 : vector<1x16xi32> to vector<16xi32>
      %swap3A_47 = vector.shape_cast %and3A_41 : vector<16xi32> to vector<1x16xi32>
      tpu.vector_store %arg7[%swap3A_43, %swap3A_44], %swap3A_47 {strides = array<i32>} : memref<4x128xi32, #tpu.memory_space<vmem>>, vector<1x16xi32>,
      %shift_right_logical3A_48 = arith.constant 14 : i32
      %shift_right_logical3A_49 = vector.broadcast %shift_right_logical3A_48 : i32 to vector<16xi32>
      %shift_right_logical3A_50 = arith.shrui %get3A_38, %shift_right_logical3A_49 : vector<16xi32>
      %swap3A_51 = arith.constant 1 : i32
      %swap3A_52 = arith.index_cast %swap3A_51 : i32 to index
      %swap3A_53 = arith.constant 16 : index
      %swap3A_54 = tpu.vector_load %arg7[%swap3A_52, %swap3A_53] {strides = array<i32>} : memref<4x128xi32, #tpu.memory_space<vmem>>, vector<1x16xi32>,
      %swap3A_55 = vector.shape_cast %swap3A_54 : vector<1x16xi32> to vector<16xi32>
      %swap3A_56 = vector.shape_cast %shift_right_logical3A_50 : vector<16xi32> to vector<1x16xi32>
      tpu.vector_store %arg7[%swap3A_52, %swap3A_53], %swap3A_56 {strides = array<i32>} : memref<4x128xi32, #tpu.memory_space<vmem>>, vector<1x16xi32>,
      %get3A_57 = arith.constant 0 : i32
      %get3A_58 = arith.index_cast %get3A_57 : i32 to index
      %get3A_59 = arith.constant 32 : index
      %get3A_60 = tpu.vector_load %arg6[%get3A_58, %get3A_59] {strides = array<i32>} : memref<80x128xi32, #tpu.memory_space<vmem>>, vector<1x16xi32>,
      %get3A_61 = vector.shape_cast %get3A_60 : vector<1x16xi32> to vector<16xi32>
      %and3A_62 = arith.constant 16383 : i32
      %and3A_63 = vector.broadcast %and3A_62 : i32 to vector<16xi32>
      %and3A_64 = arith.andi %get3A_61, %and3A_63 : vector<16xi32>
      %swap3A_65 = arith.constant 0 : i32
      %swap3A_66 = arith.index_cast %swap3A_65 : i32 to index
      %swap3A_67 = arith.constant 32 : index
      %swap3A_68 = tpu.vector_load %arg7[%swap3A_66, %swap3A_67] {strides = array<i32>} : memref<4x128xi32, #tpu.memory_space<vmem>>, vector<1x16xi32>,
      %swap3A_69 = vector.shape_cast %swap3A_68 : vector<1x16xi32> to vector<16xi32>
      %swap3A_70 = vector.shape_cast %and3A_64 : vector<16xi32> to vector<1x16xi32>
      tpu.vector_store %arg7[%swap3A_66, %swap3A_67], %swap3A_70 {strides = array<i32>} : memref<4x128xi32, #tpu.memory_space<vmem>>, vector<1x16xi32>,
      %shift_right_logical3A_71 = arith.constant 14 : i32
      %shift_right_logical3A_72 = vector.broadcast %shift_right_logical3A_71 : i32 to vector<16xi32>
      %shift_right_logical3A_73 = arith.shrui %get3A_61, %shift_right_logical3A_72 : vector<16xi32>
      %swap3A_74 = arith.constant 1 : i32
      %swap3A_75 = arith.index_cast %swap3A_74 : i32 to index
      %swap3A_76 = arith.constant 32 : index
      %swap3A_77 = tpu.vector_load %arg7[%swap3A_75, %swap3A_76] {strides = array<i32>} : memref<4x128xi32, #tpu.memory_space<vmem>>, vector<1x16xi32>,
      %swap3A_78 = vector.shape_cast %swap3A_77 : vector<1x16xi32> to vector<16xi32>
      %swap3A_79 = vector.shape_cast %shift_right_logical3A_73 : vector<16xi32> to vector<1x16xi32>
      tpu.vector_store %arg7[%swap3A_75, %swap3A_76], %swap3A_79 {strides = array<i32>} : memref<4x128xi32, #tpu.memory_space<vmem>>, vector<1x16xi32>,
      %get3A_80 = arith.constant 0 : i32
      %get3A_81 = arith.index_cast %get3A_80 : i32 to index
      %get3A_82 = arith.constant 48 : index
      %get3A_83 = tpu.vector_load %arg6[%get3A_81, %get3A_82] {strides = array<i32>} : memref<80x128xi32, #tpu.memory_space<vmem>>, vector<1x16xi32>,
      %get3A_84 = vector.shape_cast %get3A_83 : vector<1x16xi32> to vector<16xi32>
      %and3A_85 = arith.constant 16383 : i32
      %and3A_86 = vector.broadcast %and3A_85 : i32 to vector<16xi32>
      %and3A_87 = arith.andi %get3A_84, %and3A_86 : vector<16xi32>
      %swap3A_88 = arith.constant 0 : i32
      %swap3A_89 = arith.index_cast %swap3A_88 : i32 to index
      %swap3A_90 = arith.constant 48 : index
      %swap3A_91 = tpu.vector_load %arg7[%swap3A_89, %swap3A_90] {strides = array<i32>} : memref<4x128xi32, #tpu.memory_space<vmem>>, vector<1x16xi32>,
      %swap3A_92 = vector.shape_cast %swap3A_91 : vector<1x16xi32> to vector<16xi32>
      %swap3A_93 = vector.shape_cast %and3A_87 : vector<16xi32> to vector<1x16xi32>
      tpu.vector_store %arg7[%swap3A_89, %swap3A_90], %swap3A_93 {strides = array<i32>} : memref<4x128xi32, #tpu.memory_space<vmem>>, vector<1x16xi32>,
      %shift_right_logical3A_94 = arith.constant 14 : i32
      %shift_right_logical3A_95 = vector.broadcast %shift_right_logical3A_94 : i32 to vector<16xi32>
      %shift_right_logical3A_96 = arith.shrui %get3A_84, %shift_right_logical3A_95 : vector<16xi32>
      %swap3A_97 = arith.constant 1 : i32
      %swap3A_98 = arith.index_cast %swap3A_97 : i32 to index
      %swap3A_99 = arith.constant 48 : index
      %swap3A_100 = tpu.vector_load %arg7[%swap3A_98, %swap3A_99] {strides = array<i32>} : memref<4x128xi32, #tpu.memory_space<vmem>>, vector<1x16xi32>,
      %swap3A_101 = vector.shape_cast %swap3A_100 : vector<1x16xi32> to vector<16xi32>
      %swap3A_102 = vector.shape_cast %shift_right_logical3A_96 : vector<16xi32> to vector<1x16xi32>
      tpu.vector_store %arg7[%swap3A_98, %swap3A_99], %swap3A_102 {strides = array<i32>} : memref<4x128xi32, #tpu.memory_space<vmem>>, vector<1x16xi32>,
      %get3A_103 = arith.constant 0 : i32
      %get3A_104 = arith.index_cast %get3A_103 : i32 to index
      %get3A_105 = arith.constant 64 : index
      %get3A_106 = tpu.vector_load %arg6[%get3A_104, %get3A_105] {strides = array<i32>} : memref<80x128xi32, #tpu.memory_space<vmem>>, vector<1x16xi32>,
      %get3A_107 = vector.shape_cast %get3A_106 : vector<1x16xi32> to vector<16xi32>
      %and3A_108 = arith.constant 16383 : i32
      %and3A_109 = vector.broadcast %and3A_108 : i32 to vector<16xi32>
      %and3A_110 = arith.andi %get3A_107, %and3A_109 : vector<16xi32>
      %swap3A_111 = arith.constant 0 : i32
      %swap3A_112 = arith.index_cast %swap3A_111 : i32 to index
      %swap3A_113 = arith.constant 64 : index
      %swap3A_114 = tpu.vector_load %arg7[%swap3A_112, %swap3A_113] {strides = array<i32>} : memref<4x128xi32, #tpu.memory_space<vmem>>, vector<1x16xi32>,
      %swap3A_115 = vector.shape_cast %swap3A_114 : vector<1x16xi32> to vector<16xi32>
      %swap3A_116 = vector.shape_cast %and3A_110 : vector<16xi32> to vector<1x16xi32>
      tpu.vector_store %arg7[%swap3A_112, %swap3A_113], %swap3A_116 {strides = array<i32>} : memref<4x128xi32, #tpu.memory_space<vmem>>, vector<1x16xi32>,
      %shift_right_logical3A_117 = arith.constant 14 : i32
      %shift_right_logical3A_118 = vector.broadcast %shift_right_logical3A_117 : i32 to vector<16xi32>
      %shift_right_logical3A_119 = arith.shrui %get3A_107, %shift_right_logical3A_118 : vector<16xi32>
      %swap3A_120 = arith.constant 1 : i32
      %swap3A_121 = arith.index_cast %swap3A_120 : i32 to index
      %swap3A_122 = arith.constant 64 : index
      %swap3A_123 = tpu.vector_load %arg7[%swap3A_121, %swap3A_122] {strides = array<i32>} : memref<4x128xi32, #tpu.memory_space<vmem>>, vector<1x16xi32>,
      %swap3A_124 = vector.shape_cast %swap3A_123 : vector<1x16xi32> to vector<16xi32>
      %swap3A_125 = vector.shape_cast %shift_right_logical3A_119 : vector<16xi32> to vector<1x16xi32>
      tpu.vector_store %arg7[%swap3A_121, %swap3A_122], %swap3A_125 {strides = array<i32>} : memref<4x128xi32, #tpu.memory_space<vmem>>, vector<1x16xi32>,
      %get3A_126 = arith.constant 0 : i32
      %get3A_127 = arith.index_cast %get3A_126 : i32 to index
      %get3A_128 = arith.constant 80 : index
      %get3A_129 = tpu.vector_load %arg6[%get3A_127, %get3A_128] {strides = array<i32>} : memref<80x128xi32, #tpu.memory_space<vmem>>, vector<1x16xi32>,
      %get3A_130 = vector.shape_cast %get3A_129 : vector<1x16xi32> to vector<16xi32>
      %and3A_131 = arith.constant 16383 : i32
      %and3A_132 = vector.broadcast %and3A_131 : i32 to vector<16xi32>
      %and3A_133 = arith.andi %get3A_130, %and3A_132 : vector<16xi32>
      %swap3A_134 = arith.constant 0 : i32
      %swap3A_135 = arith.index_cast %swap3A_134 : i32 to index
      %swap3A_136 = arith.constant 80 : index
      %swap3A_137 = tpu.vector_load %arg7[%swap3A_135, %swap3A_136] {strides = array<i32>} : memref<4x128xi32, #tpu.memory_space<vmem>>, vector<1x16xi32>,
      %swap3A_138 = vector.shape_cast %swap3A_137 : vector<1x16xi32> to vector<16xi32>
      %swap3A_139 = vector.shape_cast %and3A_133 : vector<16xi32> to vector<1x16xi32>
      tpu.vector_store %arg7[%swap3A_135, %swap3A_136], %swap3A_139 {strides = array<i32>} : memref<4x128xi32, #tpu.memory_space<vmem>>, vector<1x16xi32>,
      %shift_right_logical3A_140 = arith.constant 14 : i32
      %shift_right_logical3A_141 = vector.broadcast %shift_right_logical3A_140 : i32 to vector<16xi32>
      %shift_right_logical3A_142 = arith.shrui %get3A_130, %shift_right_logical3A_141 : vector<16xi32>
      %swap3A_143 = arith.constant 1 : i32
      %swap3A_144 = arith.index_cast %swap3A_143 : i32 to index
      %swap3A_145 = arith.constant 80 : index
      %swap3A_146 = tpu.vector_load %arg7[%swap3A_144, %swap3A_145] {strides = array<i32>} : memref<4x128xi32, #tpu.memory_space<vmem>>, vector<1x16xi32>,
      %swap3A_147 = vector.shape_cast %swap3A_146 : vector<1x16xi32> to vector<16xi32>
      %swap3A_148 = vector.shape_cast %shift_right_logical3A_142 : vector<16xi32> to vector<1x16xi32>
      tpu.vector_store %arg7[%swap3A_144, %swap3A_145], %swap3A_148 {strides = array<i32>} : memref<4x128xi32, #tpu.memory_space<vmem>>, vector<1x16xi32>,
      %get3A_149 = arith.constant 0 : i32
      %get3A_150 = arith.index_cast %get3A_149 : i32 to index
      %get3A_151 = arith.constant 96 : index
      %get3A_152 = tpu.vector_load %arg6[%get3A_150, %get3A_151] {strides = array<i32>} : memref<80x128xi32, #tpu.memory_space<vmem>>, vector<1x16xi32>,
      %get3A_153 = vector.shape_cast %get3A_152 : vector<1x16xi32> to vector<16xi32>
      %and3A_154 = arith.constant 16383 : i32
      %and3A_155 = vector.broadcast %and3A_154 : i32 to vector<16xi32>
      %and3A_156 = arith.andi %get3A_153, %and3A_155 : vector<16xi32>
      %swap3A_157 = arith.constant 0 : i32
      %swap3A_158 = arith.index_cast %swap3A_157 : i32 to index
      %swap3A_159 = arith.constant 96 : index
      %swap3A_160 = tpu.vector_load %arg7[%swap3A_158, %swap3A_159] {strides = array<i32>} : memref<4x128xi32, #tpu.memory_space<vmem>>, vector<1x16xi32>,
      %swap3A_161 = vector.shape_cast %swap3A_160 : vector<1x16xi32> to vector<16xi32>
      %swap3A_162 = vector.shape_cast %and3A_156 : vector<16xi32> to vector<1x16xi32>
      tpu.vector_store %arg7[%swap3A_158, %swap3A_159], %swap3A_162 {strides = array<i32>} : memref<4x128xi32, #tpu.memory_space<vmem>>, vector<1x16xi32>,
      %shift_right_logical3A_163 = arith.constant 14 : i32
      %shift_right_logical3A_164 = vector.broadcast %shift_right_logical3A_163 : i32 to vector<16xi32>
      %shift_right_logical3A_165 = arith.shrui %get3A_153, %shift_right_logical3A_164 : vector<16xi32>
      %swap3A_166 = arith.constant 1 : i32
      %swap3A_167 = arith.index_cast %swap3A_166 : i32 to index
      %swap3A_168 = arith.constant 96 : index
      %swap3A_169 = tpu.vector_load %arg7[%swap3A_167, %swap3A_168] {strides = array<i32>} : memref<4x128xi32, #tpu.memory_space<vmem>>, vector<1x16xi32>,
      %swap3A_170 = vector.shape_cast %swap3A_169 : vector<1x16xi32> to vector<16xi32>
      %swap3A_171 = vector.shape_cast %shift_right_logical3A_165 : vector<16xi32> to vector<1x16xi32>
      tpu.vector_store %arg7[%swap3A_167, %swap3A_168], %swap3A_171 {strides = array<i32>} : memref<4x128xi32, #tpu.memory_space<vmem>>, vector<1x16xi32>,
      %get3A_172 = arith.constant 0 : i32
      %get3A_173 = arith.index_cast %get3A_172 : i32 to index
      %get3A_174 = arith.constant 112 : index
      %get3A_175 = tpu.vector_load %arg6[%get3A_173, %get3A_174] {strides = array<i32>} : memref<80x128xi32, #tpu.memory_space<vmem>>, vector<1x16xi32>,
      %get3A_176 = vector.shape_cast %get3A_175 : vector<1x16xi32> to vector<16xi32>
      %and3A_177 = arith.constant 16383 : i32
      %and3A_178 = vector.broadcast %and3A_177 : i32 to vector<16xi32>
      %and3A_179 = arith.andi %get3A_176, %and3A_178 : vector<16xi32>
      %swap3A_180 = arith.constant 0 : i32
      %swap3A_181 = arith.index_cast %swap3A_180 : i32 to index
      %swap3A_182 = arith.constant 112 : index
      %swap3A_183 = tpu.vector_load %arg7[%swap3A_181, %swap3A_182] {strides = array<i32>} : memref<4x128xi32, #tpu.memory_space<vmem>>, vector<1x16xi32>,
      %swap3A_184 = vector.shape_cast %swap3A_183 : vector<1x16xi32> to vector<16xi32>
      %swap3A_185 = vector.shape_cast %and3A_179 : vector<16xi32> to vector<1x16xi32>
      tpu.vector_store %arg7[%swap3A_181, %swap3A_182], %swap3A_185 {strides = array<i32>} : memref<4x128xi32, #tpu.memory_space<vmem>>, vector<1x16xi32>,
      %shift_right_logical3A_186 = arith.constant 14 : i32
      %shift_right_logical3A_187 = vector.broadcast %shift_right_logical3A_186 : i32 to vector<16xi32>
      %shift_right_logical3A_188 = arith.shrui %get3A_176, %shift_right_logical3A_187 : vector<16xi32>
      %swap3A_189 = arith.constant 1 : i32
      %swap3A_190 = arith.index_cast %swap3A_189 : i32 to index
      %swap3A_191 = arith.constant 112 : index
      %swap3A_192 = tpu.vector_load %arg7[%swap3A_190, %swap3A_191] {strides = array<i32>} : memref<4x128xi32, #tpu.memory_space<vmem>>, vector<1x16xi32>,
      %swap3A_193 = vector.shape_cast %swap3A_192 : vector<1x16xi32> to vector<16xi32>
      %swap3A_194 = vector.shape_cast %shift_right_logical3A_188 : vector<16xi32> to vector<1x16xi32>
      tpu.vector_store %arg7[%swap3A_190, %swap3A_191], %swap3A_194 {strides = array<i32>} : memref<4x128xi32, #tpu.memory_space<vmem>>, vector<1x16xi32>,
      %dma_start3A = arith.constant 0 : i32
      %dma_start3A_195 = arith.constant 0 : i32
      %dma_start3A_196 = tpu.memref_slice %arg7[%dma_start3A, %dma_start3A_195] : memref<4x128xi32, #tpu.memory_space<vmem>> -> memref<1x128xi32, #tpu.memory_space<vmem>>
      %dma_start3A_197 = tpu.memref_squeeze %dma_start3A_196 : memref<1x128xi32, #tpu.memory_space<vmem>> -> memref<128xi32, #tpu.memory_space<vmem>>
      %dma_start3A_198 = arith.constant 0 : i32
      %dma_start3A_199 = arith.constant 0 : i32
      %dma_start3A_200 = tpu.memref_slice %arg2[%dma_start3A_198, %dma_start3A_199] : memref<10000x128xf32, #tpu.memory_space<hbm>> -> memref<10000x128xf32, #tpu.memory_space<hbm>>
      tpu.enqueue_indirect_dma source(%dma_start3A_200 : memref<10000x128xf32, #tpu.memory_space<hbm>>) target(%arg8 : memref<128x128xf32, #tpu.memory_space<vmem>>) offsets(%dma_start3A_197 : memref<128xi32, #tpu.memory_space<vmem>>) semaphore(%arg11 : memref<!tpu.dma_semaphore, #tpu.memory_space<semaphore_mem>>)
      %get3A_201 = arith.constant 1 : i32
      %get3A_202 = arith.index_cast %get3A_201 : i32 to index
      %get3A_203 = arith.constant 0 : index
      %get3A_204 = tpu.vector_load %arg6[%get3A_202, %get3A_203] {strides = array<i32>} : memref<80x128xi32, #tpu.memory_space<vmem>>, vector<1x16xi32>,
      %get3A_205 = vector.shape_cast %get3A_204 : vector<1x16xi32> to vector<16xi32>
      %and3A_206 = arith.constant 16383 : i32
      %and3A_207 = vector.broadcast %and3A_206 : i32 to vector<16xi32>
      %and3A_208 = arith.andi %get3A_205, %and3A_207 : vector<16xi32>
      %swap3A_209 = arith.constant 2 : i32
      %swap3A_210 = arith.index_cast %swap3A_209 : i32 to index
      %swap3A_211 = arith.constant 0 : index
      %swap3A_212 = tpu.vector_load %arg7[%swap3A_210, %swap3A_211] {strides = array<i32>} : memref<4x128xi32, #tpu.memory_space<vmem>>, vector<1x16xi32>,
      %swap3A_213 = vector.shape_cast %swap3A_212 : vector<1x16xi32> to vector<16xi32>
      %swap3A_214 = vector.shape_cast %and3A_208 : vector<16xi32> to vector<1x16xi32>
      tpu.vector_store %arg7[%swap3A_210, %swap3A_211], %swap3A_214 {strides = array<i32>} : memref<4x128xi32, #tpu.memory_space<vmem>>, vector<1x16xi32>,
      %shift_right_logical3A_215 = arith.constant 14 : i32
      %shift_right_logical3A_216 = vector.broadcast %shift_right_logical3A_215 : i32 to vector<16xi32>
      %shift_right_logical3A_217 = arith.shrui %get3A_205, %shift_right_logical3A_216 : vector<16xi32>
      %swap3A_218 = arith.constant 3 : i32
      %swap3A_219 = arith.index_cast %swap3A_218 : i32 to index
      %swap3A_220 = arith.constant 0 : index
      %swap3A_221 = tpu.vector_load %arg7[%swap3A_219, %swap3A_220] {strides = array<i32>} : memref<4x128xi32, #tpu.memory_space<vmem>>, vector<1x16xi32>,
      %swap3A_222 = vector.shape_cast %swap3A_221 : vector<1x16xi32> to vector<16xi32>
      %swap3A_223 = vector.shape_cast %shift_right_logical3A_217 : vector<16xi32> to vector<1x16xi32>
      tpu.vector_store %arg7[%swap3A_219, %swap3A_220], %swap3A_223 {strides = array<i32>} : memref<4x128xi32, #tpu.memory_space<vmem>>, vector<1x16xi32>,
      %get3A_224 = arith.constant 1 : i32
      %get3A_225 = arith.index_cast %get3A_224 : i32 to index
      %get3A_226 = arith.constant 16 : index
      %get3A_227 = tpu.vector_load %arg6[%get3A_225, %get3A_226] {strides = array<i32>} : memref<80x128xi32, #tpu.memory_space<vmem>>, vector<1x16xi32>,
      %get3A_228 = vector.shape_cast %get3A_227 : vector<1x16xi32> to vector<16xi32>
      %and3A_229 = arith.constant 16383 : i32
      %and3A_230 = vector.broadcast %and3A_229 : i32 to vector<16xi32>
      %and3A_231 = arith.andi %get3A_228, %and3A_230 : vector<16xi32>
      %swap3A_232 = arith.constant 2 : i32
      %swap3A_233 = arith.index_cast %swap3A_232 : i32 to index
      %swap3A_234 = arith.constant 16 : index
      %swap3A_235 = tpu.vector_load %arg7[%swap3A_233, %swap3A_234] {strides = array<i32>} : memref<4x128xi32, #tpu.memory_space<vmem>>, vector<1x16xi32>,
      %swap3A_236 = vector.shape_cast %swap3A_235 : vector<1x16xi32> to vector<16xi32>
      %swap3A_237 = vector.shape_cast %and3A_231 : vector<16xi32> to vector<1x16xi32>
      tpu.vector_store %arg7[%swap3A_233, %swap3A_234], %swap3A_237 {strides = array<i32>} : memref<4x128xi32, #tpu.memory_space<vmem>>, vector<1x16xi32>,
      %shift_right_logical3A_238 = arith.constant 14 : i32
      %shift_right_logical3A_239 = vector.broadcast %shift_right_logical3A_238 : i32 to vector<16xi32>
      %shift_right_logical3A_240 = arith.shrui %get3A_228, %shift_right_logical3A_239 : vector<16xi32>
      %swap3A_241 = arith.constant 3 : i32
      %swap3A_242 = arith.index_cast %swap3A_241 : i32 to index
      %swap3A_243 = arith.constant 16 : index
      %swap3A_244 = tpu.vector_load %arg7[%swap3A_242, %swap3A_243] {strides = array<i32>} : memref<4x128xi32, #tpu.memory_space<vmem>>, vector<1x16xi32>,
      %swap3A_245 = vector.shape_cast %swap3A_244 : vector<1x16xi32> to vector<16xi32>
      %swap3A_246 = vector.shape_cast %shift_right_logical3A_240 : vector<16xi32> to vector<1x16xi32>
      tpu.vector_store %arg7[%swap3A_242, %swap3A_243], %swap3A_246 {strides = array<i32>} : memref<4x128xi32, #tpu.memory_space<vmem>>, vector<1x16xi32>,
      %get3A_247 = arith.constant 1 : i32
      %get3A_248 = arith.index_cast %get3A_247 : i32 to index
      %get3A_249 = arith.constant 32 : index
      %get3A_250 = tpu.vector_load %arg6[%get3A_248, %get3A_249] {strides = array<i32>} : memref<80x128xi32, #tpu.memory_space<vmem>>, vector<1x16xi32>,
      %get3A_251 = vector.shape_cast %get3A_250 : vector<1x16xi32> to vector<16xi32>
      %and3A_252 = arith.constant 16383 : i32
      %and3A_253 = vector.broadcast %and3A_252 : i32 to vector<16xi32>
      %and3A_254 = arith.andi %get3A_251, %and3A_253 : vector<16xi32>
      %swap3A_255 = arith.constant 2 : i32
      %swap3A_256 = arith.index_cast %swap3A_255 : i32 to index
      %swap3A_257 = arith.constant 32 : index
      %swap3A_258 = tpu.vector_load %arg7[%swap3A_256, %swap3A_257] {strides = array<i32>} : memref<4x128xi32, #tpu.memory_space<vmem>>, vector<1x16xi32>,
      %swap3A_259 = vector.shape_cast %swap3A_258 : vector<1x16xi32> to vector<16xi32>
      %swap3A_260 = vector.shape_cast %and3A_254 : vector<16xi32> to vector<1x16xi32>
      tpu.vector_store %arg7[%swap3A_256, %swap3A_257], %swap3A_260 {strides = array<i32>} : memref<4x128xi32, #tpu.memory_space<vmem>>, vector<1x16xi32>,
      %shift_right_logical3A_261 = arith.constant 14 : i32
      %shift_right_logical3A_262 = vector.broadcast %shift_right_logical3A_261 : i32 to vector<16xi32>
      %shift_right_logical3A_263 = arith.shrui %get3A_251, %shift_right_logical3A_262 : vector<16xi32>
      %swap3A_264 = arith.constant 3 : i32
      %swap3A_265 = arith.index_cast %swap3A_264 : i32 to index
      %swap3A_266 = arith.constant 32 : index
      %swap3A_267 = tpu.vector_load %arg7[%swap3A_265, %swap3A_266] {strides = array<i32>} : memref<4x128xi32, #tpu.memory_space<vmem>>, vector<1x16xi32>,
      %swap3A_268 = vector.shape_cast %swap3A_267 : vector<1x16xi32> to vector<16xi32>
      %swap3A_269 = vector.shape_cast %shift_right_logical3A_263 : vector<16xi32> to vector<1x16xi32>
      tpu.vector_store %arg7[%swap3A_265, %swap3A_266], %swap3A_269 {strides = array<i32>} : memref<4x128xi32, #tpu.memory_space<vmem>>, vector<1x16xi32>,
      %get3A_270 = arith.constant 1 : i32
      %get3A_271 = arith.index_cast %get3A_270 : i32 to index
      %get3A_272 = arith.constant 48 : index
      %get3A_273 = tpu.vector_load %arg6[%get3A_271, %get3A_272] {strides = array<i32>} : memref<80x128xi32, #tpu.memory_space<vmem>>, vector<1x16xi32>,
      %get3A_274 = vector.shape_cast %get3A_273 : vector<1x16xi32> to vector<16xi32>
      %and3A_275 = arith.constant 16383 : i32
      %and3A_276 = vector.broadcast %and3A_275 : i32 to vector<16xi32>
      %and3A_277 = arith.andi %get3A_274, %and3A_276 : vector<16xi32>
      %swap3A_278 = arith.constant 2 : i32
      %swap3A_279 = arith.index_cast %swap3A_278 : i32 to index
      %swap3A_280 = arith.constant 48 : index
      %swap3A_281 = tpu.vector_load %arg7[%swap3A_279, %swap3A_280] {strides = array<i32>} : memref<4x128xi32, #tpu.memory_space<vmem>>, vector<1x16xi32>,
      %swap3A_282 = vector.shape_cast %swap3A_281 : vector<1x16xi32> to vector<16xi32>
      %swap3A_283 = vector.shape_cast %and3A_277 : vector<16xi32> to vector<1x16xi32>
      tpu.vector_store %arg7[%swap3A_279, %swap3A_280], %swap3A_283 {strides = array<i32>} : memref<4x128xi32, #tpu.memory_space<vmem>>, vector<1x16xi32>,
      %shift_right_logical3A_284 = arith.constant 14 : i32
      %shift_right_logical3A_285 = vector.broadcast %shift_right_logical3A_284 : i32 to vector<16xi32>
      %shift_right_logical3A_286 = arith.shrui %get3A_274, %shift_right_logical3A_285 : vector<16xi32>
      %swap3A_287 = arith.constant 3 : i32
      %swap3A_288 = arith.index_cast %swap3A_287 : i32 to index
      %swap3A_289 = arith.constant 48 : index
      %swap3A_290 = tpu.vector_load %arg7[%swap3A_288, %swap3A_289] {strides = array<i32>} : memref<4x128xi32, #tpu.memory_space<vmem>>, vector<1x16xi32>,
      %swap3A_291 = vector.shape_cast %swap3A_290 : vector<1x16xi32> to vector<16xi32>
      %swap3A_292 = vector.shape_cast %shift_right_logical3A_286 : vector<16xi32> to vector<1x16xi32>
      tpu.vector_store %arg7[%swap3A_288, %swap3A_289], %swap3A_292 {strides = array<i32>} : memref<4x128xi32, #tpu.memory_space<vmem>>, vector<1x16xi32>,
      %get3A_293 = arith.constant 1 : i32
      %get3A_294 = arith.index_cast %get3A_293 : i32 to index
      %get3A_295 = arith.constant 64 : index
      %get3A_296 = tpu.vector_load %arg6[%get3A_294, %get3A_295] {strides = array<i32>} : memref<80x128xi32, #tpu.memory_space<vmem>>, vector<1x16xi32>,
      %get3A_297 = vector.shape_cast %get3A_296 : vector<1x16xi32> to vector<16xi32>
      %and3A_298 = arith.constant 16383 : i32
      %and3A_299 = vector.broadcast %and3A_298 : i32 to vector<16xi32>
      %and3A_300 = arith.andi %get3A_297, %and3A_299 : vector<16xi32>
      %swap3A_301 = arith.constant 2 : i32
      %swap3A_302 = arith.index_cast %swap3A_301 : i32 to index
      %swap3A_303 = arith.constant 64 : index
      %swap3A_304 = tpu.vector_load %arg7[%swap3A_302, %swap3A_303] {strides = array<i32>} : memref<4x128xi32, #tpu.memory_space<vmem>>, vector<1x16xi32>,
      %swap3A_305 = vector.shape_cast %swap3A_304 : vector<1x16xi32> to vector<16xi32>
      %swap3A_306 = vector.shape_cast %and3A_300 : vector<16xi32> to vector<1x16xi32>
      tpu.vector_store %arg7[%swap3A_302, %swap3A_303], %swap3A_306 {strides = array<i32>} : memref<4x128xi32, #tpu.memory_space<vmem>>, vector<1x16xi32>,
      %shift_right_logical3A_307 = arith.constant 14 : i32
      %shift_right_logical3A_308 = vector.broadcast %shift_right_logical3A_307 : i32 to vector<16xi32>
      %shift_right_logical3A_309 = arith.shrui %get3A_297, %shift_right_logical3A_308 : vector<16xi32>
      %swap3A_310 = arith.constant 3 : i32
      %swap3A_311 = arith.index_cast %swap3A_310 : i32 to index
      %swap3A_312 = arith.constant 64 : index
      %swap3A_313 = tpu.vector_load %arg7[%swap3A_311, %swap3A_312] {strides = array<i32>} : memref<4x128xi32, #tpu.memory_space<vmem>>, vector<1x16xi32>,
      %swap3A_314 = vector.shape_cast %swap3A_313 : vector<1x16xi32> to vector<16xi32>
      %swap3A_315 = vector.shape_cast %shift_right_logical3A_309 : vector<16xi32> to vector<1x16xi32>
      tpu.vector_store %arg7[%swap3A_311, %swap3A_312], %swap3A_315 {strides = array<i32>} : memref<4x128xi32, #tpu.memory_space<vmem>>, vector<1x16xi32>,
      %get3A_316 = arith.constant 1 : i32
      %get3A_317 = arith.index_cast %get3A_316 : i32 to index
      %get3A_318 = arith.constant 80 : index
      %get3A_319 = tpu.vector_load %arg6[%get3A_317, %get3A_318] {strides = array<i32>} : memref<80x128xi32, #tpu.memory_space<vmem>>, vector<1x16xi32>,
      %get3A_320 = vector.shape_cast %get3A_319 : vector<1x16xi32> to vector<16xi32>
      %and3A_321 = arith.constant 16383 : i32
      %and3A_322 = vector.broadcast %and3A_321 : i32 to vector<16xi32>
      %and3A_323 = arith.andi %get3A_320, %and3A_322 : vector<16xi32>
      %swap3A_324 = arith.constant 2 : i32
      %swap3A_325 = arith.index_cast %swap3A_324 : i32 to index
      %swap3A_326 = arith.constant 80 : index
      %swap3A_327 = tpu.vector_load %arg7[%swap3A_325, %swap3A_326] {strides = array<i32>} : memref<4x128xi32, #tpu.memory_space<vmem>>, vector<1x16xi32>,
      %swap3A_328 = vector.shape_cast %swap3A_327 : vector<1x16xi32> to vector<16xi32>
      %swap3A_329 = vector.shape_cast %and3A_323 : vector<16xi32> to vector<1x16xi32>
      tpu.vector_store %arg7[%swap3A_325, %swap3A_326], %swap3A_329 {strides = array<i32>} : memref<4x128xi32, #tpu.memory_space<vmem>>, vector<1x16xi32>,
      %shift_right_logical3A_330 = arith.constant 14 : i32
      %shift_right_logical3A_331 = vector.broadcast %shift_right_logical3A_330 : i32 to vector<16xi32>
      %shift_right_logical3A_332 = arith.shrui %get3A_320, %shift_right_logical3A_331 : vector<16xi32>
      %swap3A_333 = arith.constant 3 : i32
      %swap3A_334 = arith.index_cast %swap3A_333 : i32 to index
      %swap3A_335 = arith.constant 80 : index
      %swap3A_336 = tpu.vector_load %arg7[%swap3A_334, %swap3A_335] {strides = array<i32>} : memref<4x128xi32, #tpu.memory_space<vmem>>, vector<1x16xi32>,
      %swap3A_337 = vector.shape_cast %swap3A_336 : vector<1x16xi32> to vector<16xi32>
      %swap3A_338 = vector.shape_cast %shift_right_logical3A_332 : vector<16xi32> to vector<1x16xi32>
      tpu.vector_store %arg7[%swap3A_334, %swap3A_335], %swap3A_338 {strides = array<i32>} : memref<4x128xi32, #tpu.memory_space<vmem>>, vector<1x16xi32>,
      %get3A_339 = arith.constant 1 : i32
      %get3A_340 = arith.index_cast %get3A_339 : i32 to index
      %get3A_341 = arith.constant 96 : index
      %get3A_342 = tpu.vector_load %arg6[%get3A_340, %get3A_341] {strides = array<i32>} : memref<80x128xi32, #tpu.memory_space<vmem>>, vector<1x16xi32>,
      %get3A_343 = vector.shape_cast %get3A_342 : vector<1x16xi32> to vector<16xi32>
      %and3A_344 = arith.constant 16383 : i32
      %and3A_345 = vector.broadcast %and3A_344 : i32 to vector<16xi32>
      %and3A_346 = arith.andi %get3A_343, %and3A_345 : vector<16xi32>
      %swap3A_347 = arith.constant 2 : i32
      %swap3A_348 = arith.index_cast %swap3A_347 : i32 to index
      %swap3A_349 = arith.constant 96 : index
      %swap3A_350 = tpu.vector_load %arg7[%swap3A_348, %swap3A_349] {strides = array<i32>} : memref<4x128xi32, #tpu.memory_space<vmem>>, vector<1x16xi32>,
      %swap3A_351 = vector.shape_cast %swap3A_350 : vector<1x16xi32> to vector<16xi32>
      %swap3A_352 = vector.shape_cast %and3A_346 : vector<16xi32> to vector<1x16xi32>
      tpu.vector_store %arg7[%swap3A_348, %swap3A_349], %swap3A_352 {strides = array<i32>} : memref<4x128xi32, #tpu.memory_space<vmem>>, vector<1x16xi32>,
      %shift_right_logical3A_353 = arith.constant 14 : i32
      %shift_right_logical3A_354 = vector.broadcast %shift_right_logical3A_353 : i32 to vector<16xi32>
      %shift_right_logical3A_355 = arith.shrui %get3A_343, %shift_right_logical3A_354 : vector<16xi32>
      %swap3A_356 = arith.constant 3 : i32
      %swap3A_357 = arith.index_cast %swap3A_356 : i32 to index
      %swap3A_358 = arith.constant 96 : index
      %swap3A_359 = tpu.vector_load %arg7[%swap3A_357, %swap3A_358] {strides = array<i32>} : memref<4x128xi32, #tpu.memory_space<vmem>>, vector<1x16xi32>,
      %swap3A_360 = vector.shape_cast %swap3A_359 : vector<1x16xi32> to vector<16xi32>
      %swap3A_361 = vector.shape_cast %shift_right_logical3A_355 : vector<16xi32> to vector<1x16xi32>
      tpu.vector_store %arg7[%swap3A_357, %swap3A_358], %swap3A_361 {strides = array<i32>} : memref<4x128xi32, #tpu.memory_space<vmem>>, vector<1x16xi32>,
      %get3A_362 = arith.constant 1 : i32
      %get3A_363 = arith.index_cast %get3A_362 : i32 to index
      %get3A_364 = arith.constant 112 : index
      %get3A_365 = tpu.vector_load %arg6[%get3A_363, %get3A_364] {strides = array<i32>} : memref<80x128xi32, #tpu.memory_space<vmem>>, vector<1x16xi32>,
      %get3A_366 = vector.shape_cast %get3A_365 : vector<1x16xi32> to vector<16xi32>
      %and3A_367 = arith.constant 16383 : i32
      %and3A_368 = vector.broadcast %and3A_367 : i32 to vector<16xi32>
      %and3A_369 = arith.andi %get3A_366, %and3A_368 : vector<16xi32>
      %swap3A_370 = arith.constant 2 : i32
      %swap3A_371 = arith.index_cast %swap3A_370 : i32 to index
      %swap3A_372 = arith.constant 112 : index
      %swap3A_373 = tpu.vector_load %arg7[%swap3A_371, %swap3A_372] {strides = array<i32>} : memref<4x128xi32, #tpu.memory_space<vmem>>, vector<1x16xi32>,
      %swap3A_374 = vector.shape_cast %swap3A_373 : vector<1x16xi32> to vector<16xi32>
      %swap3A_375 = vector.shape_cast %and3A_369 : vector<16xi32> to vector<1x16xi32>
      tpu.vector_store %arg7[%swap3A_371, %swap3A_372], %swap3A_375 {strides = array<i32>} : memref<4x128xi32, #tpu.memory_space<vmem>>, vector<1x16xi32>,
      %shift_right_logical3A_376 = arith.constant 14 : i32
      %shift_right_logical3A_377 = vector.broadcast %shift_right_logical3A_376 : i32 to vector<16xi32>
      %shift_right_logical3A_378 = arith.shrui %get3A_366, %shift_right_logical3A_377 : vector<16xi32>
      %swap3A_379 = arith.constant 3 : i32
      %swap3A_380 = arith.index_cast %swap3A_379 : i32 to index
      %swap3A_381 = arith.constant 112 : index
      %swap3A_382 = tpu.vector_load %arg7[%swap3A_380, %swap3A_381] {strides = array<i32>} : memref<4x128xi32, #tpu.memory_space<vmem>>, vector<1x16xi32>,
      %swap3A_383 = vector.shape_cast %swap3A_382 : vector<1x16xi32> to vector<16xi32>
      %swap3A_384 = vector.shape_cast %shift_right_logical3A_378 : vector<16xi32> to vector<1x16xi32>
      tpu.vector_store %arg7[%swap3A_380, %swap3A_381], %swap3A_384 {strides = array<i32>} : memref<4x128xi32, #tpu.memory_space<vmem>>, vector<1x16xi32>,
      %dma_start3A_385 = arith.constant 2 : i32
      %dma_start3A_386 = arith.constant 0 : i32
      %dma_start3A_387 = tpu.memref_slice %arg7[%dma_start3A_385, %dma_start3A_386] : memref<4x128xi32, #tpu.memory_space<vmem>> -> memref<1x128xi32, #tpu.memory_space<vmem>>
      %dma_start3A_388 = tpu.memref_squeeze %dma_start3A_387 : memref<1x128xi32, #tpu.memory_space<vmem>> -> memref<128xi32, #tpu.memory_space<vmem>>
      %dma_start3A_389 = arith.constant 0 : i32
      %dma_start3A_390 = arith.constant 0 : i32
      %dma_start3A_391 = tpu.memref_slice %arg2[%dma_start3A_389, %dma_start3A_390] : memref<10000x128xf32, #tpu.memory_space<hbm>> -> memref<10000x128xf32, #tpu.memory_space<hbm>>
      tpu.enqueue_indirect_dma source(%dma_start3A_391 : memref<10000x128xf32, #tpu.memory_space<hbm>>) target(%arg9 : memref<128x128xf32, #tpu.memory_space<vmem>>) offsets(%dma_start3A_388 : memref<128xi32, #tpu.memory_space<vmem>>) semaphore(%arg12 : memref<!tpu.dma_semaphore, #tpu.memory_space<semaphore_mem>>)
      %scan3A = arith.constant 0 : i32
      %scan3A_392 = arith.constant 39 : i32
      %scan3A_393 = arith.addi %scan3A, %scan3A_392 : i32
      %scan3A_394 = arith.constant 1 : i32
      scf.for %scan3A_830 = %scan3A to %scan3A_393 step %scan3A_394  : i32 {
        %mul3A_831 = arith.constant 2 : i32
        %mul3A_832 = arith.muli %scan3A_830, %mul3A_831 : i32
        %add3A_833 = arith.constant 0 : i32
        %add3A_834 = arith.addi %add3A_833, %mul3A_832 : i32
        %dma_wait3A_835 = arith.constant 0 : i32
        %dma_wait3A_836 = arith.constant 0 : i32
        %dma_wait3A_837 = tpu.memref_slice %arg7[%dma_wait3A_835, %dma_wait3A_836] : memref<4x128xi32, #tpu.memory_space<vmem>> -> memref<1x128xi32, #tpu.memory_space<vmem>>
        %dma_wait3A_838 = tpu.memref_squeeze %dma_wait3A_837 : memref<1x128xi32, #tpu.memory_space<vmem>> -> memref<128xi32, #tpu.memory_space<vmem>>
        %dma_wait3A_839 = arith.constant 0 : i32
        %dma_wait3A_840 = arith.constant 0 : i32
        %dma_wait3A_841 = tpu.memref_slice %arg2[%dma_wait3A_839, %dma_wait3A_840] : memref<10000x128xf32, #tpu.memory_space<hbm>> -> memref<10000x128xf32, #tpu.memory_space<hbm>>
        tpu.wait_indirect_dma semaphore(%arg11 : memref<!tpu.dma_semaphore, #tpu.memory_space<semaphore_mem>>) src(%dma_wait3A_841 : memref<10000x128xf32, #tpu.memory_space<hbm>>) dst(%arg8 : memref<128x128xf32, #tpu.memory_space<vmem>>)
        %run_scoped3A_842 = arith.constant 1 : i32
        "tpu.region"() ({
          %run_scoped3A_1221 = tpu.sem_alloc : memref<!tpu.dma_semaphore, #tpu.memory_space<semaphore_mem>>
          %dma_start3A_1222 = arith.constant 0 : i32
          %dma_start3A_1223 = tpu.memref_slice %arg7[%run_scoped3A_842, %dma_start3A_1222] : memref<4x128xi32, #tpu.memory_space<vmem>> -> memref<1x128xi32, #tpu.memory_space<vmem>>
          %dma_start3A_1224 = tpu.memref_squeeze %dma_start3A_1223 : memref<1x128xi32, #tpu.memory_space<vmem>> -> memref<128xi32, #tpu.memory_space<vmem>>
          %dma_start3A_1225 = arith.constant 0 : i32
          %dma_start3A_1226 = arith.constant 0 : i32
          %dma_start3A_1227 = tpu.memref_slice %arg10[%dma_start3A_1225, %dma_start3A_1226] : memref<10048x128xf32, #tpu.memory_space<vmem_shared>> -> memref<10048x128xf32, #tpu.memory_space<vmem_shared>>
          tpu.enqueue_indirect_dma source(%arg8 : memref<128x128xf32, #tpu.memory_space<vmem>>) target(%dma_start3A_1227 : memref<10048x128xf32, #tpu.memory_space<vmem_shared>>) offsets(%dma_start3A_1224 : memref<128xi32, #tpu.memory_space<vmem>>) semaphore(%run_scoped3A_1221 : memref<!tpu.dma_semaphore, #tpu.memory_space<semaphore_mem>>) {add = true}
          %dma_wait3A_1228 = arith.constant 0 : i32
          %dma_wait3A_1229 = tpu.memref_slice %arg7[%run_scoped3A_842, %dma_wait3A_1228] : memref<4x128xi32, #tpu.memory_space<vmem>> -> memref<1x128xi32, #tpu.memory_space<vmem>>
          %dma_wait3A_1230 = tpu.memref_squeeze %dma_wait3A_1229 : memref<1x128xi32, #tpu.memory_space<vmem>> -> memref<128xi32, #tpu.memory_space<vmem>>
          %dma_wait3A_1231 = arith.constant 0 : i32
          %dma_wait3A_1232 = arith.constant 0 : i32
          %dma_wait3A_1233 = tpu.memref_slice %arg10[%dma_wait3A_1231, %dma_wait3A_1232] : memref<10048x128xf32, #tpu.memory_space<vmem_shared>> -> memref<10048x128xf32, #tpu.memory_space<vmem_shared>>
          tpu.wait_indirect_dma semaphore(%run_scoped3A_1221 : memref<!tpu.dma_semaphore, #tpu.memory_space<semaphore_mem>>) src(%arg8 : memref<128x128xf32, #tpu.memory_space<vmem>>) dst(%dma_wait3A_1233 : memref<10048x128xf32, #tpu.memory_space<vmem_shared>>)
          tpu.yield
        }) : () -> ()
        %add3A_843 = arith.constant 2 : i32
        %add3A_844 = arith.addi %add3A_834, %add3A_843 : i32
        %get3A_845 = arith.index_cast %add3A_844 : i32 to index
        %get3A_846 = arith.constant 0 : index
        %get3A_847 = tpu.vector_load %arg6[%get3A_845, %get3A_846] {strides = array<i32>} : memref<80x128xi32, #tpu.memory_space<vmem>>, vector<1x16xi32>,
        %get3A_848 = vector.shape_cast %get3A_847 : vector<1x16xi32> to vector<16xi32>
        %and3A_849 = arith.constant 16383 : i32
        %and3A_850 = vector.broadcast %and3A_849 : i32 to vector<16xi32>
        %and3A_851 = arith.andi %get3A_848, %and3A_850 : vector<16xi32>
        %swap3A_852 = arith.constant 0 : i32
        %swap3A_853 = arith.index_cast %swap3A_852 : i32 to index
        %swap3A_854 = arith.constant 0 : index
        %swap3A_855 = tpu.vector_load %arg7[%swap3A_853, %swap3A_854] {strides = array<i32>} : memref<4x128xi32, #tpu.memory_space<vmem>>, vector<1x16xi32>,
        %swap3A_856 = vector.shape_cast %swap3A_855 : vector<1x16xi32> to vector<16xi32>
        %swap3A_857 = vector.shape_cast %and3A_851 : vector<16xi32> to vector<1x16xi32>
        tpu.vector_store %arg7[%swap3A_853, %swap3A_854], %swap3A_857 {strides = array<i32>} : memref<4x128xi32, #tpu.memory_space<vmem>>, vector<1x16xi32>,
        %shift_right_logical3A_858 = arith.constant 14 : i32
        %shift_right_logical3A_859 = vector.broadcast %shift_right_logical3A_858 : i32 to vector<16xi32>
        %shift_right_logical3A_860 = arith.shrui %get3A_848, %shift_right_logical3A_859 : vector<16xi32>
        %swap3A_861 = arith.constant 1 : i32
        %swap3A_862 = arith.index_cast %swap3A_861 : i32 to index
        %swap3A_863 = arith.constant 0 : index
        %swap3A_864 = tpu.vector_load %arg7[%swap3A_862, %swap3A_863] {strides = array<i32>} : memref<4x128xi32, #tpu.memory_space<vmem>>, vector<1x16xi32>,
        %swap3A_865 = vector.shape_cast %swap3A_864 : vector<1x16xi32> to vector<16xi32>
        %swap3A_866 = vector.shape_cast %shift_right_logical3A_860 : vector<16xi32> to vector<1x16xi32>
        tpu.vector_store %arg7[%swap3A_862, %swap3A_863], %swap3A_866 {strides = array<i32>} : memref<4x128xi32, #tpu.memory_space<vmem>>, vector<1x16xi32>,
        %get3A_867 = arith.index_cast %add3A_844 : i32 to index
        %get3A_868 = arith.constant 16 : index
        %get3A_869 = tpu.vector_load %arg6[%get3A_867, %get3A_868] {strides = array<i32>} : memref<80x128xi32, #tpu.memory_space<vmem>>, vector<1x16xi32>,
        %get3A_870 = vector.shape_cast %get3A_869 : vector<1x16xi32> to vector<16xi32>
        %and3A_871 = arith.constant 16383 : i32
        %and3A_872 = vector.broadcast %and3A_871 : i32 to vector<16xi32>
        %and3A_873 = arith.andi %get3A_870, %and3A_872 : vector<16xi32>
        %swap3A_874 = arith.constant 0 : i32
        %swap3A_875 = arith.index_cast %swap3A_874 : i32 to index
        %swap3A_876 = arith.constant 16 : index
        %swap3A_877 = tpu.vector_load %arg7[%swap3A_875, %swap3A_876] {strides = array<i32>} : memref<4x128xi32, #tpu.memory_space<vmem>>, vector<1x16xi32>,
        %swap3A_878 = vector.shape_cast %swap3A_877 : vector<1x16xi32> to vector<16xi32>
        %swap3A_879 = vector.shape_cast %and3A_873 : vector<16xi32> to vector<1x16xi32>
        tpu.vector_store %arg7[%swap3A_875, %swap3A_876], %swap3A_879 {strides = array<i32>} : memref<4x128xi32, #tpu.memory_space<vmem>>, vector<1x16xi32>,
        %shift_right_logical3A_880 = arith.constant 14 : i32
        %shift_right_logical3A_881 = vector.broadcast %shift_right_logical3A_880 : i32 to vector<16xi32>
        %shift_right_logical3A_882 = arith.shrui %get3A_870, %shift_right_logical3A_881 : vector<16xi32>
        %swap3A_883 = arith.constant 1 : i32
        %swap3A_884 = arith.index_cast %swap3A_883 : i32 to index
        %swap3A_885 = arith.constant 16 : index
        %swap3A_886 = tpu.vector_load %arg7[%swap3A_884, %swap3A_885] {strides = array<i32>} : memref<4x128xi32, #tpu.memory_space<vmem>>, vector<1x16xi32>,
        %swap3A_887 = vector.shape_cast %swap3A_886 : vector<1x16xi32> to vector<16xi32>
        %swap3A_888 = vector.shape_cast %shift_right_logical3A_882 : vector<16xi32> to vector<1x16xi32>
        tpu.vector_store %arg7[%swap3A_884, %swap3A_885], %swap3A_888 {strides = array<i32>} : memref<4x128xi32, #tpu.memory_space<vmem>>, vector<1x16xi32>,
        %get3A_889 = arith.index_cast %add3A_844 : i32 to index
        %get3A_890 = arith.constant 32 : index
        %get3A_891 = tpu.vector_load %arg6[%get3A_889, %get3A_890] {strides = array<i32>} : memref<80x128xi32, #tpu.memory_space<vmem>>, vector<1x16xi32>,
        %get3A_892 = vector.shape_cast %get3A_891 : vector<1x16xi32> to vector<16xi32>
        %and3A_893 = arith.constant 16383 : i32
        %and3A_894 = vector.broadcast %and3A_893 : i32 to vector<16xi32>
        %and3A_895 = arith.andi %get3A_892, %and3A_894 : vector<16xi32>
        %swap3A_896 = arith.constant 0 : i32
        %swap3A_897 = arith.index_cast %swap3A_896 : i32 to index
        %swap3A_898 = arith.constant 32 : index
        %swap3A_899 = tpu.vector_load %arg7[%swap3A_897, %swap3A_898] {strides = array<i32>} : memref<4x128xi32, #tpu.memory_space<vmem>>, vector<1x16xi32>,
        %swap3A_900 = vector.shape_cast %swap3A_899 : vector<1x16xi32> to vector<16xi32>
        %swap3A_901 = vector.shape_cast %and3A_895 : vector<16xi32> to vector<1x16xi32>
        tpu.vector_store %arg7[%swap3A_897, %swap3A_898], %swap3A_901 {strides = array<i32>} : memref<4x128xi32, #tpu.memory_space<vmem>>, vector<1x16xi32>,
        %shift_right_logical3A_902 = arith.constant 14 : i32
        %shift_right_logical3A_903 = vector.broadcast %shift_right_logical3A_902 : i32 to vector<16xi32>
        %shift_right_logical3A_904 = arith.shrui %get3A_892, %shift_right_logical3A_903 : vector<16xi32>
        %swap3A_905 = arith.constant 1 : i32
        %swap3A_906 = arith.index_cast %swap3A_905 : i32 to index
        %swap3A_907 = arith.constant 32 : index
        %swap3A_908 = tpu.vector_load %arg7[%swap3A_906, %swap3A_907] {strides = array<i32>} : memref<4x128xi32, #tpu.memory_space<vmem>>, vector<1x16xi32>,
        %swap3A_909 = vector.shape_cast %swap3A_908 : vector<1x16xi32> to vector<16xi32>
        %swap3A_910 = vector.shape_cast %shift_right_logical3A_904 : vector<16xi32> to vector<1x16xi32>
        tpu.vector_store %arg7[%swap3A_906, %swap3A_907], %swap3A_910 {strides = array<i32>} : memref<4x128xi32, #tpu.memory_space<vmem>>, vector<1x16xi32>,
        %get3A_911 = arith.index_cast %add3A_844 : i32 to index
        %get3A_912 = arith.constant 48 : index
        %get3A_913 = tpu.vector_load %arg6[%get3A_911, %get3A_912] {strides = array<i32>} : memref<80x128xi32, #tpu.memory_space<vmem>>, vector<1x16xi32>,
        %get3A_914 = vector.shape_cast %get3A_913 : vector<1x16xi32> to vector<16xi32>
        %and3A_915 = arith.constant 16383 : i32
        %and3A_916 = vector.broadcast %and3A_915 : i32 to vector<16xi32>
        %and3A_917 = arith.andi %get3A_914, %and3A_916 : vector<16xi32>
        %swap3A_918 = arith.constant 0 : i32
        %swap3A_919 = arith.index_cast %swap3A_918 : i32 to index
        %swap3A_920 = arith.constant 48 : index
        %swap3A_921 = tpu.vector_load %arg7[%swap3A_919, %swap3A_920] {strides = array<i32>} : memref<4x128xi32, #tpu.memory_space<vmem>>, vector<1x16xi32>,
        %swap3A_922 = vector.shape_cast %swap3A_921 : vector<1x16xi32> to vector<16xi32>
        %swap3A_923 = vector.shape_cast %and3A_917 : vector<16xi32> to vector<1x16xi32>
        tpu.vector_store %arg7[%swap3A_919, %swap3A_920], %swap3A_923 {strides = array<i32>} : memref<4x128xi32, #tpu.memory_space<vmem>>, vector<1x16xi32>,
        %shift_right_logical3A_924 = arith.constant 14 : i32
        %shift_right_logical3A_925 = vector.broadcast %shift_right_logical3A_924 : i32 to vector<16xi32>
        %shift_right_logical3A_926 = arith.shrui %get3A_914, %shift_right_logical3A_925 : vector<16xi32>
        %swap3A_927 = arith.constant 1 : i32
        %swap3A_928 = arith.index_cast %swap3A_927 : i32 to index
        %swap3A_929 = arith.constant 48 : index
        %swap3A_930 = tpu.vector_load %arg7[%swap3A_928, %swap3A_929] {strides = array<i32>} : memref<4x128xi32, #tpu.memory_space<vmem>>, vector<1x16xi32>,
        %swap3A_931 = vector.shape_cast %swap3A_930 : vector<1x16xi32> to vector<16xi32>
        %swap3A_932 = vector.shape_cast %shift_right_logical3A_926 : vector<16xi32> to vector<1x16xi32>
        tpu.vector_store %arg7[%swap3A_928, %swap3A_929], %swap3A_932 {strides = array<i32>} : memref<4x128xi32, #tpu.memory_space<vmem>>, vector<1x16xi32>,
        %get3A_933 = arith.index_cast %add3A_844 : i32 to index
        %get3A_934 = arith.constant 64 : index
        %get3A_935 = tpu.vector_load %arg6[%get3A_933, %get3A_934] {strides = array<i32>} : memref<80x128xi32, #tpu.memory_space<vmem>>, vector<1x16xi32>,
        %get3A_936 = vector.shape_cast %get3A_935 : vector<1x16xi32> to vector<16xi32>
        %and3A_937 = arith.constant 16383 : i32
        %and3A_938 = vector.broadcast %and3A_937 : i32 to vector<16xi32>
        %and3A_939 = arith.andi %get3A_936, %and3A_938 : vector<16xi32>
        %swap3A_940 = arith.constant 0 : i32
        %swap3A_941 = arith.index_cast %swap3A_940 : i32 to index
        %swap3A_942 = arith.constant 64 : index
        %swap3A_943 = tpu.vector_load %arg7[%swap3A_941, %swap3A_942] {strides = array<i32>} : memref<4x128xi32, #tpu.memory_space<vmem>>, vector<1x16xi32>,
        %swap3A_944 = vector.shape_cast %swap3A_943 : vector<1x16xi32> to vector<16xi32>
        %swap3A_945 = vector.shape_cast %and3A_939 : vector<16xi32> to vector<1x16xi32>
        tpu.vector_store %arg7[%swap3A_941, %swap3A_942], %swap3A_945 {strides = array<i32>} : memref<4x128xi32, #tpu.memory_space<vmem>>, vector<1x16xi32>,
        %shift_right_logical3A_946 = arith.constant 14 : i32
        %shift_right_logical3A_947 = vector.broadcast %shift_right_logical3A_946 : i32 to vector<16xi32>
        %shift_right_logical3A_948 = arith.shrui %get3A_936, %shift_right_logical3A_947 : vector<16xi32>
        %swap3A_949 = arith.constant 1 : i32
        %swap3A_950 = arith.index_cast %swap3A_949 : i32 to index
        %swap3A_951 = arith.constant 64 : index
        %swap3A_952 = tpu.vector_load %arg7[%swap3A_950, %swap3A_951] {strides = array<i32>} : memref<4x128xi32, #tpu.memory_space<vmem>>, vector<1x16xi32>,
        %swap3A_953 = vector.shape_cast %swap3A_952 : vector<1x16xi32> to vector<16xi32>
        %swap3A_954 = vector.shape_cast %shift_right_logical3A_948 : vector<16xi32> to vector<1x16xi32>
        tpu.vector_store %arg7[%swap3A_950, %swap3A_951], %swap3A_954 {strides = array<i32>} : memref<4x128xi32, #tpu.memory_space<vmem>>, vector<1x16xi32>,
        %get3A_955 = arith.index_cast %add3A_844 : i32 to index
        %get3A_956 = arith.constant 80 : index
        %get3A_957 = tpu.vector_load %arg6[%get3A_955, %get3A_956] {strides = array<i32>} : memref<80x128xi32, #tpu.memory_space<vmem>>, vector<1x16xi32>,
        %get3A_958 = vector.shape_cast %get3A_957 : vector<1x16xi32> to vector<16xi32>
        %and3A_959 = arith.constant 16383 : i32
        %and3A_960 = vector.broadcast %and3A_959 : i32 to vector<16xi32>
        %and3A_961 = arith.andi %get3A_958, %and3A_960 : vector<16xi32>
        %swap3A_962 = arith.constant 0 : i32
        %swap3A_963 = arith.index_cast %swap3A_962 : i32 to index
        %swap3A_964 = arith.constant 80 : index
        %swap3A_965 = tpu.vector_load %arg7[%swap3A_963, %swap3A_964] {strides = array<i32>} : memref<4x128xi32, #tpu.memory_space<vmem>>, vector<1x16xi32>,
        %swap3A_966 = vector.shape_cast %swap3A_965 : vector<1x16xi32> to vector<16xi32>
        %swap3A_967 = vector.shape_cast %and3A_961 : vector<16xi32> to vector<1x16xi32>
        tpu.vector_store %arg7[%swap3A_963, %swap3A_964], %swap3A_967 {strides = array<i32>} : memref<4x128xi32, #tpu.memory_space<vmem>>, vector<1x16xi32>,
        %shift_right_logical3A_968 = arith.constant 14 : i32
        %shift_right_logical3A_969 = vector.broadcast %shift_right_logical3A_968 : i32 to vector<16xi32>
        %shift_right_logical3A_970 = arith.shrui %get3A_958, %shift_right_logical3A_969 : vector<16xi32>
        %swap3A_971 = arith.constant 1 : i32
        %swap3A_972 = arith.index_cast %swap3A_971 : i32 to index
        %swap3A_973 = arith.constant 80 : index
        %swap3A_974 = tpu.vector_load %arg7[%swap3A_972, %swap3A_973] {strides = array<i32>} : memref<4x128xi32, #tpu.memory_space<vmem>>, vector<1x16xi32>,
        %swap3A_975 = vector.shape_cast %swap3A_974 : vector<1x16xi32> to vector<16xi32>
        %swap3A_976 = vector.shape_cast %shift_right_logical3A_970 : vector<16xi32> to vector<1x16xi32>
        tpu.vector_store %arg7[%swap3A_972, %swap3A_973], %swap3A_976 {strides = array<i32>} : memref<4x128xi32, #tpu.memory_space<vmem>>, vector<1x16xi32>,
        %get3A_977 = arith.index_cast %add3A_844 : i32 to index
        %get3A_978 = arith.constant 96 : index
        %get3A_979 = tpu.vector_load %arg6[%get3A_977, %get3A_978] {strides = array<i32>} : memref<80x128xi32, #tpu.memory_space<vmem>>, vector<1x16xi32>,
        %get3A_980 = vector.shape_cast %get3A_979 : vector<1x16xi32> to vector<16xi32>
        %and3A_981 = arith.constant 16383 : i32
        %and3A_982 = vector.broadcast %and3A_981 : i32 to vector<16xi32>
        %and3A_983 = arith.andi %get3A_980, %and3A_982 : vector<16xi32>
        %swap3A_984 = arith.constant 0 : i32
        %swap3A_985 = arith.index_cast %swap3A_984 : i32 to index
        %swap3A_986 = arith.constant 96 : index
        %swap3A_987 = tpu.vector_load %arg7[%swap3A_985, %swap3A_986] {strides = array<i32>} : memref<4x128xi32, #tpu.memory_space<vmem>>, vector<1x16xi32>,
        %swap3A_988 = vector.shape_cast %swap3A_987 : vector<1x16xi32> to vector<16xi32>
        %swap3A_989 = vector.shape_cast %and3A_983 : vector<16xi32> to vector<1x16xi32>
        tpu.vector_store %arg7[%swap3A_985, %swap3A_986], %swap3A_989 {strides = array<i32>} : memref<4x128xi32, #tpu.memory_space<vmem>>, vector<1x16xi32>,
        %shift_right_logical3A_990 = arith.constant 14 : i32
        %shift_right_logical3A_991 = vector.broadcast %shift_right_logical3A_990 : i32 to vector<16xi32>
        %shift_right_logical3A_992 = arith.shrui %get3A_980, %shift_right_logical3A_991 : vector<16xi32>
        %swap3A_993 = arith.constant 1 : i32
        %swap3A_994 = arith.index_cast %swap3A_993 : i32 to index
        %swap3A_995 = arith.constant 96 : index
        %swap3A_996 = tpu.vector_load %arg7[%swap3A_994, %swap3A_995] {strides = array<i32>} : memref<4x128xi32, #tpu.memory_space<vmem>>, vector<1x16xi32>,
        %swap3A_997 = vector.shape_cast %swap3A_996 : vector<1x16xi32> to vector<16xi32>
        %swap3A_998 = vector.shape_cast %shift_right_logical3A_992 : vector<16xi32> to vector<1x16xi32>
        tpu.vector_store %arg7[%swap3A_994, %swap3A_995], %swap3A_998 {strides = array<i32>} : memref<4x128xi32, #tpu.memory_space<vmem>>, vector<1x16xi32>,
        %get3A_999 = arith.index_cast %add3A_844 : i32 to index
        %get3A_1000 = arith.constant 112 : index
        %get3A_1001 = tpu.vector_load %arg6[%get3A_999, %get3A_1000] {strides = array<i32>} : memref<80x128xi32, #tpu.memory_space<vmem>>, vector<1x16xi32>,
        %get3A_1002 = vector.shape_cast %get3A_1001 : vector<1x16xi32> to vector<16xi32>
        %and3A_1003 = arith.constant 16383 : i32
        %and3A_1004 = vector.broadcast %and3A_1003 : i32 to vector<16xi32>
        %and3A_1005 = arith.andi %get3A_1002, %and3A_1004 : vector<16xi32>
        %swap3A_1006 = arith.constant 0 : i32
        %swap3A_1007 = arith.index_cast %swap3A_1006 : i32 to index
        %swap3A_1008 = arith.constant 112 : index
        %swap3A_1009 = tpu.vector_load %arg7[%swap3A_1007, %swap3A_1008] {strides = array<i32>} : memref<4x128xi32, #tpu.memory_space<vmem>>, vector<1x16xi32>,
        %swap3A_1010 = vector.shape_cast %swap3A_1009 : vector<1x16xi32> to vector<16xi32>
        %swap3A_1011 = vector.shape_cast %and3A_1005 : vector<16xi32> to vector<1x16xi32>
        tpu.vector_store %arg7[%swap3A_1007, %swap3A_1008], %swap3A_1011 {strides = array<i32>} : memref<4x128xi32, #tpu.memory_space<vmem>>, vector<1x16xi32>,
        %shift_right_logical3A_1012 = arith.constant 14 : i32
        %shift_right_logical3A_1013 = vector.broadcast %shift_right_logical3A_1012 : i32 to vector<16xi32>
        %shift_right_logical3A_1014 = arith.shrui %get3A_1002, %shift_right_logical3A_1013 : vector<16xi32>
        %swap3A_1015 = arith.constant 1 : i32
        %swap3A_1016 = arith.index_cast %swap3A_1015 : i32 to index
        %swap3A_1017 = arith.constant 112 : index
        %swap3A_1018 = tpu.vector_load %arg7[%swap3A_1016, %swap3A_1017] {strides = array<i32>} : memref<4x128xi32, #tpu.memory_space<vmem>>, vector<1x16xi32>,
        %swap3A_1019 = vector.shape_cast %swap3A_1018 : vector<1x16xi32> to vector<16xi32>
        %swap3A_1020 = vector.shape_cast %shift_right_logical3A_1014 : vector<16xi32> to vector<1x16xi32>
        tpu.vector_store %arg7[%swap3A_1016, %swap3A_1017], %swap3A_1020 {strides = array<i32>} : memref<4x128xi32, #tpu.memory_space<vmem>>, vector<1x16xi32>,
        %dma_start3A_1021 = arith.constant 0 : i32
        %dma_start3A_1022 = arith.constant 0 : i32
        %dma_start3A_1023 = tpu.memref_slice %arg7[%dma_start3A_1021, %dma_start3A_1022] : memref<4x128xi32, #tpu.memory_space<vmem>> -> memref<1x128xi32, #tpu.memory_space<vmem>>
        %dma_start3A_1024 = tpu.memref_squeeze %dma_start3A_1023 : memref<1x128xi32, #tpu.memory_space<vmem>> -> memref<128xi32, #tpu.memory_space<vmem>>
        %dma_start3A_1025 = arith.constant 0 : i32
        %dma_start3A_1026 = arith.constant 0 : i32
        %dma_start3A_1027 = tpu.memref_slice %arg2[%dma_start3A_1025, %dma_start3A_1026] : memref<10000x128xf32, #tpu.memory_space<hbm>> -> memref<10000x128xf32, #tpu.memory_space<hbm>>
        tpu.enqueue_indirect_dma source(%dma_start3A_1027 : memref<10000x128xf32, #tpu.memory_space<hbm>>) target(%arg8 : memref<128x128xf32, #tpu.memory_space<vmem>>) offsets(%dma_start3A_1024 : memref<128xi32, #tpu.memory_space<vmem>>) semaphore(%arg11 : memref<!tpu.dma_semaphore, #tpu.memory_space<semaphore_mem>>)
        %dma_wait3A_1028 = arith.constant 2 : i32
        %dma_wait3A_1029 = arith.constant 0 : i32
        %dma_wait3A_1030 = tpu.memref_slice %arg7[%dma_wait3A_1028, %dma_wait3A_1029] : memref<4x128xi32, #tpu.memory_space<vmem>> -> memref<1x128xi32, #tpu.memory_space<vmem>>
        %dma_wait3A_1031 = tpu.memref_squeeze %dma_wait3A_1030 : memref<1x128xi32, #tpu.memory_space<vmem>> -> memref<128xi32, #tpu.memory_space<vmem>>
        %dma_wait3A_1032 = arith.constant 0 : i32
        %dma_wait3A_1033 = arith.constant 0 : i32
        %dma_wait3A_1034 = tpu.memref_slice %arg2[%dma_wait3A_1032, %dma_wait3A_1033] : memref<10000x128xf32, #tpu.memory_space<hbm>> -> memref<10000x128xf32, #tpu.memory_space<hbm>>
        tpu.wait_indirect_dma semaphore(%arg12 : memref<!tpu.dma_semaphore, #tpu.memory_space<semaphore_mem>>) src(%dma_wait3A_1034 : memref<10000x128xf32, #tpu.memory_space<hbm>>) dst(%arg9 : memref<128x128xf32, #tpu.memory_space<vmem>>)
        %run_scoped3A_1035 = arith.constant 3 : i32
        "tpu.region"() ({
          %run_scoped3A_1221 = tpu.sem_alloc : memref<!tpu.dma_semaphore, #tpu.memory_space<semaphore_mem>>
          %dma_start3A_1222 = arith.constant 0 : i32
          %dma_start3A_1223 = tpu.memref_slice %arg7[%run_scoped3A_1035, %dma_start3A_1222] : memref<4x128xi32, #tpu.memory_space<vmem>> -> memref<1x128xi32, #tpu.memory_space<vmem>>
          %dma_start3A_1224 = tpu.memref_squeeze %dma_start3A_1223 : memref<1x128xi32, #tpu.memory_space<vmem>> -> memref<128xi32, #tpu.memory_space<vmem>>
          %dma_start3A_1225 = arith.constant 0 : i32
          %dma_start3A_1226 = arith.constant 0 : i32
          %dma_start3A_1227 = tpu.memref_slice %arg10[%dma_start3A_1225, %dma_start3A_1226] : memref<10048x128xf32, #tpu.memory_space<vmem_shared>> -> memref<10048x128xf32, #tpu.memory_space<vmem_shared>>
          tpu.enqueue_indirect_dma source(%arg9 : memref<128x128xf32, #tpu.memory_space<vmem>>) target(%dma_start3A_1227 : memref<10048x128xf32, #tpu.memory_space<vmem_shared>>) offsets(%dma_start3A_1224 : memref<128xi32, #tpu.memory_space<vmem>>) semaphore(%run_scoped3A_1221 : memref<!tpu.dma_semaphore, #tpu.memory_space<semaphore_mem>>) {add = true}
          %dma_wait3A_1228 = arith.constant 0 : i32
          %dma_wait3A_1229 = tpu.memref_slice %arg7[%run_scoped3A_1035, %dma_wait3A_1228] : memref<4x128xi32, #tpu.memory_space<vmem>> -> memref<1x128xi32, #tpu.memory_space<vmem>>
          %dma_wait3A_1230 = tpu.memref_squeeze %dma_wait3A_1229 : memref<1x128xi32, #tpu.memory_space<vmem>> -> memref<128xi32, #tpu.memory_space<vmem>>
          %dma_wait3A_1231 = arith.constant 0 : i32
          %dma_wait3A_1232 = arith.constant 0 : i32
          %dma_wait3A_1233 = tpu.memref_slice %arg10[%dma_wait3A_1231, %dma_wait3A_1232] : memref<10048x128xf32, #tpu.memory_space<vmem_shared>> -> memref<10048x128xf32, #tpu.memory_space<vmem_shared>>
          tpu.wait_indirect_dma semaphore(%run_scoped3A_1221 : memref<!tpu.dma_semaphore, #tpu.memory_space<semaphore_mem>>) src(%arg9 : memref<128x128xf32, #tpu.memory_space<vmem>>) dst(%dma_wait3A_1233 : memref<10048x128xf32, #tpu.memory_space<vmem_shared>>)
          tpu.yield
        }) : () -> ()
        %add3A_1036 = arith.constant 3 : i32
        %add3A_1037 = arith.addi %add3A_834, %add3A_1036 : i32
        %get3A_1038 = arith.index_cast %add3A_1037 : i32 to index
        %get3A_1039 = arith.constant 0 : index
        %get3A_1040 = tpu.vector_load %arg6[%get3A_1038, %get3A_1039] {strides = array<i32>} : memref<80x128xi32, #tpu.memory_space<vmem>>, vector<1x16xi32>,
        %get3A_1041 = vector.shape_cast %get3A_1040 : vector<1x16xi32> to vector<16xi32>
        %and3A_1042 = arith.constant 16383 : i32
        %and3A_1043 = vector.broadcast %and3A_1042 : i32 to vector<16xi32>
        %and3A_1044 = arith.andi %get3A_1041, %and3A_1043 : vector<16xi32>
        %swap3A_1045 = arith.constant 2 : i32
        %swap3A_1046 = arith.index_cast %swap3A_1045 : i32 to index
        %swap3A_1047 = arith.constant 0 : index
        %swap3A_1048 = tpu.vector_load %arg7[%swap3A_1046, %swap3A_1047] {strides = array<i32>} : memref<4x128xi32, #tpu.memory_space<vmem>>, vector<1x16xi32>,
        %swap3A_1049 = vector.shape_cast %swap3A_1048 : vector<1x16xi32> to vector<16xi32>
        %swap3A_1050 = vector.shape_cast %and3A_1044 : vector<16xi32> to vector<1x16xi32>
        tpu.vector_store %arg7[%swap3A_1046, %swap3A_1047], %swap3A_1050 {strides = array<i32>} : memref<4x128xi32, #tpu.memory_space<vmem>>, vector<1x16xi32>,
        %shift_right_logical3A_1051 = arith.constant 14 : i32
        %shift_right_logical3A_1052 = vector.broadcast %shift_right_logical3A_1051 : i32 to vector<16xi32>
        %shift_right_logical3A_1053 = arith.shrui %get3A_1041, %shift_right_logical3A_1052 : vector<16xi32>
        %swap3A_1054 = arith.constant 3 : i32
        %swap3A_1055 = arith.index_cast %swap3A_1054 : i32 to index
        %swap3A_1056 = arith.constant 0 : index
        %swap3A_1057 = tpu.vector_load %arg7[%swap3A_1055, %swap3A_1056] {strides = array<i32>} : memref<4x128xi32, #tpu.memory_space<vmem>>, vector<1x16xi32>,
        %swap3A_1058 = vector.shape_cast %swap3A_1057 : vector<1x16xi32> to vector<16xi32>
        %swap3A_1059 = vector.shape_cast %shift_right_logical3A_1053 : vector<16xi32> to vector<1x16xi32>
        tpu.vector_store %arg7[%swap3A_1055, %swap3A_1056], %swap3A_1059 {strides = array<i32>} : memref<4x128xi32, #tpu.memory_space<vmem>>, vector<1x16xi32>,
        %get3A_1060 = arith.index_cast %add3A_1037 : i32 to index
        %get3A_1061 = arith.constant 16 : index
        %get3A_1062 = tpu.vector_load %arg6[%get3A_1060, %get3A_1061] {strides = array<i32>} : memref<80x128xi32, #tpu.memory_space<vmem>>, vector<1x16xi32>,
        %get3A_1063 = vector.shape_cast %get3A_1062 : vector<1x16xi32> to vector<16xi32>
        %and3A_1064 = arith.constant 16383 : i32
        %and3A_1065 = vector.broadcast %and3A_1064 : i32 to vector<16xi32>
        %and3A_1066 = arith.andi %get3A_1063, %and3A_1065 : vector<16xi32>
        %swap3A_1067 = arith.constant 2 : i32
        %swap3A_1068 = arith.index_cast %swap3A_1067 : i32 to index
        %swap3A_1069 = arith.constant 16 : index
        %swap3A_1070 = tpu.vector_load %arg7[%swap3A_1068, %swap3A_1069] {strides = array<i32>} : memref<4x128xi32, #tpu.memory_space<vmem>>, vector<1x16xi32>,
        %swap3A_1071 = vector.shape_cast %swap3A_1070 : vector<1x16xi32> to vector<16xi32>
        %swap3A_1072 = vector.shape_cast %and3A_1066 : vector<16xi32> to vector<1x16xi32>
        tpu.vector_store %arg7[%swap3A_1068, %swap3A_1069], %swap3A_1072 {strides = array<i32>} : memref<4x128xi32, #tpu.memory_space<vmem>>, vector<1x16xi32>,
        %shift_right_logical3A_1073 = arith.constant 14 : i32
        %shift_right_logical3A_1074 = vector.broadcast %shift_right_logical3A_1073 : i32 to vector<16xi32>
        %shift_right_logical3A_1075 = arith.shrui %get3A_1063, %shift_right_logical3A_1074 : vector<16xi32>
        %swap3A_1076 = arith.constant 3 : i32
        %swap3A_1077 = arith.index_cast %swap3A_1076 : i32 to index
        %swap3A_1078 = arith.constant 16 : index
        %swap3A_1079 = tpu.vector_load %arg7[%swap3A_1077, %swap3A_1078] {strides = array<i32>} : memref<4x128xi32, #tpu.memory_space<vmem>>, vector<1x16xi32>,
        %swap3A_1080 = vector.shape_cast %swap3A_1079 : vector<1x16xi32> to vector<16xi32>
        %swap3A_1081 = vector.shape_cast %shift_right_logical3A_1075 : vector<16xi32> to vector<1x16xi32>
        tpu.vector_store %arg7[%swap3A_1077, %swap3A_1078], %swap3A_1081 {strides = array<i32>} : memref<4x128xi32, #tpu.memory_space<vmem>>, vector<1x16xi32>,
        %get3A_1082 = arith.index_cast %add3A_1037 : i32 to index
        %get3A_1083 = arith.constant 32 : index
        %get3A_1084 = tpu.vector_load %arg6[%get3A_1082, %get3A_1083] {strides = array<i32>} : memref<80x128xi32, #tpu.memory_space<vmem>>, vector<1x16xi32>,
        %get3A_1085 = vector.shape_cast %get3A_1084 : vector<1x16xi32> to vector<16xi32>
        %and3A_1086 = arith.constant 16383 : i32
        %and3A_1087 = vector.broadcast %and3A_1086 : i32 to vector<16xi32>
        %and3A_1088 = arith.andi %get3A_1085, %and3A_1087 : vector<16xi32>
        %swap3A_1089 = arith.constant 2 : i32
        %swap3A_1090 = arith.index_cast %swap3A_1089 : i32 to index
        %swap3A_1091 = arith.constant 32 : index
        %swap3A_1092 = tpu.vector_load %arg7[%swap3A_1090, %swap3A_1091] {strides = array<i32>} : memref<4x128xi32, #tpu.memory_space<vmem>>, vector<1x16xi32>,
        %swap3A_1093 = vector.shape_cast %swap3A_1092 : vector<1x16xi32> to vector<16xi32>
        %swap3A_1094 = vector.shape_cast %and3A_1088 : vector<16xi32> to vector<1x16xi32>
        tpu.vector_store %arg7[%swap3A_1090, %swap3A_1091], %swap3A_1094 {strides = array<i32>} : memref<4x128xi32, #tpu.memory_space<vmem>>, vector<1x16xi32>,
        %shift_right_logical3A_1095 = arith.constant 14 : i32
        %shift_right_logical3A_1096 = vector.broadcast %shift_right_logical3A_1095 : i32 to vector<16xi32>
        %shift_right_logical3A_1097 = arith.shrui %get3A_1085, %shift_right_logical3A_1096 : vector<16xi32>
        %swap3A_1098 = arith.constant 3 : i32
        %swap3A_1099 = arith.index_cast %swap3A_1098 : i32 to index
        %swap3A_1100 = arith.constant 32 : index
        %swap3A_1101 = tpu.vector_load %arg7[%swap3A_1099, %swap3A_1100] {strides = array<i32>} : memref<4x128xi32, #tpu.memory_space<vmem>>, vector<1x16xi32>,
        %swap3A_1102 = vector.shape_cast %swap3A_1101 : vector<1x16xi32> to vector<16xi32>
        %swap3A_1103 = vector.shape_cast %shift_right_logical3A_1097 : vector<16xi32> to vector<1x16xi32>
        tpu.vector_store %arg7[%swap3A_1099, %swap3A_1100], %swap3A_1103 {strides = array<i32>} : memref<4x128xi32, #tpu.memory_space<vmem>>, vector<1x16xi32>,
        %get3A_1104 = arith.index_cast %add3A_1037 : i32 to index
        %get3A_1105 = arith.constant 48 : index
        %get3A_1106 = tpu.vector_load %arg6[%get3A_1104, %get3A_1105] {strides = array<i32>} : memref<80x128xi32, #tpu.memory_space<vmem>>, vector<1x16xi32>,
        %get3A_1107 = vector.shape_cast %get3A_1106 : vector<1x16xi32> to vector<16xi32>
        %and3A_1108 = arith.constant 16383 : i32
        %and3A_1109 = vector.broadcast %and3A_1108 : i32 to vector<16xi32>
        %and3A_1110 = arith.andi %get3A_1107, %and3A_1109 : vector<16xi32>
        %swap3A_1111 = arith.constant 2 : i32
        %swap3A_1112 = arith.index_cast %swap3A_1111 : i32 to index
        %swap3A_1113 = arith.constant 48 : index
        %swap3A_1114 = tpu.vector_load %arg7[%swap3A_1112, %swap3A_1113] {strides = array<i32>} : memref<4x128xi32, #tpu.memory_space<vmem>>, vector<1x16xi32>,
        %swap3A_1115 = vector.shape_cast %swap3A_1114 : vector<1x16xi32> to vector<16xi32>
        %swap3A_1116 = vector.shape_cast %and3A_1110 : vector<16xi32> to vector<1x16xi32>
        tpu.vector_store %arg7[%swap3A_1112, %swap3A_1113], %swap3A_1116 {strides = array<i32>} : memref<4x128xi32, #tpu.memory_space<vmem>>, vector<1x16xi32>,
        %shift_right_logical3A_1117 = arith.constant 14 : i32
        %shift_right_logical3A_1118 = vector.broadcast %shift_right_logical3A_1117 : i32 to vector<16xi32>
        %shift_right_logical3A_1119 = arith.shrui %get3A_1107, %shift_right_logical3A_1118 : vector<16xi32>
        %swap3A_1120 = arith.constant 3 : i32
        %swap3A_1121 = arith.index_cast %swap3A_1120 : i32 to index
        %swap3A_1122 = arith.constant 48 : index
        %swap3A_1123 = tpu.vector_load %arg7[%swap3A_1121, %swap3A_1122] {strides = array<i32>} : memref<4x128xi32, #tpu.memory_space<vmem>>, vector<1x16xi32>,
        %swap3A_1124 = vector.shape_cast %swap3A_1123 : vector<1x16xi32> to vector<16xi32>
        %swap3A_1125 = vector.shape_cast %shift_right_logical3A_1119 : vector<16xi32> to vector<1x16xi32>
        tpu.vector_store %arg7[%swap3A_1121, %swap3A_1122], %swap3A_1125 {strides = array<i32>} : memref<4x128xi32, #tpu.memory_space<vmem>>, vector<1x16xi32>,
        %get3A_1126 = arith.index_cast %add3A_1037 : i32 to index
        %get3A_1127 = arith.constant 64 : index
        %get3A_1128 = tpu.vector_load %arg6[%get3A_1126, %get3A_1127] {strides = array<i32>} : memref<80x128xi32, #tpu.memory_space<vmem>>, vector<1x16xi32>,
        %get3A_1129 = vector.shape_cast %get3A_1128 : vector<1x16xi32> to vector<16xi32>
        %and3A_1130 = arith.constant 16383 : i32
        %and3A_1131 = vector.broadcast %and3A_1130 : i32 to vector<16xi32>
        %and3A_1132 = arith.andi %get3A_1129, %and3A_1131 : vector<16xi32>
        %swap3A_1133 = arith.constant 2 : i32
        %swap3A_1134 = arith.index_cast %swap3A_1133 : i32 to index
        %swap3A_1135 = arith.constant 64 : index
        %swap3A_1136 = tpu.vector_load %arg7[%swap3A_1134, %swap3A_1135] {strides = array<i32>} : memref<4x128xi32, #tpu.memory_space<vmem>>, vector<1x16xi32>,
        %swap3A_1137 = vector.shape_cast %swap3A_1136 : vector<1x16xi32> to vector<16xi32>
        %swap3A_1138 = vector.shape_cast %and3A_1132 : vector<16xi32> to vector<1x16xi32>
        tpu.vector_store %arg7[%swap3A_1134, %swap3A_1135], %swap3A_1138 {strides = array<i32>} : memref<4x128xi32, #tpu.memory_space<vmem>>, vector<1x16xi32>,
        %shift_right_logical3A_1139 = arith.constant 14 : i32
        %shift_right_logical3A_1140 = vector.broadcast %shift_right_logical3A_1139 : i32 to vector<16xi32>
        %shift_right_logical3A_1141 = arith.shrui %get3A_1129, %shift_right_logical3A_1140 : vector<16xi32>
        %swap3A_1142 = arith.constant 3 : i32
        %swap3A_1143 = arith.index_cast %swap3A_1142 : i32 to index
        %swap3A_1144 = arith.constant 64 : index
        %swap3A_1145 = tpu.vector_load %arg7[%swap3A_1143, %swap3A_1144] {strides = array<i32>} : memref<4x128xi32, #tpu.memory_space<vmem>>, vector<1x16xi32>,
        %swap3A_1146 = vector.shape_cast %swap3A_1145 : vector<1x16xi32> to vector<16xi32>
        %swap3A_1147 = vector.shape_cast %shift_right_logical3A_1141 : vector<16xi32> to vector<1x16xi32>
        tpu.vector_store %arg7[%swap3A_1143, %swap3A_1144], %swap3A_1147 {strides = array<i32>} : memref<4x128xi32, #tpu.memory_space<vmem>>, vector<1x16xi32>,
        %get3A_1148 = arith.index_cast %add3A_1037 : i32 to index
        %get3A_1149 = arith.constant 80 : index
        %get3A_1150 = tpu.vector_load %arg6[%get3A_1148, %get3A_1149] {strides = array<i32>} : memref<80x128xi32, #tpu.memory_space<vmem>>, vector<1x16xi32>,
        %get3A_1151 = vector.shape_cast %get3A_1150 : vector<1x16xi32> to vector<16xi32>
        %and3A_1152 = arith.constant 16383 : i32
        %and3A_1153 = vector.broadcast %and3A_1152 : i32 to vector<16xi32>
        %and3A_1154 = arith.andi %get3A_1151, %and3A_1153 : vector<16xi32>
        %swap3A_1155 = arith.constant 2 : i32
        %swap3A_1156 = arith.index_cast %swap3A_1155 : i32 to index
        %swap3A_1157 = arith.constant 80 : index
        %swap3A_1158 = tpu.vector_load %arg7[%swap3A_1156, %swap3A_1157] {strides = array<i32>} : memref<4x128xi32, #tpu.memory_space<vmem>>, vector<1x16xi32>,
        %swap3A_1159 = vector.shape_cast %swap3A_1158 : vector<1x16xi32> to vector<16xi32>
        %swap3A_1160 = vector.shape_cast %and3A_1154 : vector<16xi32> to vector<1x16xi32>
        tpu.vector_store %arg7[%swap3A_1156, %swap3A_1157], %swap3A_1160 {strides = array<i32>} : memref<4x128xi32, #tpu.memory_space<vmem>>, vector<1x16xi32>,
        %shift_right_logical3A_1161 = arith.constant 14 : i32
        %shift_right_logical3A_1162 = vector.broadcast %shift_right_logical3A_1161 : i32 to vector<16xi32>
        %shift_right_logical3A_1163 = arith.shrui %get3A_1151, %shift_right_logical3A_1162 : vector<16xi32>
        %swap3A_1164 = arith.constant 3 : i32
        %swap3A_1165 = arith.index_cast %swap3A_1164 : i32 to index
        %swap3A_1166 = arith.constant 80 : index
        %swap3A_1167 = tpu.vector_load %arg7[%swap3A_1165, %swap3A_1166] {strides = array<i32>} : memref<4x128xi32, #tpu.memory_space<vmem>>, vector<1x16xi32>,
        %swap3A_1168 = vector.shape_cast %swap3A_1167 : vector<1x16xi32> to vector<16xi32>
        %swap3A_1169 = vector.shape_cast %shift_right_logical3A_1163 : vector<16xi32> to vector<1x16xi32>
        tpu.vector_store %arg7[%swap3A_1165, %swap3A_1166], %swap3A_1169 {strides = array<i32>} : memref<4x128xi32, #tpu.memory_space<vmem>>, vector<1x16xi32>,
        %get3A_1170 = arith.index_cast %add3A_1037 : i32 to index
        %get3A_1171 = arith.constant 96 : index
        %get3A_1172 = tpu.vector_load %arg6[%get3A_1170, %get3A_1171] {strides = array<i32>} : memref<80x128xi32, #tpu.memory_space<vmem>>, vector<1x16xi32>,
        %get3A_1173 = vector.shape_cast %get3A_1172 : vector<1x16xi32> to vector<16xi32>
        %and3A_1174 = arith.constant 16383 : i32
        %and3A_1175 = vector.broadcast %and3A_1174 : i32 to vector<16xi32>
        %and3A_1176 = arith.andi %get3A_1173, %and3A_1175 : vector<16xi32>
        %swap3A_1177 = arith.constant 2 : i32
        %swap3A_1178 = arith.index_cast %swap3A_1177 : i32 to index
        %swap3A_1179 = arith.constant 96 : index
        %swap3A_1180 = tpu.vector_load %arg7[%swap3A_1178, %swap3A_1179] {strides = array<i32>} : memref<4x128xi32, #tpu.memory_space<vmem>>, vector<1x16xi32>,
        %swap3A_1181 = vector.shape_cast %swap3A_1180 : vector<1x16xi32> to vector<16xi32>
        %swap3A_1182 = vector.shape_cast %and3A_1176 : vector<16xi32> to vector<1x16xi32>
        tpu.vector_store %arg7[%swap3A_1178, %swap3A_1179], %swap3A_1182 {strides = array<i32>} : memref<4x128xi32, #tpu.memory_space<vmem>>, vector<1x16xi32>,
        %shift_right_logical3A_1183 = arith.constant 14 : i32
        %shift_right_logical3A_1184 = vector.broadcast %shift_right_logical3A_1183 : i32 to vector<16xi32>
        %shift_right_logical3A_1185 = arith.shrui %get3A_1173, %shift_right_logical3A_1184 : vector<16xi32>
        %swap3A_1186 = arith.constant 3 : i32
        %swap3A_1187 = arith.index_cast %swap3A_1186 : i32 to index
        %swap3A_1188 = arith.constant 96 : index
        %swap3A_1189 = tpu.vector_load %arg7[%swap3A_1187, %swap3A_1188] {strides = array<i32>} : memref<4x128xi32, #tpu.memory_space<vmem>>, vector<1x16xi32>,
        %swap3A_1190 = vector.shape_cast %swap3A_1189 : vector<1x16xi32> to vector<16xi32>
        %swap3A_1191 = vector.shape_cast %shift_right_logical3A_1185 : vector<16xi32> to vector<1x16xi32>
        tpu.vector_store %arg7[%swap3A_1187, %swap3A_1188], %swap3A_1191 {strides = array<i32>} : memref<4x128xi32, #tpu.memory_space<vmem>>, vector<1x16xi32>,
        %get3A_1192 = arith.index_cast %add3A_1037 : i32 to index
        %get3A_1193 = arith.constant 112 : index
        %get3A_1194 = tpu.vector_load %arg6[%get3A_1192, %get3A_1193] {strides = array<i32>} : memref<80x128xi32, #tpu.memory_space<vmem>>, vector<1x16xi32>,
        %get3A_1195 = vector.shape_cast %get3A_1194 : vector<1x16xi32> to vector<16xi32>
        %and3A_1196 = arith.constant 16383 : i32
        %and3A_1197 = vector.broadcast %and3A_1196 : i32 to vector<16xi32>
        %and3A_1198 = arith.andi %get3A_1195, %and3A_1197 : vector<16xi32>
        %swap3A_1199 = arith.constant 2 : i32
        %swap3A_1200 = arith.index_cast %swap3A_1199 : i32 to index
        %swap3A_1201 = arith.constant 112 : index
        %swap3A_1202 = tpu.vector_load %arg7[%swap3A_1200, %swap3A_1201] {strides = array<i32>} : memref<4x128xi32, #tpu.memory_space<vmem>>, vector<1x16xi32>,
        %swap3A_1203 = vector.shape_cast %swap3A_1202 : vector<1x16xi32> to vector<16xi32>
        %swap3A_1204 = vector.shape_cast %and3A_1198 : vector<16xi32> to vector<1x16xi32>
        tpu.vector_store %arg7[%swap3A_1200, %swap3A_1201], %swap3A_1204 {strides = array<i32>} : memref<4x128xi32, #tpu.memory_space<vmem>>, vector<1x16xi32>,
        %shift_right_logical3A_1205 = arith.constant 14 : i32
        %shift_right_logical3A_1206 = vector.broadcast %shift_right_logical3A_1205 : i32 to vector<16xi32>
        %shift_right_logical3A_1207 = arith.shrui %get3A_1195, %shift_right_logical3A_1206 : vector<16xi32>
        %swap3A_1208 = arith.constant 3 : i32
        %swap3A_1209 = arith.index_cast %swap3A_1208 : i32 to index
        %swap3A_1210 = arith.constant 112 : index
        %swap3A_1211 = tpu.vector_load %arg7[%swap3A_1209, %swap3A_1210] {strides = array<i32>} : memref<4x128xi32, #tpu.memory_space<vmem>>, vector<1x16xi32>,
        %swap3A_1212 = vector.shape_cast %swap3A_1211 : vector<1x16xi32> to vector<16xi32>
        %swap3A_1213 = vector.shape_cast %shift_right_logical3A_1207 : vector<16xi32> to vector<1x16xi32>
        tpu.vector_store %arg7[%swap3A_1209, %swap3A_1210], %swap3A_1213 {strides = array<i32>} : memref<4x128xi32, #tpu.memory_space<vmem>>, vector<1x16xi32>,
        %dma_start3A_1214 = arith.constant 2 : i32
        %dma_start3A_1215 = arith.constant 0 : i32
        %dma_start3A_1216 = tpu.memref_slice %arg7[%dma_start3A_1214, %dma_start3A_1215] : memref<4x128xi32, #tpu.memory_space<vmem>> -> memref<1x128xi32, #tpu.memory_space<vmem>>
        %dma_start3A_1217 = tpu.memref_squeeze %dma_start3A_1216 : memref<1x128xi32, #tpu.memory_space<vmem>> -> memref<128xi32, #tpu.memory_space<vmem>>
        %dma_start3A_1218 = arith.constant 0 : i32
        %dma_start3A_1219 = arith.constant 0 : i32
        %dma_start3A_1220 = tpu.memref_slice %arg2[%dma_start3A_1218, %dma_start3A_1219] : memref<10000x128xf32, #tpu.memory_space<hbm>> -> memref<10000x128xf32, #tpu.memory_space<hbm>>
        tpu.enqueue_indirect_dma source(%dma_start3A_1220 : memref<10000x128xf32, #tpu.memory_space<hbm>>) target(%arg9 : memref<128x128xf32, #tpu.memory_space<vmem>>) offsets(%dma_start3A_1217 : memref<128xi32, #tpu.memory_space<vmem>>) semaphore(%arg12 : memref<!tpu.dma_semaphore, #tpu.memory_space<semaphore_mem>>)
      }
      %scan3A_395 = arith.constant 39 : i32
      %dma_wait3A = arith.constant 0 : i32
      %dma_wait3A_396 = arith.constant 0 : i32
      %dma_wait3A_397 = tpu.memref_slice %arg7[%dma_wait3A, %dma_wait3A_396] : memref<4x128xi32, #tpu.memory_space<vmem>> -> memref<1x128xi32, #tpu.memory_space<vmem>>
      %dma_wait3A_398 = tpu.memref_squeeze %dma_wait3A_397 : memref<1x128xi32, #tpu.memory_space<vmem>> -> memref<128xi32, #tpu.memory_space<vmem>>
      %dma_wait3A_399 = arith.constant 0 : i32
      %dma_wait3A_400 = arith.constant 0 : i32
      %dma_wait3A_401 = tpu.memref_slice %arg2[%dma_wait3A_399, %dma_wait3A_400] : memref<10000x128xf32, #tpu.memory_space<hbm>> -> memref<10000x128xf32, #tpu.memory_space<hbm>>
      tpu.wait_indirect_dma semaphore(%arg11 : memref<!tpu.dma_semaphore, #tpu.memory_space<semaphore_mem>>) src(%dma_wait3A_401 : memref<10000x128xf32, #tpu.memory_space<hbm>>) dst(%arg8 : memref<128x128xf32, #tpu.memory_space<vmem>>)
      %run_scoped3A = arith.constant 1 : i32
      "tpu.region"() ({
        %run_scoped3A_830 = tpu.sem_alloc : memref<!tpu.dma_semaphore, #tpu.memory_space<semaphore_mem>>
        %dma_start3A_831 = arith.constant 0 : i32
        %dma_start3A_832 = tpu.memref_slice %arg7[%run_scoped3A, %dma_start3A_831] : memref<4x128xi32, #tpu.memory_space<vmem>> -> memref<1x128xi32, #tpu.memory_space<vmem>>
        %dma_start3A_833 = tpu.memref_squeeze %dma_start3A_832 : memref<1x128xi32, #tpu.memory_space<vmem>> -> memref<128xi32, #tpu.memory_space<vmem>>
        %dma_start3A_834 = arith.constant 0 : i32
        %dma_start3A_835 = arith.constant 0 : i32
        %dma_start3A_836 = tpu.memref_slice %arg10[%dma_start3A_834, %dma_start3A_835] : memref<10048x128xf32, #tpu.memory_space<vmem_shared>> -> memref<10048x128xf32, #tpu.memory_space<vmem_shared>>
        tpu.enqueue_indirect_dma source(%arg8 : memref<128x128xf32, #tpu.memory_space<vmem>>) target(%dma_start3A_836 : memref<10048x128xf32, #tpu.memory_space<vmem_shared>>) offsets(%dma_start3A_833 : memref<128xi32, #tpu.memory_space<vmem>>) semaphore(%run_scoped3A_830 : memref<!tpu.dma_semaphore, #tpu.memory_space<semaphore_mem>>) {add = true}
        %dma_wait3A_837 = arith.constant 0 : i32
        %dma_wait3A_838 = tpu.memref_slice %arg7[%run_scoped3A, %dma_wait3A_837] : memref<4x128xi32, #tpu.memory_space<vmem>> -> memref<1x128xi32, #tpu.memory_space<vmem>>
        %dma_wait3A_839 = tpu.memref_squeeze %dma_wait3A_838 : memref<1x128xi32, #tpu.memory_space<vmem>> -> memref<128xi32, #tpu.memory_space<vmem>>
        %dma_wait3A_840 = arith.constant 0 : i32
        %dma_wait3A_841 = arith.constant 0 : i32
        %dma_wait3A_842 = tpu.memref_slice %arg10[%dma_wait3A_840, %dma_wait3A_841] : memref<10048x128xf32, #tpu.memory_space<vmem_shared>> -> memref<10048x128xf32, #tpu.memory_space<vmem_shared>>
        tpu.wait_indirect_dma semaphore(%run_scoped3A_830 : memref<!tpu.dma_semaphore, #tpu.memory_space<semaphore_mem>>) src(%arg8 : memref<128x128xf32, #tpu.memory_space<vmem>>) dst(%dma_wait3A_842 : memref<10048x128xf32, #tpu.memory_space<vmem_shared>>)
        tpu.yield
      }) : () -> ()
      %dma_wait3A_402 = arith.constant 2 : i32
      %dma_wait3A_403 = arith.constant 0 : i32
      %dma_wait3A_404 = tpu.memref_slice %arg7[%dma_wait3A_402, %dma_wait3A_403] : memref<4x128xi32, #tpu.memory_space<vmem>> -> memref<1x128xi32, #tpu.memory_space<vmem>>
      %dma_wait3A_405 = tpu.memref_squeeze %dma_wait3A_404 : memref<1x128xi32, #tpu.memory_space<vmem>> -> memref<128xi32, #tpu.memory_space<vmem>>
      %dma_wait3A_406 = arith.constant 0 : i32
      %dma_wait3A_407 = arith.constant 0 : i32
      %dma_wait3A_408 = tpu.memref_slice %arg2[%dma_wait3A_406, %dma_wait3A_407] : memref<10000x128xf32, #tpu.memory_space<hbm>> -> memref<10000x128xf32, #tpu.memory_space<hbm>>
      tpu.wait_indirect_dma semaphore(%arg12 : memref<!tpu.dma_semaphore, #tpu.memory_space<semaphore_mem>>) src(%dma_wait3A_408 : memref<10000x128xf32, #tpu.memory_space<hbm>>) dst(%arg9 : memref<128x128xf32, #tpu.memory_space<vmem>>)
      %run_scoped3A_409 = arith.constant 3 : i32
      "tpu.region"() ({
        %run_scoped3A_830 = tpu.sem_alloc : memref<!tpu.dma_semaphore, #tpu.memory_space<semaphore_mem>>
        %dma_start3A_831 = arith.constant 0 : i32
        %dma_start3A_832 = tpu.memref_slice %arg7[%run_scoped3A_409, %dma_start3A_831] : memref<4x128xi32, #tpu.memory_space<vmem>> -> memref<1x128xi32, #tpu.memory_space<vmem>>
        %dma_start3A_833 = tpu.memref_squeeze %dma_start3A_832 : memref<1x128xi32, #tpu.memory_space<vmem>> -> memref<128xi32, #tpu.memory_space<vmem>>
        %dma_start3A_834 = arith.constant 0 : i32
        %dma_start3A_835 = arith.constant 0 : i32
        %dma_start3A_836 = tpu.memref_slice %arg10[%dma_start3A_834, %dma_start3A_835] : memref<10048x128xf32, #tpu.memory_space<vmem_shared>> -> memref<10048x128xf32, #tpu.memory_space<vmem_shared>>
        tpu.enqueue_indirect_dma source(%arg9 : memref<128x128xf32, #tpu.memory_space<vmem>>) target(%dma_start3A_836 : memref<10048x128xf32, #tpu.memory_space<vmem_shared>>) offsets(%dma_start3A_833 : memref<128xi32, #tpu.memory_space<vmem>>) semaphore(%run_scoped3A_830 : memref<!tpu.dma_semaphore, #tpu.memory_space<semaphore_mem>>) {add = true}
        %dma_wait3A_837 = arith.constant 0 : i32
        %dma_wait3A_838 = tpu.memref_slice %arg7[%run_scoped3A_409, %dma_wait3A_837] : memref<4x128xi32, #tpu.memory_space<vmem>> -> memref<1x128xi32, #tpu.memory_space<vmem>>
        %dma_wait3A_839 = tpu.memref_squeeze %dma_wait3A_838 : memref<1x128xi32, #tpu.memory_space<vmem>> -> memref<128xi32, #tpu.memory_space<vmem>>
        %dma_wait3A_840 = arith.constant 0 : i32
        %dma_wait3A_841 = arith.constant 0 : i32
        %dma_wait3A_842 = tpu.memref_slice %arg10[%dma_wait3A_840, %dma_wait3A_841] : memref<10048x128xf32, #tpu.memory_space<vmem_shared>> -> memref<10048x128xf32, #tpu.memory_space<vmem_shared>>
        tpu.wait_indirect_dma semaphore(%run_scoped3A_830 : memref<!tpu.dma_semaphore, #tpu.memory_space<semaphore_mem>>) src(%arg9 : memref<128x128xf32, #tpu.memory_space<vmem>>) dst(%dma_wait3A_842 : memref<10048x128xf32, #tpu.memory_space<vmem_shared>>)
        tpu.yield
      }) : () -> ()
      %mul3A_410 = arith.constant 160 : i32
      %mul3A_411 = arith.muli %arg1, %mul3A_410 : i32
      %add3A_412 = arith.constant 80 : i32
      %add3A_413 = arith.addi %mul3A_411, %add3A_412 : i32
      "tpu.region"() ({
        %run_scoped3A_830 = tpu.sem_alloc : memref<!tpu.dma_semaphore, #tpu.memory_space<semaphore_mem>>
        %dma_start3A_831 = arith.constant 0 : i32
        %dma_start3A_832 = tpu.memref_slice %arg3[%add3A_413, %dma_start3A_831] : memref<2560x128xi32, #tpu.memory_space<hbm>> -> memref<80x128xi32, #tpu.memory_space<hbm>>
        %dma_start3A_833 = arith.constant 0 : i32
        %dma_start3A_834 = tpu.memref_slice %arg3[%add3A_413, %dma_start3A_833] : memref<2560x128xi32, #tpu.memory_space<hbm>> -> memref<80x128xi32, #tpu.memory_space<hbm>>
        tpu.enqueue_dma source(%dma_start3A_834 : memref<80x128xi32, #tpu.memory_space<hbm>>) target(%arg6 : memref<80x128xi32, #tpu.memory_space<vmem>>) target_semaphore(%run_scoped3A_830 : memref<!tpu.dma_semaphore, #tpu.memory_space<semaphore_mem>>)
        %dma_wait3A_835 = arith.constant 0 : i32
        %dma_wait3A_836 = tpu.memref_slice %arg3[%add3A_413, %dma_wait3A_835] : memref<2560x128xi32, #tpu.memory_space<hbm>> -> memref<80x128xi32, #tpu.memory_space<hbm>>
        %dma_wait3A_837 = arith.constant 0 : i32
        %dma_wait3A_838 = tpu.memref_slice %arg3[%add3A_413, %dma_wait3A_837] : memref<2560x128xi32, #tpu.memory_space<hbm>> -> memref<80x128xi32, #tpu.memory_space<hbm>>
        tpu.wait_dma2 semaphore(%run_scoped3A_830 : memref<!tpu.dma_semaphore, #tpu.memory_space<semaphore_mem>>) src(%dma_wait3A_838 : memref<80x128xi32, #tpu.memory_space<hbm>>) dst(%arg6 : memref<80x128xi32, #tpu.memory_space<vmem>>)
        tpu.yield
      }) : () -> ()
      %get3A_414 = arith.constant 0 : i32
      %get3A_415 = arith.index_cast %get3A_414 : i32 to index
      %get3A_416 = arith.constant 0 : index
      %get3A_417 = tpu.vector_load %arg6[%get3A_415, %get3A_416] {strides = array<i32>} : memref<80x128xi32, #tpu.memory_space<vmem>>, vector<1x16xi32>,
      %get3A_418 = vector.shape_cast %get3A_417 : vector<1x16xi32> to vector<16xi32>
      %and3A_419 = arith.constant 16383 : i32
      %and3A_420 = vector.broadcast %and3A_419 : i32 to vector<16xi32>
      %and3A_421 = arith.andi %get3A_418, %and3A_420 : vector<16xi32>
      %swap3A_422 = arith.constant 0 : i32
      %swap3A_423 = arith.index_cast %swap3A_422 : i32 to index
      %swap3A_424 = arith.constant 0 : index
      %swap3A_425 = tpu.vector_load %arg7[%swap3A_423, %swap3A_424] {strides = array<i32>} : memref<4x128xi32, #tpu.memory_space<vmem>>, vector<1x16xi32>,
      %swap3A_426 = vector.shape_cast %swap3A_425 : vector<1x16xi32> to vector<16xi32>
      %swap3A_427 = vector.shape_cast %and3A_421 : vector<16xi32> to vector<1x16xi32>
      tpu.vector_store %arg7[%swap3A_423, %swap3A_424], %swap3A_427 {strides = array<i32>} : memref<4x128xi32, #tpu.memory_space<vmem>>, vector<1x16xi32>,
      %shift_right_logical3A_428 = arith.constant 14 : i32
      %shift_right_logical3A_429 = vector.broadcast %shift_right_logical3A_428 : i32 to vector<16xi32>
      %shift_right_logical3A_430 = arith.shrui %get3A_418, %shift_right_logical3A_429 : vector<16xi32>
      %swap3A_431 = arith.constant 1 : i32
      %swap3A_432 = arith.index_cast %swap3A_431 : i32 to index
      %swap3A_433 = arith.constant 0 : index
      %swap3A_434 = tpu.vector_load %arg7[%swap3A_432, %swap3A_433] {strides = array<i32>} : memref<4x128xi32, #tpu.memory_space<vmem>>, vector<1x16xi32>,
      %swap3A_435 = vector.shape_cast %swap3A_434 : vector<1x16xi32> to vector<16xi32>
      %swap3A_436 = vector.shape_cast %shift_right_logical3A_430 : vector<16xi32> to vector<1x16xi32>
      tpu.vector_store %arg7[%swap3A_432, %swap3A_433], %swap3A_436 {strides = array<i32>} : memref<4x128xi32, #tpu.memory_space<vmem>>, vector<1x16xi32>,
      %get3A_437 = arith.constant 0 : i32
      %get3A_438 = arith.index_cast %get3A_437 : i32 to index
      %get3A_439 = arith.constant 16 : index
      %get3A_440 = tpu.vector_load %arg6[%get3A_438, %get3A_439] {strides = array<i32>} : memref<80x128xi32, #tpu.memory_space<vmem>>, vector<1x16xi32>,
      %get3A_441 = vector.shape_cast %get3A_440 : vector<1x16xi32> to vector<16xi32>
      %and3A_442 = arith.constant 16383 : i32
      %and3A_443 = vector.broadcast %and3A_442 : i32 to vector<16xi32>
      %and3A_444 = arith.andi %get3A_441, %and3A_443 : vector<16xi32>
      %swap3A_445 = arith.constant 0 : i32
      %swap3A_446 = arith.index_cast %swap3A_445 : i32 to index
      %swap3A_447 = arith.constant 16 : index
      %swap3A_448 = tpu.vector_load %arg7[%swap3A_446, %swap3A_447] {strides = array<i32>} : memref<4x128xi32, #tpu.memory_space<vmem>>, vector<1x16xi32>,
      %swap3A_449 = vector.shape_cast %swap3A_448 : vector<1x16xi32> to vector<16xi32>
      %swap3A_450 = vector.shape_cast %and3A_444 : vector<16xi32> to vector<1x16xi32>
      tpu.vector_store %arg7[%swap3A_446, %swap3A_447], %swap3A_450 {strides = array<i32>} : memref<4x128xi32, #tpu.memory_space<vmem>>, vector<1x16xi32>,
      %shift_right_logical3A_451 = arith.constant 14 : i32
      %shift_right_logical3A_452 = vector.broadcast %shift_right_logical3A_451 : i32 to vector<16xi32>
      %shift_right_logical3A_453 = arith.shrui %get3A_441, %shift_right_logical3A_452 : vector<16xi32>
      %swap3A_454 = arith.constant 1 : i32
      %swap3A_455 = arith.index_cast %swap3A_454 : i32 to index
      %swap3A_456 = arith.constant 16 : index
      %swap3A_457 = tpu.vector_load %arg7[%swap3A_455, %swap3A_456] {strides = array<i32>} : memref<4x128xi32, #tpu.memory_space<vmem>>, vector<1x16xi32>,
      %swap3A_458 = vector.shape_cast %swap3A_457 : vector<1x16xi32> to vector<16xi32>
      %swap3A_459 = vector.shape_cast %shift_right_logical3A_453 : vector<16xi32> to vector<1x16xi32>
      tpu.vector_store %arg7[%swap3A_455, %swap3A_456], %swap3A_459 {strides = array<i32>} : memref<4x128xi32, #tpu.memory_space<vmem>>, vector<1x16xi32>,
      %get3A_460 = arith.constant 0 : i32
      %get3A_461 = arith.index_cast %get3A_460 : i32 to index
      %get3A_462 = arith.constant 32 : index
      %get3A_463 = tpu.vector_load %arg6[%get3A_461, %get3A_462] {strides = array<i32>} : memref<80x128xi32, #tpu.memory_space<vmem>>, vector<1x16xi32>,
      %get3A_464 = vector.shape_cast %get3A_463 : vector<1x16xi32> to vector<16xi32>
      %and3A_465 = arith.constant 16383 : i32
      %and3A_466 = vector.broadcast %and3A_465 : i32 to vector<16xi32>
      %and3A_467 = arith.andi %get3A_464, %and3A_466 : vector<16xi32>
      %swap3A_468 = arith.constant 0 : i32
      %swap3A_469 = arith.index_cast %swap3A_468 : i32 to index
      %swap3A_470 = arith.constant 32 : index
      %swap3A_471 = tpu.vector_load %arg7[%swap3A_469, %swap3A_470] {strides = array<i32>} : memref<4x128xi32, #tpu.memory_space<vmem>>, vector<1x16xi32>,
      %swap3A_472 = vector.shape_cast %swap3A_471 : vector<1x16xi32> to vector<16xi32>
      %swap3A_473 = vector.shape_cast %and3A_467 : vector<16xi32> to vector<1x16xi32>
      tpu.vector_store %arg7[%swap3A_469, %swap3A_470], %swap3A_473 {strides = array<i32>} : memref<4x128xi32, #tpu.memory_space<vmem>>, vector<1x16xi32>,
      %shift_right_logical3A_474 = arith.constant 14 : i32
      %shift_right_logical3A_475 = vector.broadcast %shift_right_logical3A_474 : i32 to vector<16xi32>
      %shift_right_logical3A_476 = arith.shrui %get3A_464, %shift_right_logical3A_475 : vector<16xi32>
      %swap3A_477 = arith.constant 1 : i32
      %swap3A_478 = arith.index_cast %swap3A_477 : i32 to index
      %swap3A_479 = arith.constant 32 : index
      %swap3A_480 = tpu.vector_load %arg7[%swap3A_478, %swap3A_479] {strides = array<i32>} : memref<4x128xi32, #tpu.memory_space<vmem>>, vector<1x16xi32>,
      %swap3A_481 = vector.shape_cast %swap3A_480 : vector<1x16xi32> to vector<16xi32>
      %swap3A_482 = vector.shape_cast %shift_right_logical3A_476 : vector<16xi32> to vector<1x16xi32>
      tpu.vector_store %arg7[%swap3A_478, %swap3A_479], %swap3A_482 {strides = array<i32>} : memref<4x128xi32, #tpu.memory_space<vmem>>, vector<1x16xi32>,
      %get3A_483 = arith.constant 0 : i32
      %get3A_484 = arith.index_cast %get3A_483 : i32 to index
      %get3A_485 = arith.constant 48 : index
      %get3A_486 = tpu.vector_load %arg6[%get3A_484, %get3A_485] {strides = array<i32>} : memref<80x128xi32, #tpu.memory_space<vmem>>, vector<1x16xi32>,
      %get3A_487 = vector.shape_cast %get3A_486 : vector<1x16xi32> to vector<16xi32>
      %and3A_488 = arith.constant 16383 : i32
      %and3A_489 = vector.broadcast %and3A_488 : i32 to vector<16xi32>
      %and3A_490 = arith.andi %get3A_487, %and3A_489 : vector<16xi32>
      %swap3A_491 = arith.constant 0 : i32
      %swap3A_492 = arith.index_cast %swap3A_491 : i32 to index
      %swap3A_493 = arith.constant 48 : index
      %swap3A_494 = tpu.vector_load %arg7[%swap3A_492, %swap3A_493] {strides = array<i32>} : memref<4x128xi32, #tpu.memory_space<vmem>>, vector<1x16xi32>,
      %swap3A_495 = vector.shape_cast %swap3A_494 : vector<1x16xi32> to vector<16xi32>
      %swap3A_496 = vector.shape_cast %and3A_490 : vector<16xi32> to vector<1x16xi32>
      tpu.vector_store %arg7[%swap3A_492, %swap3A_493], %swap3A_496 {strides = array<i32>} : memref<4x128xi32, #tpu.memory_space<vmem>>, vector<1x16xi32>,
      %shift_right_logical3A_497 = arith.constant 14 : i32
      %shift_right_logical3A_498 = vector.broadcast %shift_right_logical3A_497 : i32 to vector<16xi32>
      %shift_right_logical3A_499 = arith.shrui %get3A_487, %shift_right_logical3A_498 : vector<16xi32>
      %swap3A_500 = arith.constant 1 : i32
      %swap3A_501 = arith.index_cast %swap3A_500 : i32 to index
      %swap3A_502 = arith.constant 48 : index
      %swap3A_503 = tpu.vector_load %arg7[%swap3A_501, %swap3A_502] {strides = array<i32>} : memref<4x128xi32, #tpu.memory_space<vmem>>, vector<1x16xi32>,
      %swap3A_504 = vector.shape_cast %swap3A_503 : vector<1x16xi32> to vector<16xi32>
      %swap3A_505 = vector.shape_cast %shift_right_logical3A_499 : vector<16xi32> to vector<1x16xi32>
      tpu.vector_store %arg7[%swap3A_501, %swap3A_502], %swap3A_505 {strides = array<i32>} : memref<4x128xi32, #tpu.memory_space<vmem>>, vector<1x16xi32>,
      %get3A_506 = arith.constant 0 : i32
      %get3A_507 = arith.index_cast %get3A_506 : i32 to index
      %get3A_508 = arith.constant 64 : index
      %get3A_509 = tpu.vector_load %arg6[%get3A_507, %get3A_508] {strides = array<i32>} : memref<80x128xi32, #tpu.memory_space<vmem>>, vector<1x16xi32>,
      %get3A_510 = vector.shape_cast %get3A_509 : vector<1x16xi32> to vector<16xi32>
      %and3A_511 = arith.constant 16383 : i32
      %and3A_512 = vector.broadcast %and3A_511 : i32 to vector<16xi32>
      %and3A_513 = arith.andi %get3A_510, %and3A_512 : vector<16xi32>
      %swap3A_514 = arith.constant 0 : i32
      %swap3A_515 = arith.index_cast %swap3A_514 : i32 to index
      %swap3A_516 = arith.constant 64 : index
      %swap3A_517 = tpu.vector_load %arg7[%swap3A_515, %swap3A_516] {strides = array<i32>} : memref<4x128xi32, #tpu.memory_space<vmem>>, vector<1x16xi32>,
      %swap3A_518 = vector.shape_cast %swap3A_517 : vector<1x16xi32> to vector<16xi32>
      %swap3A_519 = vector.shape_cast %and3A_513 : vector<16xi32> to vector<1x16xi32>
      tpu.vector_store %arg7[%swap3A_515, %swap3A_516], %swap3A_519 {strides = array<i32>} : memref<4x128xi32, #tpu.memory_space<vmem>>, vector<1x16xi32>,
      %shift_right_logical3A_520 = arith.constant 14 : i32
      %shift_right_logical3A_521 = vector.broadcast %shift_right_logical3A_520 : i32 to vector<16xi32>
      %shift_right_logical3A_522 = arith.shrui %get3A_510, %shift_right_logical3A_521 : vector<16xi32>
      %swap3A_523 = arith.constant 1 : i32
      %swap3A_524 = arith.index_cast %swap3A_523 : i32 to index
      %swap3A_525 = arith.constant 64 : index
      %swap3A_526 = tpu.vector_load %arg7[%swap3A_524, %swap3A_525] {strides = array<i32>} : memref<4x128xi32, #tpu.memory_space<vmem>>, vector<1x16xi32>,
      %swap3A_527 = vector.shape_cast %swap3A_526 : vector<1x16xi32> to vector<16xi32>
      %swap3A_528 = vector.shape_cast %shift_right_logical3A_522 : vector<16xi32> to vector<1x16xi32>
      tpu.vector_store %arg7[%swap3A_524, %swap3A_525], %swap3A_528 {strides = array<i32>} : memref<4x128xi32, #tpu.memory_space<vmem>>, vector<1x16xi32>,
      %get3A_529 = arith.constant 0 : i32
      %get3A_530 = arith.index_cast %get3A_529 : i32 to index
      %get3A_531 = arith.constant 80 : index
      %get3A_532 = tpu.vector_load %arg6[%get3A_530, %get3A_531] {strides = array<i32>} : memref<80x128xi32, #tpu.memory_space<vmem>>, vector<1x16xi32>,
      %get3A_533 = vector.shape_cast %get3A_532 : vector<1x16xi32> to vector<16xi32>
      %and3A_534 = arith.constant 16383 : i32
      %and3A_535 = vector.broadcast %and3A_534 : i32 to vector<16xi32>
      %and3A_536 = arith.andi %get3A_533, %and3A_535 : vector<16xi32>
      %swap3A_537 = arith.constant 0 : i32
      %swap3A_538 = arith.index_cast %swap3A_537 : i32 to index
      %swap3A_539 = arith.constant 80 : index
      %swap3A_540 = tpu.vector_load %arg7[%swap3A_538, %swap3A_539] {strides = array<i32>} : memref<4x128xi32, #tpu.memory_space<vmem>>, vector<1x16xi32>,
      %swap3A_541 = vector.shape_cast %swap3A_540 : vector<1x16xi32> to vector<16xi32>
      %swap3A_542 = vector.shape_cast %and3A_536 : vector<16xi32> to vector<1x16xi32>
      tpu.vector_store %arg7[%swap3A_538, %swap3A_539], %swap3A_542 {strides = array<i32>} : memref<4x128xi32, #tpu.memory_space<vmem>>, vector<1x16xi32>,
      %shift_right_logical3A_543 = arith.constant 14 : i32
      %shift_right_logical3A_544 = vector.broadcast %shift_right_logical3A_543 : i32 to vector<16xi32>
      %shift_right_logical3A_545 = arith.shrui %get3A_533, %shift_right_logical3A_544 : vector<16xi32>
      %swap3A_546 = arith.constant 1 : i32
      %swap3A_547 = arith.index_cast %swap3A_546 : i32 to index
      %swap3A_548 = arith.constant 80 : index
      %swap3A_549 = tpu.vector_load %arg7[%swap3A_547, %swap3A_548] {strides = array<i32>} : memref<4x128xi32, #tpu.memory_space<vmem>>, vector<1x16xi32>,
      %swap3A_550 = vector.shape_cast %swap3A_549 : vector<1x16xi32> to vector<16xi32>
      %swap3A_551 = vector.shape_cast %shift_right_logical3A_545 : vector<16xi32> to vector<1x16xi32>
      tpu.vector_store %arg7[%swap3A_547, %swap3A_548], %swap3A_551 {strides = array<i32>} : memref<4x128xi32, #tpu.memory_space<vmem>>, vector<1x16xi32>,
      %get3A_552 = arith.constant 0 : i32
      %get3A_553 = arith.index_cast %get3A_552 : i32 to index
      %get3A_554 = arith.constant 96 : index
      %get3A_555 = tpu.vector_load %arg6[%get3A_553, %get3A_554] {strides = array<i32>} : memref<80x128xi32, #tpu.memory_space<vmem>>, vector<1x16xi32>,
      %get3A_556 = vector.shape_cast %get3A_555 : vector<1x16xi32> to vector<16xi32>
      %and3A_557 = arith.constant 16383 : i32
      %and3A_558 = vector.broadcast %and3A_557 : i32 to vector<16xi32>
      %and3A_559 = arith.andi %get3A_556, %and3A_558 : vector<16xi32>
      %swap3A_560 = arith.constant 0 : i32
      %swap3A_561 = arith.index_cast %swap3A_560 : i32 to index
      %swap3A_562 = arith.constant 96 : index
      %swap3A_563 = tpu.vector_load %arg7[%swap3A_561, %swap3A_562] {strides = array<i32>} : memref<4x128xi32, #tpu.memory_space<vmem>>, vector<1x16xi32>,
      %swap3A_564 = vector.shape_cast %swap3A_563 : vector<1x16xi32> to vector<16xi32>
      %swap3A_565 = vector.shape_cast %and3A_559 : vector<16xi32> to vector<1x16xi32>
      tpu.vector_store %arg7[%swap3A_561, %swap3A_562], %swap3A_565 {strides = array<i32>} : memref<4x128xi32, #tpu.memory_space<vmem>>, vector<1x16xi32>,
      %shift_right_logical3A_566 = arith.constant 14 : i32
      %shift_right_logical3A_567 = vector.broadcast %shift_right_logical3A_566 : i32 to vector<16xi32>
      %shift_right_logical3A_568 = arith.shrui %get3A_556, %shift_right_logical3A_567 : vector<16xi32>
      %swap3A_569 = arith.constant 1 : i32
      %swap3A_570 = arith.index_cast %swap3A_569 : i32 to index
      %swap3A_571 = arith.constant 96 : index
      %swap3A_572 = tpu.vector_load %arg7[%swap3A_570, %swap3A_571] {strides = array<i32>} : memref<4x128xi32, #tpu.memory_space<vmem>>, vector<1x16xi32>,
      %swap3A_573 = vector.shape_cast %swap3A_572 : vector<1x16xi32> to vector<16xi32>
      %swap3A_574 = vector.shape_cast %shift_right_logical3A_568 : vector<16xi32> to vector<1x16xi32>
      tpu.vector_store %arg7[%swap3A_570, %swap3A_571], %swap3A_574 {strides = array<i32>} : memref<4x128xi32, #tpu.memory_space<vmem>>, vector<1x16xi32>,
      %get3A_575 = arith.constant 0 : i32
      %get3A_576 = arith.index_cast %get3A_575 : i32 to index
      %get3A_577 = arith.constant 112 : index
      %get3A_578 = tpu.vector_load %arg6[%get3A_576, %get3A_577] {strides = array<i32>} : memref<80x128xi32, #tpu.memory_space<vmem>>, vector<1x16xi32>,
      %get3A_579 = vector.shape_cast %get3A_578 : vector<1x16xi32> to vector<16xi32>
      %and3A_580 = arith.constant 16383 : i32
      %and3A_581 = vector.broadcast %and3A_580 : i32 to vector<16xi32>
      %and3A_582 = arith.andi %get3A_579, %and3A_581 : vector<16xi32>
      %swap3A_583 = arith.constant 0 : i32
      %swap3A_584 = arith.index_cast %swap3A_583 : i32 to index
      %swap3A_585 = arith.constant 112 : index
      %swap3A_586 = tpu.vector_load %arg7[%swap3A_584, %swap3A_585] {strides = array<i32>} : memref<4x128xi32, #tpu.memory_space<vmem>>, vector<1x16xi32>,
      %swap3A_587 = vector.shape_cast %swap3A_586 : vector<1x16xi32> to vector<16xi32>
      %swap3A_588 = vector.shape_cast %and3A_582 : vector<16xi32> to vector<1x16xi32>
      tpu.vector_store %arg7[%swap3A_584, %swap3A_585], %swap3A_588 {strides = array<i32>} : memref<4x128xi32, #tpu.memory_space<vmem>>, vector<1x16xi32>,
      %shift_right_logical3A_589 = arith.constant 14 : i32
      %shift_right_logical3A_590 = vector.broadcast %shift_right_logical3A_589 : i32 to vector<16xi32>
      %shift_right_logical3A_591 = arith.shrui %get3A_579, %shift_right_logical3A_590 : vector<16xi32>
      %swap3A_592 = arith.constant 1 : i32
      %swap3A_593 = arith.index_cast %swap3A_592 : i32 to index
      %swap3A_594 = arith.constant 112 : index
      %swap3A_595 = tpu.vector_load %arg7[%swap3A_593, %swap3A_594] {strides = array<i32>} : memref<4x128xi32, #tpu.memory_space<vmem>>, vector<1x16xi32>,
      %swap3A_596 = vector.shape_cast %swap3A_595 : vector<1x16xi32> to vector<16xi32>
      %swap3A_597 = vector.shape_cast %shift_right_logical3A_591 : vector<16xi32> to vector<1x16xi32>
      tpu.vector_store %arg7[%swap3A_593, %swap3A_594], %swap3A_597 {strides = array<i32>} : memref<4x128xi32, #tpu.memory_space<vmem>>, vector<1x16xi32>,
      %dma_start3A_598 = arith.constant 0 : i32
      %dma_start3A_599 = arith.constant 0 : i32
      %dma_start3A_600 = tpu.memref_slice %arg7[%dma_start3A_598, %dma_start3A_599] : memref<4x128xi32, #tpu.memory_space<vmem>> -> memref<1x128xi32, #tpu.memory_space<vmem>>
      %dma_start3A_601 = tpu.memref_squeeze %dma_start3A_600 : memref<1x128xi32, #tpu.memory_space<vmem>> -> memref<128xi32, #tpu.memory_space<vmem>>
      %dma_start3A_602 = arith.constant 0 : i32
      %dma_start3A_603 = arith.constant 0 : i32
      %dma_start3A_604 = tpu.memref_slice %arg2[%dma_start3A_602, %dma_start3A_603] : memref<10000x128xf32, #tpu.memory_space<hbm>> -> memref<10000x128xf32, #tpu.memory_space<hbm>>
      tpu.enqueue_indirect_dma source(%dma_start3A_604 : memref<10000x128xf32, #tpu.memory_space<hbm>>) target(%arg8 : memref<128x128xf32, #tpu.memory_space<vmem>>) offsets(%dma_start3A_601 : memref<128xi32, #tpu.memory_space<vmem>>) semaphore(%arg11 : memref<!tpu.dma_semaphore, #tpu.memory_space<semaphore_mem>>)
      %get3A_605 = arith.constant 1 : i32
      %get3A_606 = arith.index_cast %get3A_605 : i32 to index
      %get3A_607 = arith.constant 0 : index
      %get3A_608 = tpu.vector_load %arg6[%get3A_606, %get3A_607] {strides = array<i32>} : memref<80x128xi32, #tpu.memory_space<vmem>>, vector<1x16xi32>,
      %get3A_609 = vector.shape_cast %get3A_608 : vector<1x16xi32> to vector<16xi32>
      %and3A_610 = arith.constant 16383 : i32
      %and3A_611 = vector.broadcast %and3A_610 : i32 to vector<16xi32>
      %and3A_612 = arith.andi %get3A_609, %and3A_611 : vector<16xi32>
      %swap3A_613 = arith.constant 2 : i32
      %swap3A_614 = arith.index_cast %swap3A_613 : i32 to index
      %swap3A_615 = arith.constant 0 : index
      %swap3A_616 = tpu.vector_load %arg7[%swap3A_614, %swap3A_615] {strides = array<i32>} : memref<4x128xi32, #tpu.memory_space<vmem>>, vector<1x16xi32>,
      %swap3A_617 = vector.shape_cast %swap3A_616 : vector<1x16xi32> to vector<16xi32>
      %swap3A_618 = vector.shape_cast %and3A_612 : vector<16xi32> to vector<1x16xi32>
      tpu.vector_store %arg7[%swap3A_614, %swap3A_615], %swap3A_618 {strides = array<i32>} : memref<4x128xi32, #tpu.memory_space<vmem>>, vector<1x16xi32>,
      %shift_right_logical3A_619 = arith.constant 14 : i32
      %shift_right_logical3A_620 = vector.broadcast %shift_right_logical3A_619 : i32 to vector<16xi32>
      %shift_right_logical3A_621 = arith.shrui %get3A_609, %shift_right_logical3A_620 : vector<16xi32>
      %swap3A_622 = arith.constant 3 : i32
      %swap3A_623 = arith.index_cast %swap3A_622 : i32 to index
      %swap3A_624 = arith.constant 0 : index
      %swap3A_625 = tpu.vector_load %arg7[%swap3A_623, %swap3A_624] {strides = array<i32>} : memref<4x128xi32, #tpu.memory_space<vmem>>, vector<1x16xi32>,
      %swap3A_626 = vector.shape_cast %swap3A_625 : vector<1x16xi32> to vector<16xi32>
      %swap3A_627 = vector.shape_cast %shift_right_logical3A_621 : vector<16xi32> to vector<1x16xi32>
      tpu.vector_store %arg7[%swap3A_623, %swap3A_624], %swap3A_627 {strides = array<i32>} : memref<4x128xi32, #tpu.memory_space<vmem>>, vector<1x16xi32>,
      %get3A_628 = arith.constant 1 : i32
      %get3A_629 = arith.index_cast %get3A_628 : i32 to index
      %get3A_630 = arith.constant 16 : index
      %get3A_631 = tpu.vector_load %arg6[%get3A_629, %get3A_630] {strides = array<i32>} : memref<80x128xi32, #tpu.memory_space<vmem>>, vector<1x16xi32>,
      %get3A_632 = vector.shape_cast %get3A_631 : vector<1x16xi32> to vector<16xi32>
      %and3A_633 = arith.constant 16383 : i32
      %and3A_634 = vector.broadcast %and3A_633 : i32 to vector<16xi32>
      %and3A_635 = arith.andi %get3A_632, %and3A_634 : vector<16xi32>
      %swap3A_636 = arith.constant 2 : i32
      %swap3A_637 = arith.index_cast %swap3A_636 : i32 to index
      %swap3A_638 = arith.constant 16 : index
      %swap3A_639 = tpu.vector_load %arg7[%swap3A_637, %swap3A_638] {strides = array<i32>} : memref<4x128xi32, #tpu.memory_space<vmem>>, vector<1x16xi32>,
      %swap3A_640 = vector.shape_cast %swap3A_639 : vector<1x16xi32> to vector<16xi32>
      %swap3A_641 = vector.shape_cast %and3A_635 : vector<16xi32> to vector<1x16xi32>
      tpu.vector_store %arg7[%swap3A_637, %swap3A_638], %swap3A_641 {strides = array<i32>} : memref<4x128xi32, #tpu.memory_space<vmem>>, vector<1x16xi32>,
      %shift_right_logical3A_642 = arith.constant 14 : i32
      %shift_right_logical3A_643 = vector.broadcast %shift_right_logical3A_642 : i32 to vector<16xi32>
      %shift_right_logical3A_644 = arith.shrui %get3A_632, %shift_right_logical3A_643 : vector<16xi32>
      %swap3A_645 = arith.constant 3 : i32
      %swap3A_646 = arith.index_cast %swap3A_645 : i32 to index
      %swap3A_647 = arith.constant 16 : index
      %swap3A_648 = tpu.vector_load %arg7[%swap3A_646, %swap3A_647] {strides = array<i32>} : memref<4x128xi32, #tpu.memory_space<vmem>>, vector<1x16xi32>,
      %swap3A_649 = vector.shape_cast %swap3A_648 : vector<1x16xi32> to vector<16xi32>
      %swap3A_650 = vector.shape_cast %shift_right_logical3A_644 : vector<16xi32> to vector<1x16xi32>
      tpu.vector_store %arg7[%swap3A_646, %swap3A_647], %swap3A_650 {strides = array<i32>} : memref<4x128xi32, #tpu.memory_space<vmem>>, vector<1x16xi32>,
      %get3A_651 = arith.constant 1 : i32
      %get3A_652 = arith.index_cast %get3A_651 : i32 to index
      %get3A_653 = arith.constant 32 : index
      %get3A_654 = tpu.vector_load %arg6[%get3A_652, %get3A_653] {strides = array<i32>} : memref<80x128xi32, #tpu.memory_space<vmem>>, vector<1x16xi32>,
      %get3A_655 = vector.shape_cast %get3A_654 : vector<1x16xi32> to vector<16xi32>
      %and3A_656 = arith.constant 16383 : i32
      %and3A_657 = vector.broadcast %and3A_656 : i32 to vector<16xi32>
      %and3A_658 = arith.andi %get3A_655, %and3A_657 : vector<16xi32>
      %swap3A_659 = arith.constant 2 : i32
      %swap3A_660 = arith.index_cast %swap3A_659 : i32 to index
      %swap3A_661 = arith.constant 32 : index
      %swap3A_662 = tpu.vector_load %arg7[%swap3A_660, %swap3A_661] {strides = array<i32>} : memref<4x128xi32, #tpu.memory_space<vmem>>, vector<1x16xi32>,
      %swap3A_663 = vector.shape_cast %swap3A_662 : vector<1x16xi32> to vector<16xi32>
      %swap3A_664 = vector.shape_cast %and3A_658 : vector<16xi32> to vector<1x16xi32>
      tpu.vector_store %arg7[%swap3A_660, %swap3A_661], %swap3A_664 {strides = array<i32>} : memref<4x128xi32, #tpu.memory_space<vmem>>, vector<1x16xi32>,
      %shift_right_logical3A_665 = arith.constant 14 : i32
      %shift_right_logical3A_666 = vector.broadcast %shift_right_logical3A_665 : i32 to vector<16xi32>
      %shift_right_logical3A_667 = arith.shrui %get3A_655, %shift_right_logical3A_666 : vector<16xi32>
      %swap3A_668 = arith.constant 3 : i32
      %swap3A_669 = arith.index_cast %swap3A_668 : i32 to index
      %swap3A_670 = arith.constant 32 : index
      %swap3A_671 = tpu.vector_load %arg7[%swap3A_669, %swap3A_670] {strides = array<i32>} : memref<4x128xi32, #tpu.memory_space<vmem>>, vector<1x16xi32>,
      %swap3A_672 = vector.shape_cast %swap3A_671 : vector<1x16xi32> to vector<16xi32>
      %swap3A_673 = vector.shape_cast %shift_right_logical3A_667 : vector<16xi32> to vector<1x16xi32>
      tpu.vector_store %arg7[%swap3A_669, %swap3A_670], %swap3A_673 {strides = array<i32>} : memref<4x128xi32, #tpu.memory_space<vmem>>, vector<1x16xi32>,
      %get3A_674 = arith.constant 1 : i32
      %get3A_675 = arith.index_cast %get3A_674 : i32 to index
      %get3A_676 = arith.constant 48 : index
      %get3A_677 = tpu.vector_load %arg6[%get3A_675, %get3A_676] {strides = array<i32>} : memref<80x128xi32, #tpu.memory_space<vmem>>, vector<1x16xi32>,
      %get3A_678 = vector.shape_cast %get3A_677 : vector<1x16xi32> to vector<16xi32>
      %and3A_679 = arith.constant 16383 : i32
      %and3A_680 = vector.broadcast %and3A_679 : i32 to vector<16xi32>
      %and3A_681 = arith.andi %get3A_678, %and3A_680 : vector<16xi32>
      %swap3A_682 = arith.constant 2 : i32
      %swap3A_683 = arith.index_cast %swap3A_682 : i32 to index
      %swap3A_684 = arith.constant 48 : index
      %swap3A_685 = tpu.vector_load %arg7[%swap3A_683, %swap3A_684] {strides = array<i32>} : memref<4x128xi32, #tpu.memory_space<vmem>>, vector<1x16xi32>,
      %swap3A_686 = vector.shape_cast %swap3A_685 : vector<1x16xi32> to vector<16xi32>
      %swap3A_687 = vector.shape_cast %and3A_681 : vector<16xi32> to vector<1x16xi32>
      tpu.vector_store %arg7[%swap3A_683, %swap3A_684], %swap3A_687 {strides = array<i32>} : memref<4x128xi32, #tpu.memory_space<vmem>>, vector<1x16xi32>,
      %shift_right_logical3A_688 = arith.constant 14 : i32
      %shift_right_logical3A_689 = vector.broadcast %shift_right_logical3A_688 : i32 to vector<16xi32>
      %shift_right_logical3A_690 = arith.shrui %get3A_678, %shift_right_logical3A_689 : vector<16xi32>
      %swap3A_691 = arith.constant 3 : i32
      %swap3A_692 = arith.index_cast %swap3A_691 : i32 to index
      %swap3A_693 = arith.constant 48 : index
      %swap3A_694 = tpu.vector_load %arg7[%swap3A_692, %swap3A_693] {strides = array<i32>} : memref<4x128xi32, #tpu.memory_space<vmem>>, vector<1x16xi32>,
      %swap3A_695 = vector.shape_cast %swap3A_694 : vector<1x16xi32> to vector<16xi32>
      %swap3A_696 = vector.shape_cast %shift_right_logical3A_690 : vector<16xi32> to vector<1x16xi32>
      tpu.vector_store %arg7[%swap3A_692, %swap3A_693], %swap3A_696 {strides = array<i32>} : memref<4x128xi32, #tpu.memory_space<vmem>>, vector<1x16xi32>,
      %get3A_697 = arith.constant 1 : i32
      %get3A_698 = arith.index_cast %get3A_697 : i32 to index
      %get3A_699 = arith.constant 64 : index
      %get3A_700 = tpu.vector_load %arg6[%get3A_698, %get3A_699] {strides = array<i32>} : memref<80x128xi32, #tpu.memory_space<vmem>>, vector<1x16xi32>,
      %get3A_701 = vector.shape_cast %get3A_700 : vector<1x16xi32> to vector<16xi32>
      %and3A_702 = arith.constant 16383 : i32
      %and3A_703 = vector.broadcast %and3A_702 : i32 to vector<16xi32>
      %and3A_704 = arith.andi %get3A_701, %and3A_703 : vector<16xi32>
      %swap3A_705 = arith.constant 2 : i32
      %swap3A_706 = arith.index_cast %swap3A_705 : i32 to index
      %swap3A_707 = arith.constant 64 : index
      %swap3A_708 = tpu.vector_load %arg7[%swap3A_706, %swap3A_707] {strides = array<i32>} : memref<4x128xi32, #tpu.memory_space<vmem>>, vector<1x16xi32>,
      %swap3A_709 = vector.shape_cast %swap3A_708 : vector<1x16xi32> to vector<16xi32>
      %swap3A_710 = vector.shape_cast %and3A_704 : vector<16xi32> to vector<1x16xi32>
      tpu.vector_store %arg7[%swap3A_706, %swap3A_707], %swap3A_710 {strides = array<i32>} : memref<4x128xi32, #tpu.memory_space<vmem>>, vector<1x16xi32>,
      %shift_right_logical3A_711 = arith.constant 14 : i32
      %shift_right_logical3A_712 = vector.broadcast %shift_right_logical3A_711 : i32 to vector<16xi32>
      %shift_right_logical3A_713 = arith.shrui %get3A_701, %shift_right_logical3A_712 : vector<16xi32>
      %swap3A_714 = arith.constant 3 : i32
      %swap3A_715 = arith.index_cast %swap3A_714 : i32 to index
      %swap3A_716 = arith.constant 64 : index
      %swap3A_717 = tpu.vector_load %arg7[%swap3A_715, %swap3A_716] {strides = array<i32>} : memref<4x128xi32, #tpu.memory_space<vmem>>, vector<1x16xi32>,
      %swap3A_718 = vector.shape_cast %swap3A_717 : vector<1x16xi32> to vector<16xi32>
      %swap3A_719 = vector.shape_cast %shift_right_logical3A_713 : vector<16xi32> to vector<1x16xi32>
      tpu.vector_store %arg7[%swap3A_715, %swap3A_716], %swap3A_719 {strides = array<i32>} : memref<4x128xi32, #tpu.memory_space<vmem>>, vector<1x16xi32>,
      %get3A_720 = arith.constant 1 : i32
      %get3A_721 = arith.index_cast %get3A_720 : i32 to index
      %get3A_722 = arith.constant 80 : index
      %get3A_723 = tpu.vector_load %arg6[%get3A_721, %get3A_722] {strides = array<i32>} : memref<80x128xi32, #tpu.memory_space<vmem>>, vector<1x16xi32>,
      %get3A_724 = vector.shape_cast %get3A_723 : vector<1x16xi32> to vector<16xi32>
      %and3A_725 = arith.constant 16383 : i32
      %and3A_726 = vector.broadcast %and3A_725 : i32 to vector<16xi32>
      %and3A_727 = arith.andi %get3A_724, %and3A_726 : vector<16xi32>
      %swap3A_728 = arith.constant 2 : i32
      %swap3A_729 = arith.index_cast %swap3A_728 : i32 to index
      %swap3A_730 = arith.constant 80 : index
      %swap3A_731 = tpu.vector_load %arg7[%swap3A_729, %swap3A_730] {strides = array<i32>} : memref<4x128xi32, #tpu.memory_space<vmem>>, vector<1x16xi32>,
      %swap3A_732 = vector.shape_cast %swap3A_731 : vector<1x16xi32> to vector<16xi32>
      %swap3A_733 = vector.shape_cast %and3A_727 : vector<16xi32> to vector<1x16xi32>
      tpu.vector_store %arg7[%swap3A_729, %swap3A_730], %swap3A_733 {strides = array<i32>} : memref<4x128xi32, #tpu.memory_space<vmem>>, vector<1x16xi32>,
      %shift_right_logical3A_734 = arith.constant 14 : i32
      %shift_right_logical3A_735 = vector.broadcast %shift_right_logical3A_734 : i32 to vector<16xi32>
      %shift_right_logical3A_736 = arith.shrui %get3A_724, %shift_right_logical3A_735 : vector<16xi32>
      %swap3A_737 = arith.constant 3 : i32
      %swap3A_738 = arith.index_cast %swap3A_737 : i32 to index
      %swap3A_739 = arith.constant 80 : index
      %swap3A_740 = tpu.vector_load %arg7[%swap3A_738, %swap3A_739] {strides = array<i32>} : memref<4x128xi32, #tpu.memory_space<vmem>>, vector<1x16xi32>,
      %swap3A_741 = vector.shape_cast %swap3A_740 : vector<1x16xi32> to vector<16xi32>
      %swap3A_742 = vector.shape_cast %shift_right_logical3A_736 : vector<16xi32> to vector<1x16xi32>
      tpu.vector_store %arg7[%swap3A_738, %swap3A_739], %swap3A_742 {strides = array<i32>} : memref<4x128xi32, #tpu.memory_space<vmem>>, vector<1x16xi32>,
      %get3A_743 = arith.constant 1 : i32
      %get3A_744 = arith.index_cast %get3A_743 : i32 to index
      %get3A_745 = arith.constant 96 : index
      %get3A_746 = tpu.vector_load %arg6[%get3A_744, %get3A_745] {strides = array<i32>} : memref<80x128xi32, #tpu.memory_space<vmem>>, vector<1x16xi32>,
      %get3A_747 = vector.shape_cast %get3A_746 : vector<1x16xi32> to vector<16xi32>
      %and3A_748 = arith.constant 16383 : i32
      %and3A_749 = vector.broadcast %and3A_748 : i32 to vector<16xi32>
      %and3A_750 = arith.andi %get3A_747, %and3A_749 : vector<16xi32>
      %swap3A_751 = arith.constant 2 : i32
      %swap3A_752 = arith.index_cast %swap3A_751 : i32 to index
      %swap3A_753 = arith.constant 96 : index
      %swap3A_754 = tpu.vector_load %arg7[%swap3A_752, %swap3A_753] {strides = array<i32>} : memref<4x128xi32, #tpu.memory_space<vmem>>, vector<1x16xi32>,
      %swap3A_755 = vector.shape_cast %swap3A_754 : vector<1x16xi32> to vector<16xi32>
      %swap3A_756 = vector.shape_cast %and3A_750 : vector<16xi32> to vector<1x16xi32>
      tpu.vector_store %arg7[%swap3A_752, %swap3A_753], %swap3A_756 {strides = array<i32>} : memref<4x128xi32, #tpu.memory_space<vmem>>, vector<1x16xi32>,
      %shift_right_logical3A_757 = arith.constant 14 : i32
      %shift_right_logical3A_758 = vector.broadcast %shift_right_logical3A_757 : i32 to vector<16xi32>
      %shift_right_logical3A_759 = arith.shrui %get3A_747, %shift_right_logical3A_758 : vector<16xi32>
      %swap3A_760 = arith.constant 3 : i32
      %swap3A_761 = arith.index_cast %swap3A_760 : i32 to index
      %swap3A_762 = arith.constant 96 : index
      %swap3A_763 = tpu.vector_load %arg7[%swap3A_761, %swap3A_762] {strides = array<i32>} : memref<4x128xi32, #tpu.memory_space<vmem>>, vector<1x16xi32>,
      %swap3A_764 = vector.shape_cast %swap3A_763 : vector<1x16xi32> to vector<16xi32>
      %swap3A_765 = vector.shape_cast %shift_right_logical3A_759 : vector<16xi32> to vector<1x16xi32>
      tpu.vector_store %arg7[%swap3A_761, %swap3A_762], %swap3A_765 {strides = array<i32>} : memref<4x128xi32, #tpu.memory_space<vmem>>, vector<1x16xi32>,
      %get3A_766 = arith.constant 1 : i32
      %get3A_767 = arith.index_cast %get3A_766 : i32 to index
      %get3A_768 = arith.constant 112 : index
      %get3A_769 = tpu.vector_load %arg6[%get3A_767, %get3A_768] {strides = array<i32>} : memref<80x128xi32, #tpu.memory_space<vmem>>, vector<1x16xi32>,
      %get3A_770 = vector.shape_cast %get3A_769 : vector<1x16xi32> to vector<16xi32>
      %and3A_771 = arith.constant 16383 : i32
      %and3A_772 = vector.broadcast %and3A_771 : i32 to vector<16xi32>
      %and3A_773 = arith.andi %get3A_770, %and3A_772 : vector<16xi32>
      %swap3A_774 = arith.constant 2 : i32
      %swap3A_775 = arith.index_cast %swap3A_774 : i32 to index
      %swap3A_776 = arith.constant 112 : index
      %swap3A_777 = tpu.vector_load %arg7[%swap3A_775, %swap3A_776] {strides = array<i32>} : memref<4x128xi32, #tpu.memory_space<vmem>>, vector<1x16xi32>,
      %swap3A_778 = vector.shape_cast %swap3A_777 : vector<1x16xi32> to vector<16xi32>
      %swap3A_779 = vector.shape_cast %and3A_773 : vector<16xi32> to vector<1x16xi32>
      tpu.vector_store %arg7[%swap3A_775, %swap3A_776], %swap3A_779 {strides = array<i32>} : memref<4x128xi32, #tpu.memory_space<vmem>>, vector<1x16xi32>,
      %shift_right_logical3A_780 = arith.constant 14 : i32
      %shift_right_logical3A_781 = vector.broadcast %shift_right_logical3A_780 : i32 to vector<16xi32>
      %shift_right_logical3A_782 = arith.shrui %get3A_770, %shift_right_logical3A_781 : vector<16xi32>
      %swap3A_783 = arith.constant 3 : i32
      %swap3A_784 = arith.index_cast %swap3A_783 : i32 to index
      %swap3A_785 = arith.constant 112 : index
      %swap3A_786 = tpu.vector_load %arg7[%swap3A_784, %swap3A_785] {strides = array<i32>} : memref<4x128xi32, #tpu.memory_space<vmem>>, vector<1x16xi32>,
      %swap3A_787 = vector.shape_cast %swap3A_786 : vector<1x16xi32> to vector<16xi32>
      %swap3A_788 = vector.shape_cast %shift_right_logical3A_782 : vector<16xi32> to vector<1x16xi32>
      tpu.vector_store %arg7[%swap3A_784, %swap3A_785], %swap3A_788 {strides = array<i32>} : memref<4x128xi32, #tpu.memory_space<vmem>>, vector<1x16xi32>,
      %dma_start3A_789 = arith.constant 2 : i32
      %dma_start3A_790 = arith.constant 0 : i32
      %dma_start3A_791 = tpu.memref_slice %arg7[%dma_start3A_789, %dma_start3A_790] : memref<4x128xi32, #tpu.memory_space<vmem>> -> memref<1x128xi32, #tpu.memory_space<vmem>>
      %dma_start3A_792 = tpu.memref_squeeze %dma_start3A_791 : memref<1x128xi32, #tpu.memory_space<vmem>> -> memref<128xi32, #tpu.memory_space<vmem>>
      %dma_start3A_793 = arith.constant 0 : i32
      %dma_start3A_794 = arith.constant 0 : i32
      %dma_start3A_795 = tpu.memref_slice %arg2[%dma_start3A_793, %dma_start3A_794] : memref<10000x128xf32, #tpu.memory_space<hbm>> -> memref<10000x128xf32, #tpu.memory_space<hbm>>
      tpu.enqueue_indirect_dma source(%dma_start3A_795 : memref<10000x128xf32, #tpu.memory_space<hbm>>) target(%arg9 : memref<128x128xf32, #tpu.memory_space<vmem>>) offsets(%dma_start3A_792 : memref<128xi32, #tpu.memory_space<vmem>>) semaphore(%arg12 : memref<!tpu.dma_semaphore, #tpu.memory_space<semaphore_mem>>)
      %scan3A_796 = arith.constant 0 : i32
      %scan3A_797 = arith.constant 39 : i32
      %scan3A_798 = arith.addi %scan3A_796, %scan3A_797 : i32
      %scan3A_799 = arith.constant 1 : i32
      scf.for %scan3A_830 = %scan3A_796 to %scan3A_798 step %scan3A_799  : i32 {
        %mul3A_831 = arith.constant 2 : i32
        %mul3A_832 = arith.muli %scan3A_830, %mul3A_831 : i32
        %add3A_833 = arith.constant 0 : i32
        %add3A_834 = arith.addi %add3A_833, %mul3A_832 : i32
        %dma_wait3A_835 = arith.constant 0 : i32
        %dma_wait3A_836 = arith.constant 0 : i32
        %dma_wait3A_837 = tpu.memref_slice %arg7[%dma_wait3A_835, %dma_wait3A_836] : memref<4x128xi32, #tpu.memory_space<vmem>> -> memref<1x128xi32, #tpu.memory_space<vmem>>
        %dma_wait3A_838 = tpu.memref_squeeze %dma_wait3A_837 : memref<1x128xi32, #tpu.memory_space<vmem>> -> memref<128xi32, #tpu.memory_space<vmem>>
        %dma_wait3A_839 = arith.constant 0 : i32
        %dma_wait3A_840 = arith.constant 0 : i32
        %dma_wait3A_841 = tpu.memref_slice %arg2[%dma_wait3A_839, %dma_wait3A_840] : memref<10000x128xf32, #tpu.memory_space<hbm>> -> memref<10000x128xf32, #tpu.memory_space<hbm>>
        tpu.wait_indirect_dma semaphore(%arg11 : memref<!tpu.dma_semaphore, #tpu.memory_space<semaphore_mem>>) src(%dma_wait3A_841 : memref<10000x128xf32, #tpu.memory_space<hbm>>) dst(%arg8 : memref<128x128xf32, #tpu.memory_space<vmem>>)
        %run_scoped3A_842 = arith.constant 1 : i32
        "tpu.region"() ({
          %run_scoped3A_1221 = tpu.sem_alloc : memref<!tpu.dma_semaphore, #tpu.memory_space<semaphore_mem>>
          %dma_start3A_1222 = arith.constant 0 : i32
          %dma_start3A_1223 = tpu.memref_slice %arg7[%run_scoped3A_842, %dma_start3A_1222] : memref<4x128xi32, #tpu.memory_space<vmem>> -> memref<1x128xi32, #tpu.memory_space<vmem>>
          %dma_start3A_1224 = tpu.memref_squeeze %dma_start3A_1223 : memref<1x128xi32, #tpu.memory_space<vmem>> -> memref<128xi32, #tpu.memory_space<vmem>>
          %dma_start3A_1225 = arith.constant 0 : i32
          %dma_start3A_1226 = arith.constant 0 : i32
          %dma_start3A_1227 = tpu.memref_slice %arg10[%dma_start3A_1225, %dma_start3A_1226] : memref<10048x128xf32, #tpu.memory_space<vmem_shared>> -> memref<10048x128xf32, #tpu.memory_space<vmem_shared>>
          tpu.enqueue_indirect_dma source(%arg8 : memref<128x128xf32, #tpu.memory_space<vmem>>) target(%dma_start3A_1227 : memref<10048x128xf32, #tpu.memory_space<vmem_shared>>) offsets(%dma_start3A_1224 : memref<128xi32, #tpu.memory_space<vmem>>) semaphore(%run_scoped3A_1221 : memref<!tpu.dma_semaphore, #tpu.memory_space<semaphore_mem>>) {add = true}
          %dma_wait3A_1228 = arith.constant 0 : i32
          %dma_wait3A_1229 = tpu.memref_slice %arg7[%run_scoped3A_842, %dma_wait3A_1228] : memref<4x128xi32, #tpu.memory_space<vmem>> -> memref<1x128xi32, #tpu.memory_space<vmem>>
          %dma_wait3A_1230 = tpu.memref_squeeze %dma_wait3A_1229 : memref<1x128xi32, #tpu.memory_space<vmem>> -> memref<128xi32, #tpu.memory_space<vmem>>
          %dma_wait3A_1231 = arith.constant 0 : i32
          %dma_wait3A_1232 = arith.constant 0 : i32
          %dma_wait3A_1233 = tpu.memref_slice %arg10[%dma_wait3A_1231, %dma_wait3A_1232] : memref<10048x128xf32, #tpu.memory_space<vmem_shared>> -> memref<10048x128xf32, #tpu.memory_space<vmem_shared>>
          tpu.wait_indirect_dma semaphore(%run_scoped3A_1221 : memref<!tpu.dma_semaphore, #tpu.memory_space<semaphore_mem>>) src(%arg8 : memref<128x128xf32, #tpu.memory_space<vmem>>) dst(%dma_wait3A_1233 : memref<10048x128xf32, #tpu.memory_space<vmem_shared>>)
          tpu.yield
        }) : () -> ()
        %add3A_843 = arith.constant 2 : i32
        %add3A_844 = arith.addi %add3A_834, %add3A_843 : i32
        %get3A_845 = arith.index_cast %add3A_844 : i32 to index
        %get3A_846 = arith.constant 0 : index
        %get3A_847 = tpu.vector_load %arg6[%get3A_845, %get3A_846] {strides = array<i32>} : memref<80x128xi32, #tpu.memory_space<vmem>>, vector<1x16xi32>,
        %get3A_848 = vector.shape_cast %get3A_847 : vector<1x16xi32> to vector<16xi32>
        %and3A_849 = arith.constant 16383 : i32
        %and3A_850 = vector.broadcast %and3A_849 : i32 to vector<16xi32>
        %and3A_851 = arith.andi %get3A_848, %and3A_850 : vector<16xi32>
        %swap3A_852 = arith.constant 0 : i32
        %swap3A_853 = arith.index_cast %swap3A_852 : i32 to index
        %swap3A_854 = arith.constant 0 : index
        %swap3A_855 = tpu.vector_load %arg7[%swap3A_853, %swap3A_854] {strides = array<i32>} : memref<4x128xi32, #tpu.memory_space<vmem>>, vector<1x16xi32>,
        %swap3A_856 = vector.shape_cast %swap3A_855 : vector<1x16xi32> to vector<16xi32>
        %swap3A_857 = vector.shape_cast %and3A_851 : vector<16xi32> to vector<1x16xi32>
        tpu.vector_store %arg7[%swap3A_853, %swap3A_854], %swap3A_857 {strides = array<i32>} : memref<4x128xi32, #tpu.memory_space<vmem>>, vector<1x16xi32>,
        %shift_right_logical3A_858 = arith.constant 14 : i32
        %shift_right_logical3A_859 = vector.broadcast %shift_right_logical3A_858 : i32 to vector<16xi32>
        %shift_right_logical3A_860 = arith.shrui %get3A_848, %shift_right_logical3A_859 : vector<16xi32>
        %swap3A_861 = arith.constant 1 : i32
        %swap3A_862 = arith.index_cast %swap3A_861 : i32 to index
        %swap3A_863 = arith.constant 0 : index
        %swap3A_864 = tpu.vector_load %arg7[%swap3A_862, %swap3A_863] {strides = array<i32>} : memref<4x128xi32, #tpu.memory_space<vmem>>, vector<1x16xi32>,
        %swap3A_865 = vector.shape_cast %swap3A_864 : vector<1x16xi32> to vector<16xi32>
        %swap3A_866 = vector.shape_cast %shift_right_logical3A_860 : vector<16xi32> to vector<1x16xi32>
        tpu.vector_store %arg7[%swap3A_862, %swap3A_863], %swap3A_866 {strides = array<i32>} : memref<4x128xi32, #tpu.memory_space<vmem>>, vector<1x16xi32>,
        %get3A_867 = arith.index_cast %add3A_844 : i32 to index
        %get3A_868 = arith.constant 16 : index
        %get3A_869 = tpu.vector_load %arg6[%get3A_867, %get3A_868] {strides = array<i32>} : memref<80x128xi32, #tpu.memory_space<vmem>>, vector<1x16xi32>,
        %get3A_870 = vector.shape_cast %get3A_869 : vector<1x16xi32> to vector<16xi32>
        %and3A_871 = arith.constant 16383 : i32
        %and3A_872 = vector.broadcast %and3A_871 : i32 to vector<16xi32>
        %and3A_873 = arith.andi %get3A_870, %and3A_872 : vector<16xi32>
        %swap3A_874 = arith.constant 0 : i32
        %swap3A_875 = arith.index_cast %swap3A_874 : i32 to index
        %swap3A_876 = arith.constant 16 : index
        %swap3A_877 = tpu.vector_load %arg7[%swap3A_875, %swap3A_876] {strides = array<i32>} : memref<4x128xi32, #tpu.memory_space<vmem>>, vector<1x16xi32>,
        %swap3A_878 = vector.shape_cast %swap3A_877 : vector<1x16xi32> to vector<16xi32>
        %swap3A_879 = vector.shape_cast %and3A_873 : vector<16xi32> to vector<1x16xi32>
        tpu.vector_store %arg7[%swap3A_875, %swap3A_876], %swap3A_879 {strides = array<i32>} : memref<4x128xi32, #tpu.memory_space<vmem>>, vector<1x16xi32>,
        %shift_right_logical3A_880 = arith.constant 14 : i32
        %shift_right_logical3A_881 = vector.broadcast %shift_right_logical3A_880 : i32 to vector<16xi32>
        %shift_right_logical3A_882 = arith.shrui %get3A_870, %shift_right_logical3A_881 : vector<16xi32>
        %swap3A_883 = arith.constant 1 : i32
        %swap3A_884 = arith.index_cast %swap3A_883 : i32 to index
        %swap3A_885 = arith.constant 16 : index
        %swap3A_886 = tpu.vector_load %arg7[%swap3A_884, %swap3A_885] {strides = array<i32>} : memref<4x128xi32, #tpu.memory_space<vmem>>, vector<1x16xi32>,
        %swap3A_887 = vector.shape_cast %swap3A_886 : vector<1x16xi32> to vector<16xi32>
        %swap3A_888 = vector.shape_cast %shift_right_logical3A_882 : vector<16xi32> to vector<1x16xi32>
        tpu.vector_store %arg7[%swap3A_884, %swap3A_885], %swap3A_888 {strides = array<i32>} : memref<4x128xi32, #tpu.memory_space<vmem>>, vector<1x16xi32>,
        %get3A_889 = arith.index_cast %add3A_844 : i32 to index
        %get3A_890 = arith.constant 32 : index
        %get3A_891 = tpu.vector_load %arg6[%get3A_889, %get3A_890] {strides = array<i32>} : memref<80x128xi32, #tpu.memory_space<vmem>>, vector<1x16xi32>,
        %get3A_892 = vector.shape_cast %get3A_891 : vector<1x16xi32> to vector<16xi32>
        %and3A_893 = arith.constant 16383 : i32
        %and3A_894 = vector.broadcast %and3A_893 : i32 to vector<16xi32>
        %and3A_895 = arith.andi %get3A_892, %and3A_894 : vector<16xi32>
        %swap3A_896 = arith.constant 0 : i32
        %swap3A_897 = arith.index_cast %swap3A_896 : i32 to index
        %swap3A_898 = arith.constant 32 : index
        %swap3A_899 = tpu.vector_load %arg7[%swap3A_897, %swap3A_898] {strides = array<i32>} : memref<4x128xi32, #tpu.memory_space<vmem>>, vector<1x16xi32>,
        %swap3A_900 = vector.shape_cast %swap3A_899 : vector<1x16xi32> to vector<16xi32>
        %swap3A_901 = vector.shape_cast %and3A_895 : vector<16xi32> to vector<1x16xi32>
        tpu.vector_store %arg7[%swap3A_897, %swap3A_898], %swap3A_901 {strides = array<i32>} : memref<4x128xi32, #tpu.memory_space<vmem>>, vector<1x16xi32>,
        %shift_right_logical3A_902 = arith.constant 14 : i32
        %shift_right_logical3A_903 = vector.broadcast %shift_right_logical3A_902 : i32 to vector<16xi32>
        %shift_right_logical3A_904 = arith.shrui %get3A_892, %shift_right_logical3A_903 : vector<16xi32>
        %swap3A_905 = arith.constant 1 : i32
        %swap3A_906 = arith.index_cast %swap3A_905 : i32 to index
        %swap3A_907 = arith.constant 32 : index
        %swap3A_908 = tpu.vector_load %arg7[%swap3A_906, %swap3A_907] {strides = array<i32>} : memref<4x128xi32, #tpu.memory_space<vmem>>, vector<1x16xi32>,
        %swap3A_909 = vector.shape_cast %swap3A_908 : vector<1x16xi32> to vector<16xi32>
        %swap3A_910 = vector.shape_cast %shift_right_logical3A_904 : vector<16xi32> to vector<1x16xi32>
        tpu.vector_store %arg7[%swap3A_906, %swap3A_907], %swap3A_910 {strides = array<i32>} : memref<4x128xi32, #tpu.memory_space<vmem>>, vector<1x16xi32>,
        %get3A_911 = arith.index_cast %add3A_844 : i32 to index
        %get3A_912 = arith.constant 48 : index
        %get3A_913 = tpu.vector_load %arg6[%get3A_911, %get3A_912] {strides = array<i32>} : memref<80x128xi32, #tpu.memory_space<vmem>>, vector<1x16xi32>,
        %get3A_914 = vector.shape_cast %get3A_913 : vector<1x16xi32> to vector<16xi32>
        %and3A_915 = arith.constant 16383 : i32
        %and3A_916 = vector.broadcast %and3A_915 : i32 to vector<16xi32>
        %and3A_917 = arith.andi %get3A_914, %and3A_916 : vector<16xi32>
        %swap3A_918 = arith.constant 0 : i32
        %swap3A_919 = arith.index_cast %swap3A_918 : i32 to index
        %swap3A_920 = arith.constant 48 : index
        %swap3A_921 = tpu.vector_load %arg7[%swap3A_919, %swap3A_920] {strides = array<i32>} : memref<4x128xi32, #tpu.memory_space<vmem>>, vector<1x16xi32>,
        %swap3A_922 = vector.shape_cast %swap3A_921 : vector<1x16xi32> to vector<16xi32>
        %swap3A_923 = vector.shape_cast %and3A_917 : vector<16xi32> to vector<1x16xi32>
        tpu.vector_store %arg7[%swap3A_919, %swap3A_920], %swap3A_923 {strides = array<i32>} : memref<4x128xi32, #tpu.memory_space<vmem>>, vector<1x16xi32>,
        %shift_right_logical3A_924 = arith.constant 14 : i32
        %shift_right_logical3A_925 = vector.broadcast %shift_right_logical3A_924 : i32 to vector<16xi32>
        %shift_right_logical3A_926 = arith.shrui %get3A_914, %shift_right_logical3A_925 : vector<16xi32>
        %swap3A_927 = arith.constant 1 : i32
        %swap3A_928 = arith.index_cast %swap3A_927 : i32 to index
        %swap3A_929 = arith.constant 48 : index
        %swap3A_930 = tpu.vector_load %arg7[%swap3A_928, %swap3A_929] {strides = array<i32>} : memref<4x128xi32, #tpu.memory_space<vmem>>, vector<1x16xi32>,
        %swap3A_931 = vector.shape_cast %swap3A_930 : vector<1x16xi32> to vector<16xi32>
        %swap3A_932 = vector.shape_cast %shift_right_logical3A_926 : vector<16xi32> to vector<1x16xi32>
        tpu.vector_store %arg7[%swap3A_928, %swap3A_929], %swap3A_932 {strides = array<i32>} : memref<4x128xi32, #tpu.memory_space<vmem>>, vector<1x16xi32>,
        %get3A_933 = arith.index_cast %add3A_844 : i32 to index
        %get3A_934 = arith.constant 64 : index
        %get3A_935 = tpu.vector_load %arg6[%get3A_933, %get3A_934] {strides = array<i32>} : memref<80x128xi32, #tpu.memory_space<vmem>>, vector<1x16xi32>,
        %get3A_936 = vector.shape_cast %get3A_935 : vector<1x16xi32> to vector<16xi32>
        %and3A_937 = arith.constant 16383 : i32
        %and3A_938 = vector.broadcast %and3A_937 : i32 to vector<16xi32>
        %and3A_939 = arith.andi %get3A_936, %and3A_938 : vector<16xi32>
        %swap3A_940 = arith.constant 0 : i32
        %swap3A_941 = arith.index_cast %swap3A_940 : i32 to index
        %swap3A_942 = arith.constant 64 : index
        %swap3A_943 = tpu.vector_load %arg7[%swap3A_941, %swap3A_942] {strides = array<i32>} : memref<4x128xi32, #tpu.memory_space<vmem>>, vector<1x16xi32>,
        %swap3A_944 = vector.shape_cast %swap3A_943 : vector<1x16xi32> to vector<16xi32>
        %swap3A_945 = vector.shape_cast %and3A_939 : vector<16xi32> to vector<1x16xi32>
        tpu.vector_store %arg7[%swap3A_941, %swap3A_942], %swap3A_945 {strides = array<i32>} : memref<4x128xi32, #tpu.memory_space<vmem>>, vector<1x16xi32>,
        %shift_right_logical3A_946 = arith.constant 14 : i32
        %shift_right_logical3A_947 = vector.broadcast %shift_right_logical3A_946 : i32 to vector<16xi32>
        %shift_right_logical3A_948 = arith.shrui %get3A_936, %shift_right_logical3A_947 : vector<16xi32>
        %swap3A_949 = arith.constant 1 : i32
        %swap3A_950 = arith.index_cast %swap3A_949 : i32 to index
        %swap3A_951 = arith.constant 64 : index
        %swap3A_952 = tpu.vector_load %arg7[%swap3A_950, %swap3A_951] {strides = array<i32>} : memref<4x128xi32, #tpu.memory_space<vmem>>, vector<1x16xi32>,
        %swap3A_953 = vector.shape_cast %swap3A_952 : vector<1x16xi32> to vector<16xi32>
        %swap3A_954 = vector.shape_cast %shift_right_logical3A_948 : vector<16xi32> to vector<1x16xi32>
        tpu.vector_store %arg7[%swap3A_950, %swap3A_951], %swap3A_954 {strides = array<i32>} : memref<4x128xi32, #tpu.memory_space<vmem>>, vector<1x16xi32>,
        %get3A_955 = arith.index_cast %add3A_844 : i32 to index
        %get3A_956 = arith.constant 80 : index
        %get3A_957 = tpu.vector_load %arg6[%get3A_955, %get3A_956] {strides = array<i32>} : memref<80x128xi32, #tpu.memory_space<vmem>>, vector<1x16xi32>,
        %get3A_958 = vector.shape_cast %get3A_957 : vector<1x16xi32> to vector<16xi32>
        %and3A_959 = arith.constant 16383 : i32
        %and3A_960 = vector.broadcast %and3A_959 : i32 to vector<16xi32>
        %and3A_961 = arith.andi %get3A_958, %and3A_960 : vector<16xi32>
        %swap3A_962 = arith.constant 0 : i32
        %swap3A_963 = arith.index_cast %swap3A_962 : i32 to index
        %swap3A_964 = arith.constant 80 : index
        %swap3A_965 = tpu.vector_load %arg7[%swap3A_963, %swap3A_964] {strides = array<i32>} : memref<4x128xi32, #tpu.memory_space<vmem>>, vector<1x16xi32>,
        %swap3A_966 = vector.shape_cast %swap3A_965 : vector<1x16xi32> to vector<16xi32>
        %swap3A_967 = vector.shape_cast %and3A_961 : vector<16xi32> to vector<1x16xi32>
        tpu.vector_store %arg7[%swap3A_963, %swap3A_964], %swap3A_967 {strides = array<i32>} : memref<4x128xi32, #tpu.memory_space<vmem>>, vector<1x16xi32>,
        %shift_right_logical3A_968 = arith.constant 14 : i32
        %shift_right_logical3A_969 = vector.broadcast %shift_right_logical3A_968 : i32 to vector<16xi32>
        %shift_right_logical3A_970 = arith.shrui %get3A_958, %shift_right_logical3A_969 : vector<16xi32>
        %swap3A_971 = arith.constant 1 : i32
        %swap3A_972 = arith.index_cast %swap3A_971 : i32 to index
        %swap3A_973 = arith.constant 80 : index
        %swap3A_974 = tpu.vector_load %arg7[%swap3A_972, %swap3A_973] {strides = array<i32>} : memref<4x128xi32, #tpu.memory_space<vmem>>, vector<1x16xi32>,
        %swap3A_975 = vector.shape_cast %swap3A_974 : vector<1x16xi32> to vector<16xi32>
        %swap3A_976 = vector.shape_cast %shift_right_logical3A_970 : vector<16xi32> to vector<1x16xi32>
        tpu.vector_store %arg7[%swap3A_972, %swap3A_973], %swap3A_976 {strides = array<i32>} : memref<4x128xi32, #tpu.memory_space<vmem>>, vector<1x16xi32>,
        %get3A_977 = arith.index_cast %add3A_844 : i32 to index
        %get3A_978 = arith.constant 96 : index
        %get3A_979 = tpu.vector_load %arg6[%get3A_977, %get3A_978] {strides = array<i32>} : memref<80x128xi32, #tpu.memory_space<vmem>>, vector<1x16xi32>,
        %get3A_980 = vector.shape_cast %get3A_979 : vector<1x16xi32> to vector<16xi32>
        %and3A_981 = arith.constant 16383 : i32
        %and3A_982 = vector.broadcast %and3A_981 : i32 to vector<16xi32>
        %and3A_983 = arith.andi %get3A_980, %and3A_982 : vector<16xi32>
        %swap3A_984 = arith.constant 0 : i32
        %swap3A_985 = arith.index_cast %swap3A_984 : i32 to index
        %swap3A_986 = arith.constant 96 : index
        %swap3A_987 = tpu.vector_load %arg7[%swap3A_985, %swap3A_986] {strides = array<i32>} : memref<4x128xi32, #tpu.memory_space<vmem>>, vector<1x16xi32>,
        %swap3A_988 = vector.shape_cast %swap3A_987 : vector<1x16xi32> to vector<16xi32>
        %swap3A_989 = vector.shape_cast %and3A_983 : vector<16xi32> to vector<1x16xi32>
        tpu.vector_store %arg7[%swap3A_985, %swap3A_986], %swap3A_989 {strides = array<i32>} : memref<4x128xi32, #tpu.memory_space<vmem>>, vector<1x16xi32>,
        %shift_right_logical3A_990 = arith.constant 14 : i32
        %shift_right_logical3A_991 = vector.broadcast %shift_right_logical3A_990 : i32 to vector<16xi32>
        %shift_right_logical3A_992 = arith.shrui %get3A_980, %shift_right_logical3A_991 : vector<16xi32>
        %swap3A_993 = arith.constant 1 : i32
        %swap3A_994 = arith.index_cast %swap3A_993 : i32 to index
        %swap3A_995 = arith.constant 96 : index
        %swap3A_996 = tpu.vector_load %arg7[%swap3A_994, %swap3A_995] {strides = array<i32>} : memref<4x128xi32, #tpu.memory_space<vmem>>, vector<1x16xi32>,
        %swap3A_997 = vector.shape_cast %swap3A_996 : vector<1x16xi32> to vector<16xi32>
        %swap3A_998 = vector.shape_cast %shift_right_logical3A_992 : vector<16xi32> to vector<1x16xi32>
        tpu.vector_store %arg7[%swap3A_994, %swap3A_995], %swap3A_998 {strides = array<i32>} : memref<4x128xi32, #tpu.memory_space<vmem>>, vector<1x16xi32>,
        %get3A_999 = arith.index_cast %add3A_844 : i32 to index
        %get3A_1000 = arith.constant 112 : index
        %get3A_1001 = tpu.vector_load %arg6[%get3A_999, %get3A_1000] {strides = array<i32>} : memref<80x128xi32, #tpu.memory_space<vmem>>, vector<1x16xi32>,
        %get3A_1002 = vector.shape_cast %get3A_1001 : vector<1x16xi32> to vector<16xi32>
        %and3A_1003 = arith.constant 16383 : i32
        %and3A_1004 = vector.broadcast %and3A_1003 : i32 to vector<16xi32>
        %and3A_1005 = arith.andi %get3A_1002, %and3A_1004 : vector<16xi32>
        %swap3A_1006 = arith.constant 0 : i32
        %swap3A_1007 = arith.index_cast %swap3A_1006 : i32 to index
        %swap3A_1008 = arith.constant 112 : index
        %swap3A_1009 = tpu.vector_load %arg7[%swap3A_1007, %swap3A_1008] {strides = array<i32>} : memref<4x128xi32, #tpu.memory_space<vmem>>, vector<1x16xi32>,
        %swap3A_1010 = vector.shape_cast %swap3A_1009 : vector<1x16xi32> to vector<16xi32>
        %swap3A_1011 = vector.shape_cast %and3A_1005 : vector<16xi32> to vector<1x16xi32>
        tpu.vector_store %arg7[%swap3A_1007, %swap3A_1008], %swap3A_1011 {strides = array<i32>} : memref<4x128xi32, #tpu.memory_space<vmem>>, vector<1x16xi32>,
        %shift_right_logical3A_1012 = arith.constant 14 : i32
        %shift_right_logical3A_1013 = vector.broadcast %shift_right_logical3A_1012 : i32 to vector<16xi32>
        %shift_right_logical3A_1014 = arith.shrui %get3A_1002, %shift_right_logical3A_1013 : vector<16xi32>
        %swap3A_1015 = arith.constant 1 : i32
        %swap3A_1016 = arith.index_cast %swap3A_1015 : i32 to index
        %swap3A_1017 = arith.constant 112 : index
        %swap3A_1018 = tpu.vector_load %arg7[%swap3A_1016, %swap3A_1017] {strides = array<i32>} : memref<4x128xi32, #tpu.memory_space<vmem>>, vector<1x16xi32>,
        %swap3A_1019 = vector.shape_cast %swap3A_1018 : vector<1x16xi32> to vector<16xi32>
        %swap3A_1020 = vector.shape_cast %shift_right_logical3A_1014 : vector<16xi32> to vector<1x16xi32>
        tpu.vector_store %arg7[%swap3A_1016, %swap3A_1017], %swap3A_1020 {strides = array<i32>} : memref<4x128xi32, #tpu.memory_space<vmem>>, vector<1x16xi32>,
        %dma_start3A_1021 = arith.constant 0 : i32
        %dma_start3A_1022 = arith.constant 0 : i32
        %dma_start3A_1023 = tpu.memref_slice %arg7[%dma_start3A_1021, %dma_start3A_1022] : memref<4x128xi32, #tpu.memory_space<vmem>> -> memref<1x128xi32, #tpu.memory_space<vmem>>
        %dma_start3A_1024 = tpu.memref_squeeze %dma_start3A_1023 : memref<1x128xi32, #tpu.memory_space<vmem>> -> memref<128xi32, #tpu.memory_space<vmem>>
        %dma_start3A_1025 = arith.constant 0 : i32
        %dma_start3A_1026 = arith.constant 0 : i32
        %dma_start3A_1027 = tpu.memref_slice %arg2[%dma_start3A_1025, %dma_start3A_1026] : memref<10000x128xf32, #tpu.memory_space<hbm>> -> memref<10000x128xf32, #tpu.memory_space<hbm>>
        tpu.enqueue_indirect_dma source(%dma_start3A_1027 : memref<10000x128xf32, #tpu.memory_space<hbm>>) target(%arg8 : memref<128x128xf32, #tpu.memory_space<vmem>>) offsets(%dma_start3A_1024 : memref<128xi32, #tpu.memory_space<vmem>>) semaphore(%arg11 : memref<!tpu.dma_semaphore, #tpu.memory_space<semaphore_mem>>)
        %dma_wait3A_1028 = arith.constant 2 : i32
        %dma_wait3A_1029 = arith.constant 0 : i32
        %dma_wait3A_1030 = tpu.memref_slice %arg7[%dma_wait3A_1028, %dma_wait3A_1029] : memref<4x128xi32, #tpu.memory_space<vmem>> -> memref<1x128xi32, #tpu.memory_space<vmem>>
        %dma_wait3A_1031 = tpu.memref_squeeze %dma_wait3A_1030 : memref<1x128xi32, #tpu.memory_space<vmem>> -> memref<128xi32, #tpu.memory_space<vmem>>
        %dma_wait3A_1032 = arith.constant 0 : i32
        %dma_wait3A_1033 = arith.constant 0 : i32
        %dma_wait3A_1034 = tpu.memref_slice %arg2[%dma_wait3A_1032, %dma_wait3A_1033] : memref<10000x128xf32, #tpu.memory_space<hbm>> -> memref<10000x128xf32, #tpu.memory_space<hbm>>
        tpu.wait_indirect_dma semaphore(%arg12 : memref<!tpu.dma_semaphore, #tpu.memory_space<semaphore_mem>>) src(%dma_wait3A_1034 : memref<10000x128xf32, #tpu.memory_space<hbm>>) dst(%arg9 : memref<128x128xf32, #tpu.memory_space<vmem>>)
        %run_scoped3A_1035 = arith.constant 3 : i32
        "tpu.region"() ({
          %run_scoped3A_1221 = tpu.sem_alloc : memref<!tpu.dma_semaphore, #tpu.memory_space<semaphore_mem>>
          %dma_start3A_1222 = arith.constant 0 : i32
          %dma_start3A_1223 = tpu.memref_slice %arg7[%run_scoped3A_1035, %dma_start3A_1222] : memref<4x128xi32, #tpu.memory_space<vmem>> -> memref<1x128xi32, #tpu.memory_space<vmem>>
          %dma_start3A_1224 = tpu.memref_squeeze %dma_start3A_1223 : memref<1x128xi32, #tpu.memory_space<vmem>> -> memref<128xi32, #tpu.memory_space<vmem>>
          %dma_start3A_1225 = arith.constant 0 : i32
          %dma_start3A_1226 = arith.constant 0 : i32
          %dma_start3A_1227 = tpu.memref_slice %arg10[%dma_start3A_1225, %dma_start3A_1226] : memref<10048x128xf32, #tpu.memory_space<vmem_shared>> -> memref<10048x128xf32, #tpu.memory_space<vmem_shared>>
          tpu.enqueue_indirect_dma source(%arg9 : memref<128x128xf32, #tpu.memory_space<vmem>>) target(%dma_start3A_1227 : memref<10048x128xf32, #tpu.memory_space<vmem_shared>>) offsets(%dma_start3A_1224 : memref<128xi32, #tpu.memory_space<vmem>>) semaphore(%run_scoped3A_1221 : memref<!tpu.dma_semaphore, #tpu.memory_space<semaphore_mem>>) {add = true}
          %dma_wait3A_1228 = arith.constant 0 : i32
          %dma_wait3A_1229 = tpu.memref_slice %arg7[%run_scoped3A_1035, %dma_wait3A_1228] : memref<4x128xi32, #tpu.memory_space<vmem>> -> memref<1x128xi32, #tpu.memory_space<vmem>>
          %dma_wait3A_1230 = tpu.memref_squeeze %dma_wait3A_1229 : memref<1x128xi32, #tpu.memory_space<vmem>> -> memref<128xi32, #tpu.memory_space<vmem>>
          %dma_wait3A_1231 = arith.constant 0 : i32
          %dma_wait3A_1232 = arith.constant 0 : i32
          %dma_wait3A_1233 = tpu.memref_slice %arg10[%dma_wait3A_1231, %dma_wait3A_1232] : memref<10048x128xf32, #tpu.memory_space<vmem_shared>> -> memref<10048x128xf32, #tpu.memory_space<vmem_shared>>
          tpu.wait_indirect_dma semaphore(%run_scoped3A_1221 : memref<!tpu.dma_semaphore, #tpu.memory_space<semaphore_mem>>) src(%arg9 : memref<128x128xf32, #tpu.memory_space<vmem>>) dst(%dma_wait3A_1233 : memref<10048x128xf32, #tpu.memory_space<vmem_shared>>)
          tpu.yield
        }) : () -> ()
        %add3A_1036 = arith.constant 3 : i32
        %add3A_1037 = arith.addi %add3A_834, %add3A_1036 : i32
        %get3A_1038 = arith.index_cast %add3A_1037 : i32 to index
        %get3A_1039 = arith.constant 0 : index
        %get3A_1040 = tpu.vector_load %arg6[%get3A_1038, %get3A_1039] {strides = array<i32>} : memref<80x128xi32, #tpu.memory_space<vmem>>, vector<1x16xi32>,
        %get3A_1041 = vector.shape_cast %get3A_1040 : vector<1x16xi32> to vector<16xi32>
        %and3A_1042 = arith.constant 16383 : i32
        %and3A_1043 = vector.broadcast %and3A_1042 : i32 to vector<16xi32>
        %and3A_1044 = arith.andi %get3A_1041, %and3A_1043 : vector<16xi32>
        %swap3A_1045 = arith.constant 2 : i32
        %swap3A_1046 = arith.index_cast %swap3A_1045 : i32 to index
        %swap3A_1047 = arith.constant 0 : index
        %swap3A_1048 = tpu.vector_load %arg7[%swap3A_1046, %swap3A_1047] {strides = array<i32>} : memref<4x128xi32, #tpu.memory_space<vmem>>, vector<1x16xi32>,
        %swap3A_1049 = vector.shape_cast %swap3A_1048 : vector<1x16xi32> to vector<16xi32>
        %swap3A_1050 = vector.shape_cast %and3A_1044 : vector<16xi32> to vector<1x16xi32>
        tpu.vector_store %arg7[%swap3A_1046, %swap3A_1047], %swap3A_1050 {strides = array<i32>} : memref<4x128xi32, #tpu.memory_space<vmem>>, vector<1x16xi32>,
        %shift_right_logical3A_1051 = arith.constant 14 : i32
        %shift_right_logical3A_1052 = vector.broadcast %shift_right_logical3A_1051 : i32 to vector<16xi32>
        %shift_right_logical3A_1053 = arith.shrui %get3A_1041, %shift_right_logical3A_1052 : vector<16xi32>
        %swap3A_1054 = arith.constant 3 : i32
        %swap3A_1055 = arith.index_cast %swap3A_1054 : i32 to index
        %swap3A_1056 = arith.constant 0 : index
        %swap3A_1057 = tpu.vector_load %arg7[%swap3A_1055, %swap3A_1056] {strides = array<i32>} : memref<4x128xi32, #tpu.memory_space<vmem>>, vector<1x16xi32>,
        %swap3A_1058 = vector.shape_cast %swap3A_1057 : vector<1x16xi32> to vector<16xi32>
        %swap3A_1059 = vector.shape_cast %shift_right_logical3A_1053 : vector<16xi32> to vector<1x16xi32>
        tpu.vector_store %arg7[%swap3A_1055, %swap3A_1056], %swap3A_1059 {strides = array<i32>} : memref<4x128xi32, #tpu.memory_space<vmem>>, vector<1x16xi32>,
        %get3A_1060 = arith.index_cast %add3A_1037 : i32 to index
        %get3A_1061 = arith.constant 16 : index
        %get3A_1062 = tpu.vector_load %arg6[%get3A_1060, %get3A_1061] {strides = array<i32>} : memref<80x128xi32, #tpu.memory_space<vmem>>, vector<1x16xi32>,
        %get3A_1063 = vector.shape_cast %get3A_1062 : vector<1x16xi32> to vector<16xi32>
        %and3A_1064 = arith.constant 16383 : i32
        %and3A_1065 = vector.broadcast %and3A_1064 : i32 to vector<16xi32>
        %and3A_1066 = arith.andi %get3A_1063, %and3A_1065 : vector<16xi32>
        %swap3A_1067 = arith.constant 2 : i32
        %swap3A_1068 = arith.index_cast %swap3A_1067 : i32 to index
        %swap3A_1069 = arith.constant 16 : index
        %swap3A_1070 = tpu.vector_load %arg7[%swap3A_1068, %swap3A_1069] {strides = array<i32>} : memref<4x128xi32, #tpu.memory_space<vmem>>, vector<1x16xi32>,
        %swap3A_1071 = vector.shape_cast %swap3A_1070 : vector<1x16xi32> to vector<16xi32>
        %swap3A_1072 = vector.shape_cast %and3A_1066 : vector<16xi32> to vector<1x16xi32>
        tpu.vector_store %arg7[%swap3A_1068, %swap3A_1069], %swap3A_1072 {strides = array<i32>} : memref<4x128xi32, #tpu.memory_space<vmem>>, vector<1x16xi32>,
        %shift_right_logical3A_1073 = arith.constant 14 : i32
        %shift_right_logical3A_1074 = vector.broadcast %shift_right_logical3A_1073 : i32 to vector<16xi32>
        %shift_right_logical3A_1075 = arith.shrui %get3A_1063, %shift_right_logical3A_1074 : vector<16xi32>
        %swap3A_1076 = arith.constant 3 : i32
        %swap3A_1077 = arith.index_cast %swap3A_1076 : i32 to index
        %swap3A_1078 = arith.constant 16 : index
        %swap3A_1079 = tpu.vector_load %arg7[%swap3A_1077, %swap3A_1078] {strides = array<i32>} : memref<4x128xi32, #tpu.memory_space<vmem>>, vector<1x16xi32>,
        %swap3A_1080 = vector.shape_cast %swap3A_1079 : vector<1x16xi32> to vector<16xi32>
        %swap3A_1081 = vector.shape_cast %shift_right_logical3A_1075 : vector<16xi32> to vector<1x16xi32>
        tpu.vector_store %arg7[%swap3A_1077, %swap3A_1078], %swap3A_1081 {strides = array<i32>} : memref<4x128xi32, #tpu.memory_space<vmem>>, vector<1x16xi32>,
        %get3A_1082 = arith.index_cast %add3A_1037 : i32 to index
        %get3A_1083 = arith.constant 32 : index
        %get3A_1084 = tpu.vector_load %arg6[%get3A_1082, %get3A_1083] {strides = array<i32>} : memref<80x128xi32, #tpu.memory_space<vmem>>, vector<1x16xi32>,
        %get3A_1085 = vector.shape_cast %get3A_1084 : vector<1x16xi32> to vector<16xi32>
        %and3A_1086 = arith.constant 16383 : i32
        %and3A_1087 = vector.broadcast %and3A_1086 : i32 to vector<16xi32>
        %and3A_1088 = arith.andi %get3A_1085, %and3A_1087 : vector<16xi32>
        %swap3A_1089 = arith.constant 2 : i32
        %swap3A_1090 = arith.index_cast %swap3A_1089 : i32 to index
        %swap3A_1091 = arith.constant 32 : index
        %swap3A_1092 = tpu.vector_load %arg7[%swap3A_1090, %swap3A_1091] {strides = array<i32>} : memref<4x128xi32, #tpu.memory_space<vmem>>, vector<1x16xi32>,
        %swap3A_1093 = vector.shape_cast %swap3A_1092 : vector<1x16xi32> to vector<16xi32>
        %swap3A_1094 = vector.shape_cast %and3A_1088 : vector<16xi32> to vector<1x16xi32>
        tpu.vector_store %arg7[%swap3A_1090, %swap3A_1091], %swap3A_1094 {strides = array<i32>} : memref<4x128xi32, #tpu.memory_space<vmem>>, vector<1x16xi32>,
        %shift_right_logical3A_1095 = arith.constant 14 : i32
        %shift_right_logical3A_1096 = vector.broadcast %shift_right_logical3A_1095 : i32 to vector<16xi32>
        %shift_right_logical3A_1097 = arith.shrui %get3A_1085, %shift_right_logical3A_1096 : vector<16xi32>
        %swap3A_1098 = arith.constant 3 : i32
        %swap3A_1099 = arith.index_cast %swap3A_1098 : i32 to index
        %swap3A_1100 = arith.constant 32 : index
        %swap3A_1101 = tpu.vector_load %arg7[%swap3A_1099, %swap3A_1100] {strides = array<i32>} : memref<4x128xi32, #tpu.memory_space<vmem>>, vector<1x16xi32>,
        %swap3A_1102 = vector.shape_cast %swap3A_1101 : vector<1x16xi32> to vector<16xi32>
        %swap3A_1103 = vector.shape_cast %shift_right_logical3A_1097 : vector<16xi32> to vector<1x16xi32>
        tpu.vector_store %arg7[%swap3A_1099, %swap3A_1100], %swap3A_1103 {strides = array<i32>} : memref<4x128xi32, #tpu.memory_space<vmem>>, vector<1x16xi32>,
        %get3A_1104 = arith.index_cast %add3A_1037 : i32 to index
        %get3A_1105 = arith.constant 48 : index
        %get3A_1106 = tpu.vector_load %arg6[%get3A_1104, %get3A_1105] {strides = array<i32>} : memref<80x128xi32, #tpu.memory_space<vmem>>, vector<1x16xi32>,
        %get3A_1107 = vector.shape_cast %get3A_1106 : vector<1x16xi32> to vector<16xi32>
        %and3A_1108 = arith.constant 16383 : i32
        %and3A_1109 = vector.broadcast %and3A_1108 : i32 to vector<16xi32>
        %and3A_1110 = arith.andi %get3A_1107, %and3A_1109 : vector<16xi32>
        %swap3A_1111 = arith.constant 2 : i32
        %swap3A_1112 = arith.index_cast %swap3A_1111 : i32 to index
        %swap3A_1113 = arith.constant 48 : index
        %swap3A_1114 = tpu.vector_load %arg7[%swap3A_1112, %swap3A_1113] {strides = array<i32>} : memref<4x128xi32, #tpu.memory_space<vmem>>, vector<1x16xi32>,
        %swap3A_1115 = vector.shape_cast %swap3A_1114 : vector<1x16xi32> to vector<16xi32>
        %swap3A_1116 = vector.shape_cast %and3A_1110 : vector<16xi32> to vector<1x16xi32>
        tpu.vector_store %arg7[%swap3A_1112, %swap3A_1113], %swap3A_1116 {strides = array<i32>} : memref<4x128xi32, #tpu.memory_space<vmem>>, vector<1x16xi32>,
        %shift_right_logical3A_1117 = arith.constant 14 : i32
        %shift_right_logical3A_1118 = vector.broadcast %shift_right_logical3A_1117 : i32 to vector<16xi32>
        %shift_right_logical3A_1119 = arith.shrui %get3A_1107, %shift_right_logical3A_1118 : vector<16xi32>
        %swap3A_1120 = arith.constant 3 : i32
        %swap3A_1121 = arith.index_cast %swap3A_1120 : i32 to index
        %swap3A_1122 = arith.constant 48 : index
        %swap3A_1123 = tpu.vector_load %arg7[%swap3A_1121, %swap3A_1122] {strides = array<i32>} : memref<4x128xi32, #tpu.memory_space<vmem>>, vector<1x16xi32>,
        %swap3A_1124 = vector.shape_cast %swap3A_1123 : vector<1x16xi32> to vector<16xi32>
        %swap3A_1125 = vector.shape_cast %shift_right_logical3A_1119 : vector<16xi32> to vector<1x16xi32>
        tpu.vector_store %arg7[%swap3A_1121, %swap3A_1122], %swap3A_1125 {strides = array<i32>} : memref<4x128xi32, #tpu.memory_space<vmem>>, vector<1x16xi32>,
        %get3A_1126 = arith.index_cast %add3A_1037 : i32 to index
        %get3A_1127 = arith.constant 64 : index
        %get3A_1128 = tpu.vector_load %arg6[%get3A_1126, %get3A_1127] {strides = array<i32>} : memref<80x128xi32, #tpu.memory_space<vmem>>, vector<1x16xi32>,
        %get3A_1129 = vector.shape_cast %get3A_1128 : vector<1x16xi32> to vector<16xi32>
        %and3A_1130 = arith.constant 16383 : i32
        %and3A_1131 = vector.broadcast %and3A_1130 : i32 to vector<16xi32>
        %and3A_1132 = arith.andi %get3A_1129, %and3A_1131 : vector<16xi32>
        %swap3A_1133 = arith.constant 2 : i32
        %swap3A_1134 = arith.index_cast %swap3A_1133 : i32 to index
        %swap3A_1135 = arith.constant 64 : index
        %swap3A_1136 = tpu.vector_load %arg7[%swap3A_1134, %swap3A_1135] {strides = array<i32>} : memref<4x128xi32, #tpu.memory_space<vmem>>, vector<1x16xi32>,
        %swap3A_1137 = vector.shape_cast %swap3A_1136 : vector<1x16xi32> to vector<16xi32>
        %swap3A_1138 = vector.shape_cast %and3A_1132 : vector<16xi32> to vector<1x16xi32>
        tpu.vector_store %arg7[%swap3A_1134, %swap3A_1135], %swap3A_1138 {strides = array<i32>} : memref<4x128xi32, #tpu.memory_space<vmem>>, vector<1x16xi32>,
        %shift_right_logical3A_1139 = arith.constant 14 : i32
        %shift_right_logical3A_1140 = vector.broadcast %shift_right_logical3A_1139 : i32 to vector<16xi32>
        %shift_right_logical3A_1141 = arith.shrui %get3A_1129, %shift_right_logical3A_1140 : vector<16xi32>
        %swap3A_1142 = arith.constant 3 : i32
        %swap3A_1143 = arith.index_cast %swap3A_1142 : i32 to index
        %swap3A_1144 = arith.constant 64 : index
        %swap3A_1145 = tpu.vector_load %arg7[%swap3A_1143, %swap3A_1144] {strides = array<i32>} : memref<4x128xi32, #tpu.memory_space<vmem>>, vector<1x16xi32>,
        %swap3A_1146 = vector.shape_cast %swap3A_1145 : vector<1x16xi32> to vector<16xi32>
        %swap3A_1147 = vector.shape_cast %shift_right_logical3A_1141 : vector<16xi32> to vector<1x16xi32>
        tpu.vector_store %arg7[%swap3A_1143, %swap3A_1144], %swap3A_1147 {strides = array<i32>} : memref<4x128xi32, #tpu.memory_space<vmem>>, vector<1x16xi32>,
        %get3A_1148 = arith.index_cast %add3A_1037 : i32 to index
        %get3A_1149 = arith.constant 80 : index
        %get3A_1150 = tpu.vector_load %arg6[%get3A_1148, %get3A_1149] {strides = array<i32>} : memref<80x128xi32, #tpu.memory_space<vmem>>, vector<1x16xi32>,
        %get3A_1151 = vector.shape_cast %get3A_1150 : vector<1x16xi32> to vector<16xi32>
        %and3A_1152 = arith.constant 16383 : i32
        %and3A_1153 = vector.broadcast %and3A_1152 : i32 to vector<16xi32>
        %and3A_1154 = arith.andi %get3A_1151, %and3A_1153 : vector<16xi32>
        %swap3A_1155 = arith.constant 2 : i32
        %swap3A_1156 = arith.index_cast %swap3A_1155 : i32 to index
        %swap3A_1157 = arith.constant 80 : index
        %swap3A_1158 = tpu.vector_load %arg7[%swap3A_1156, %swap3A_1157] {strides = array<i32>} : memref<4x128xi32, #tpu.memory_space<vmem>>, vector<1x16xi32>,
        %swap3A_1159 = vector.shape_cast %swap3A_1158 : vector<1x16xi32> to vector<16xi32>
        %swap3A_1160 = vector.shape_cast %and3A_1154 : vector<16xi32> to vector<1x16xi32>
        tpu.vector_store %arg7[%swap3A_1156, %swap3A_1157], %swap3A_1160 {strides = array<i32>} : memref<4x128xi32, #tpu.memory_space<vmem>>, vector<1x16xi32>,
        %shift_right_logical3A_1161 = arith.constant 14 : i32
        %shift_right_logical3A_1162 = vector.broadcast %shift_right_logical3A_1161 : i32 to vector<16xi32>
        %shift_right_logical3A_1163 = arith.shrui %get3A_1151, %shift_right_logical3A_1162 : vector<16xi32>
        %swap3A_1164 = arith.constant 3 : i32
        %swap3A_1165 = arith.index_cast %swap3A_1164 : i32 to index
        %swap3A_1166 = arith.constant 80 : index
        %swap3A_1167 = tpu.vector_load %arg7[%swap3A_1165, %swap3A_1166] {strides = array<i32>} : memref<4x128xi32, #tpu.memory_space<vmem>>, vector<1x16xi32>,
        %swap3A_1168 = vector.shape_cast %swap3A_1167 : vector<1x16xi32> to vector<16xi32>
        %swap3A_1169 = vector.shape_cast %shift_right_logical3A_1163 : vector<16xi32> to vector<1x16xi32>
        tpu.vector_store %arg7[%swap3A_1165, %swap3A_1166], %swap3A_1169 {strides = array<i32>} : memref<4x128xi32, #tpu.memory_space<vmem>>, vector<1x16xi32>,
        %get3A_1170 = arith.index_cast %add3A_1037 : i32 to index
        %get3A_1171 = arith.constant 96 : index
        %get3A_1172 = tpu.vector_load %arg6[%get3A_1170, %get3A_1171] {strides = array<i32>} : memref<80x128xi32, #tpu.memory_space<vmem>>, vector<1x16xi32>,
        %get3A_1173 = vector.shape_cast %get3A_1172 : vector<1x16xi32> to vector<16xi32>
        %and3A_1174 = arith.constant 16383 : i32
        %and3A_1175 = vector.broadcast %and3A_1174 : i32 to vector<16xi32>
        %and3A_1176 = arith.andi %get3A_1173, %and3A_1175 : vector<16xi32>
        %swap3A_1177 = arith.constant 2 : i32
        %swap3A_1178 = arith.index_cast %swap3A_1177 : i32 to index
        %swap3A_1179 = arith.constant 96 : index
        %swap3A_1180 = tpu.vector_load %arg7[%swap3A_1178, %swap3A_1179] {strides = array<i32>} : memref<4x128xi32, #tpu.memory_space<vmem>>, vector<1x16xi32>,
        %swap3A_1181 = vector.shape_cast %swap3A_1180 : vector<1x16xi32> to vector<16xi32>
        %swap3A_1182 = vector.shape_cast %and3A_1176 : vector<16xi32> to vector<1x16xi32>
        tpu.vector_store %arg7[%swap3A_1178, %swap3A_1179], %swap3A_1182 {strides = array<i32>} : memref<4x128xi32, #tpu.memory_space<vmem>>, vector<1x16xi32>,
        %shift_right_logical3A_1183 = arith.constant 14 : i32
        %shift_right_logical3A_1184 = vector.broadcast %shift_right_logical3A_1183 : i32 to vector<16xi32>
        %shift_right_logical3A_1185 = arith.shrui %get3A_1173, %shift_right_logical3A_1184 : vector<16xi32>
        %swap3A_1186 = arith.constant 3 : i32
        %swap3A_1187 = arith.index_cast %swap3A_1186 : i32 to index
        %swap3A_1188 = arith.constant 96 : index
        %swap3A_1189 = tpu.vector_load %arg7[%swap3A_1187, %swap3A_1188] {strides = array<i32>} : memref<4x128xi32, #tpu.memory_space<vmem>>, vector<1x16xi32>,
        %swap3A_1190 = vector.shape_cast %swap3A_1189 : vector<1x16xi32> to vector<16xi32>
        %swap3A_1191 = vector.shape_cast %shift_right_logical3A_1185 : vector<16xi32> to vector<1x16xi32>
        tpu.vector_store %arg7[%swap3A_1187, %swap3A_1188], %swap3A_1191 {strides = array<i32>} : memref<4x128xi32, #tpu.memory_space<vmem>>, vector<1x16xi32>,
        %get3A_1192 = arith.index_cast %add3A_1037 : i32 to index
        %get3A_1193 = arith.constant 112 : index
        %get3A_1194 = tpu.vector_load %arg6[%get3A_1192, %get3A_1193] {strides = array<i32>} : memref<80x128xi32, #tpu.memory_space<vmem>>, vector<1x16xi32>,
        %get3A_1195 = vector.shape_cast %get3A_1194 : vector<1x16xi32> to vector<16xi32>
        %and3A_1196 = arith.constant 16383 : i32
        %and3A_1197 = vector.broadcast %and3A_1196 : i32 to vector<16xi32>
        %and3A_1198 = arith.andi %get3A_1195, %and3A_1197 : vector<16xi32>
        %swap3A_1199 = arith.constant 2 : i32
        %swap3A_1200 = arith.index_cast %swap3A_1199 : i32 to index
        %swap3A_1201 = arith.constant 112 : index
        %swap3A_1202 = tpu.vector_load %arg7[%swap3A_1200, %swap3A_1201] {strides = array<i32>} : memref<4x128xi32, #tpu.memory_space<vmem>>, vector<1x16xi32>,
        %swap3A_1203 = vector.shape_cast %swap3A_1202 : vector<1x16xi32> to vector<16xi32>
        %swap3A_1204 = vector.shape_cast %and3A_1198 : vector<16xi32> to vector<1x16xi32>
        tpu.vector_store %arg7[%swap3A_1200, %swap3A_1201], %swap3A_1204 {strides = array<i32>} : memref<4x128xi32, #tpu.memory_space<vmem>>, vector<1x16xi32>,
        %shift_right_logical3A_1205 = arith.constant 14 : i32
        %shift_right_logical3A_1206 = vector.broadcast %shift_right_logical3A_1205 : i32 to vector<16xi32>
        %shift_right_logical3A_1207 = arith.shrui %get3A_1195, %shift_right_logical3A_1206 : vector<16xi32>
        %swap3A_1208 = arith.constant 3 : i32
        %swap3A_1209 = arith.index_cast %swap3A_1208 : i32 to index
        %swap3A_1210 = arith.constant 112 : index
        %swap3A_1211 = tpu.vector_load %arg7[%swap3A_1209, %swap3A_1210] {strides = array<i32>} : memref<4x128xi32, #tpu.memory_space<vmem>>, vector<1x16xi32>,
        %swap3A_1212 = vector.shape_cast %swap3A_1211 : vector<1x16xi32> to vector<16xi32>
        %swap3A_1213 = vector.shape_cast %shift_right_logical3A_1207 : vector<16xi32> to vector<1x16xi32>
        tpu.vector_store %arg7[%swap3A_1209, %swap3A_1210], %swap3A_1213 {strides = array<i32>} : memref<4x128xi32, #tpu.memory_space<vmem>>, vector<1x16xi32>,
        %dma_start3A_1214 = arith.constant 2 : i32
        %dma_start3A_1215 = arith.constant 0 : i32
        %dma_start3A_1216 = tpu.memref_slice %arg7[%dma_start3A_1214, %dma_start3A_1215] : memref<4x128xi32, #tpu.memory_space<vmem>> -> memref<1x128xi32, #tpu.memory_space<vmem>>
        %dma_start3A_1217 = tpu.memref_squeeze %dma_start3A_1216 : memref<1x128xi32, #tpu.memory_space<vmem>> -> memref<128xi32, #tpu.memory_space<vmem>>
        %dma_start3A_1218 = arith.constant 0 : i32
        %dma_start3A_1219 = arith.constant 0 : i32
        %dma_start3A_1220 = tpu.memref_slice %arg2[%dma_start3A_1218, %dma_start3A_1219] : memref<10000x128xf32, #tpu.memory_space<hbm>> -> memref<10000x128xf32, #tpu.memory_space<hbm>>
        tpu.enqueue_indirect_dma source(%dma_start3A_1220 : memref<10000x128xf32, #tpu.memory_space<hbm>>) target(%arg9 : memref<128x128xf32, #tpu.memory_space<vmem>>) offsets(%dma_start3A_1217 : memref<128xi32, #tpu.memory_space<vmem>>) semaphore(%arg12 : memref<!tpu.dma_semaphore, #tpu.memory_space<semaphore_mem>>)
      }
      %scan3A_800 = arith.constant 39 : i32
      %dma_wait3A_801 = arith.constant 0 : i32
      %dma_wait3A_802 = arith.constant 0 : i32
      %dma_wait3A_803 = tpu.memref_slice %arg7[%dma_wait3A_801, %dma_wait3A_802] : memref<4x128xi32, #tpu.memory_space<vmem>> -> memref<1x128xi32, #tpu.memory_space<vmem>>
      %dma_wait3A_804 = tpu.memref_squeeze %dma_wait3A_803 : memref<1x128xi32, #tpu.memory_space<vmem>> -> memref<128xi32, #tpu.memory_space<vmem>>
      %dma_wait3A_805 = arith.constant 0 : i32
      %dma_wait3A_806 = arith.constant 0 : i32
      %dma_wait3A_807 = tpu.memref_slice %arg2[%dma_wait3A_805, %dma_wait3A_806] : memref<10000x128xf32, #tpu.memory_space<hbm>> -> memref<10000x128xf32, #tpu.memory_space<hbm>>
      tpu.wait_indirect_dma semaphore(%arg11 : memref<!tpu.dma_semaphore, #tpu.memory_space<semaphore_mem>>) src(%dma_wait3A_807 : memref<10000x128xf32, #tpu.memory_space<hbm>>) dst(%arg8 : memref<128x128xf32, #tpu.memory_space<vmem>>)
      %run_scoped3A_808 = arith.constant 1 : i32
      "tpu.region"() ({
        %run_scoped3A_830 = tpu.sem_alloc : memref<!tpu.dma_semaphore, #tpu.memory_space<semaphore_mem>>
        %dma_start3A_831 = arith.constant 0 : i32
        %dma_start3A_832 = tpu.memref_slice %arg7[%run_scoped3A_808, %dma_start3A_831] : memref<4x128xi32, #tpu.memory_space<vmem>> -> memref<1x128xi32, #tpu.memory_space<vmem>>
        %dma_start3A_833 = tpu.memref_squeeze %dma_start3A_832 : memref<1x128xi32, #tpu.memory_space<vmem>> -> memref<128xi32, #tpu.memory_space<vmem>>
        %dma_start3A_834 = arith.constant 0 : i32
        %dma_start3A_835 = arith.constant 0 : i32
        %dma_start3A_836 = tpu.memref_slice %arg10[%dma_start3A_834, %dma_start3A_835] : memref<10048x128xf32, #tpu.memory_space<vmem_shared>> -> memref<10048x128xf32, #tpu.memory_space<vmem_shared>>
        tpu.enqueue_indirect_dma source(%arg8 : memref<128x128xf32, #tpu.memory_space<vmem>>) target(%dma_start3A_836 : memref<10048x128xf32, #tpu.memory_space<vmem_shared>>) offsets(%dma_start3A_833 : memref<128xi32, #tpu.memory_space<vmem>>) semaphore(%run_scoped3A_830 : memref<!tpu.dma_semaphore, #tpu.memory_space<semaphore_mem>>) {add = true}
        %dma_wait3A_837 = arith.constant 0 : i32
        %dma_wait3A_838 = tpu.memref_slice %arg7[%run_scoped3A_808, %dma_wait3A_837] : memref<4x128xi32, #tpu.memory_space<vmem>> -> memref<1x128xi32, #tpu.memory_space<vmem>>
        %dma_wait3A_839 = tpu.memref_squeeze %dma_wait3A_838 : memref<1x128xi32, #tpu.memory_space<vmem>> -> memref<128xi32, #tpu.memory_space<vmem>>
        %dma_wait3A_840 = arith.constant 0 : i32
        %dma_wait3A_841 = arith.constant 0 : i32
        %dma_wait3A_842 = tpu.memref_slice %arg10[%dma_wait3A_840, %dma_wait3A_841] : memref<10048x128xf32, #tpu.memory_space<vmem_shared>> -> memref<10048x128xf32, #tpu.memory_space<vmem_shared>>
        tpu.wait_indirect_dma semaphore(%run_scoped3A_830 : memref<!tpu.dma_semaphore, #tpu.memory_space<semaphore_mem>>) src(%arg8 : memref<128x128xf32, #tpu.memory_space<vmem>>) dst(%dma_wait3A_842 : memref<10048x128xf32, #tpu.memory_space<vmem_shared>>)
        tpu.yield
      }) : () -> ()
      %dma_wait3A_809 = arith.constant 2 : i32
      %dma_wait3A_810 = arith.constant 0 : i32
      %dma_wait3A_811 = tpu.memref_slice %arg7[%dma_wait3A_809, %dma_wait3A_810] : memref<4x128xi32, #tpu.memory_space<vmem>> -> memref<1x128xi32, #tpu.memory_space<vmem>>
      %dma_wait3A_812 = tpu.memref_squeeze %dma_wait3A_811 : memref<1x128xi32, #tpu.memory_space<vmem>> -> memref<128xi32, #tpu.memory_space<vmem>>
      %dma_wait3A_813 = arith.constant 0 : i32
      %dma_wait3A_814 = arith.constant 0 : i32
      %dma_wait3A_815 = tpu.memref_slice %arg2[%dma_wait3A_813, %dma_wait3A_814] : memref<10000x128xf32, #tpu.memory_space<hbm>> -> memref<10000x128xf32, #tpu.memory_space<hbm>>
      tpu.wait_indirect_dma semaphore(%arg12 : memref<!tpu.dma_semaphore, #tpu.memory_space<semaphore_mem>>) src(%dma_wait3A_815 : memref<10000x128xf32, #tpu.memory_space<hbm>>) dst(%arg9 : memref<128x128xf32, #tpu.memory_space<vmem>>)
      %run_scoped3A_816 = arith.constant 3 : i32
      "tpu.region"() ({
        %run_scoped3A_830 = tpu.sem_alloc : memref<!tpu.dma_semaphore, #tpu.memory_space<semaphore_mem>>
        %dma_start3A_831 = arith.constant 0 : i32
        %dma_start3A_832 = tpu.memref_slice %arg7[%run_scoped3A_816, %dma_start3A_831] : memref<4x128xi32, #tpu.memory_space<vmem>> -> memref<1x128xi32, #tpu.memory_space<vmem>>
        %dma_start3A_833 = tpu.memref_squeeze %dma_start3A_832 : memref<1x128xi32, #tpu.memory_space<vmem>> -> memref<128xi32, #tpu.memory_space<vmem>>
        %dma_start3A_834 = arith.constant 0 : i32
        %dma_start3A_835 = arith.constant 0 : i32
        %dma_start3A_836 = tpu.memref_slice %arg10[%dma_start3A_834, %dma_start3A_835] : memref<10048x128xf32, #tpu.memory_space<vmem_shared>> -> memref<10048x128xf32, #tpu.memory_space<vmem_shared>>
        tpu.enqueue_indirect_dma source(%arg9 : memref<128x128xf32, #tpu.memory_space<vmem>>) target(%dma_start3A_836 : memref<10048x128xf32, #tpu.memory_space<vmem_shared>>) offsets(%dma_start3A_833 : memref<128xi32, #tpu.memory_space<vmem>>) semaphore(%run_scoped3A_830 : memref<!tpu.dma_semaphore, #tpu.memory_space<semaphore_mem>>) {add = true}
        %dma_wait3A_837 = arith.constant 0 : i32
        %dma_wait3A_838 = tpu.memref_slice %arg7[%run_scoped3A_816, %dma_wait3A_837] : memref<4x128xi32, #tpu.memory_space<vmem>> -> memref<1x128xi32, #tpu.memory_space<vmem>>
        %dma_wait3A_839 = tpu.memref_squeeze %dma_wait3A_838 : memref<1x128xi32, #tpu.memory_space<vmem>> -> memref<128xi32, #tpu.memory_space<vmem>>
        %dma_wait3A_840 = arith.constant 0 : i32
        %dma_wait3A_841 = arith.constant 0 : i32
        %dma_wait3A_842 = tpu.memref_slice %arg10[%dma_wait3A_840, %dma_wait3A_841] : memref<10048x128xf32, #tpu.memory_space<vmem_shared>> -> memref<10048x128xf32, #tpu.memory_space<vmem_shared>>
        tpu.wait_indirect_dma semaphore(%run_scoped3A_830 : memref<!tpu.dma_semaphore, #tpu.memory_space<semaphore_mem>>) src(%arg9 : memref<128x128xf32, #tpu.memory_space<vmem>>) dst(%dma_wait3A_842 : memref<10048x128xf32, #tpu.memory_space<vmem_shared>>)
        tpu.yield
      }) : () -> ()
      %barrier3A_817 = arith.constant 0 : index
      tpu.barrier barrier_id(%barrier3A_817)
      %mul3A_818 = arith.constant 632 : i32
      %mul3A_819 = arith.muli %arg1, %mul3A_818 : i32
      %lt3A_820 = arith.constant 15 : i32
      %lt3A_821 = arith.cmpi slt, %arg1, %lt3A_820 : i32
      %convert_element_type3A_822 = arith.extui %lt3A_821 : i1 to i32
      %cond3A_823 = arith.constant 0 : i32
      %cond3A_824 = arith.cmpi ne, %convert_element_type3A_822, %cond3A_823 : i32
      scf.if %cond3A_824 {
        "tpu.region"() ({
          %run_scoped3A_830 = tpu.sem_alloc : memref<!tpu.dma_semaphore, #tpu.memory_space<semaphore_mem>>
          %dma_start3A_831 = arith.constant 0 : i32
          %dma_start3A_832 = tpu.memref_slice %arg5[%mul3A_819, %dma_start3A_831] : memref<10048x128xf32, #tpu.memory_space<hbm>> -> memref<632x128xf32, #tpu.memory_space<hbm>>
          %dma_start3A_833 = arith.constant 0 : i32
          %dma_start3A_834 = tpu.memref_slice %arg10[%mul3A_819, %dma_start3A_833] : memref<10048x128xf32, #tpu.memory_space<vmem_shared>> -> memref<632x128xf32, #tpu.memory_space<vmem_shared>>
          tpu.enqueue_dma source(%dma_start3A_834 : memref<632x128xf32, #tpu.memory_space<vmem_shared>>) target(%dma_start3A_832 : memref<632x128xf32, #tpu.memory_space<hbm>>) target_semaphore(%run_scoped3A_830 : memref<!tpu.dma_semaphore, #tpu.memory_space<semaphore_mem>>)
          %dma_wait3A_835 = arith.constant 0 : i32
          %dma_wait3A_836 = tpu.memref_slice %arg5[%mul3A_819, %dma_wait3A_835] : memref<10048x128xf32, #tpu.memory_space<hbm>> -> memref<632x128xf32, #tpu.memory_space<hbm>>
          %dma_wait3A_837 = arith.constant 0 : i32
          %dma_wait3A_838 = tpu.memref_slice %arg10[%mul3A_819, %dma_wait3A_837] : memref<10048x128xf32, #tpu.memory_space<vmem_shared>> -> memref<632x128xf32, #tpu.memory_space<vmem_shared>>
          tpu.wait_dma2 semaphore(%run_scoped3A_830 : memref<!tpu.dma_semaphore, #tpu.memory_space<semaphore_mem>>) src(%dma_wait3A_838 : memref<632x128xf32, #tpu.memory_space<vmem_shared>>) dst(%dma_wait3A_836 : memref<632x128xf32, #tpu.memory_space<hbm>>)
          tpu.yield
        }) : () -> ()
      } else {
      }
      %eq3A_825 = arith.constant 15 : i32
      %eq3A_826 = arith.cmpi eq, %arg1, %eq3A_825 : i32
      %convert_element_type3A_827 = arith.extui %eq3A_826 : i1 to i32
      %cond3A_828 = arith.constant 0 : i32
      %cond3A_829 = arith.cmpi ne, %convert_element_type3A_827, %cond3A_828 : i32
      scf.if %cond3A_829 {
        "tpu.region"() ({
          %run_scoped3A_830 = tpu.sem_alloc : memref<!tpu.dma_semaphore, #tpu.memory_space<semaphore_mem>>
          %dma_start3A_831 = arith.constant 0 : i32
          %dma_start3A_832 = tpu.memref_slice %arg5[%mul3A_819, %dma_start3A_831] : memref<10048x128xf32, #tpu.memory_space<hbm>> -> memref<568x128xf32, #tpu.memory_space<hbm>>
          %dma_start3A_833 = arith.constant 0 : i32
          %dma_start3A_834 = tpu.memref_slice %arg10[%mul3A_819, %dma_start3A_833] : memref<10048x128xf32, #tpu.memory_space<vmem_shared>> -> memref<568x128xf32, #tpu.memory_space<vmem_shared>>
          tpu.enqueue_dma source(%dma_start3A_834 : memref<568x128xf32, #tpu.memory_space<vmem_shared>>) target(%dma_start3A_832 : memref<568x128xf32, #tpu.memory_space<hbm>>) target_semaphore(%run_scoped3A_830 : memref<!tpu.dma_semaphore, #tpu.memory_space<semaphore_mem>>)
          %dma_wait3A_835 = arith.constant 0 : i32
          %dma_wait3A_836 = tpu.memref_slice %arg5[%mul3A_819, %dma_wait3A_835] : memref<10048x128xf32, #tpu.memory_space<hbm>> -> memref<568x128xf32, #tpu.memory_space<hbm>>
          %dma_wait3A_837 = arith.constant 0 : i32
          %dma_wait3A_838 = tpu.memref_slice %arg10[%mul3A_819, %dma_wait3A_837] : memref<10048x128xf32, #tpu.memory_space<vmem_shared>> -> memref<568x128xf32, #tpu.memory_space<vmem_shared>>
          tpu.wait_dma2 semaphore(%run_scoped3A_830 : memref<!tpu.dma_semaphore, #tpu.memory_space<semaphore_mem>>) src(%dma_wait3A_838 : memref<568x128xf32, #tpu.memory_space<vmem_shared>>) dst(%dma_wait3A_836 : memref<568x128xf32, #tpu.memory_space<hbm>>)
          tpu.yield
        }) : () -> ()
      } else {
      }
    } else {
    }
    return
  }
}

module attributes {stable_mosaic.version = 14 : i64} {
  func.func @body(%arg0: i32, %arg1: memref<400x128xf32, #tpu.memory_space<vmem>>, %arg2: memref<128x128xf32, #tpu.memory_space<vmem>>, %arg3: memref<2x400x128xf32, #tpu.memory_space<vmem>>, %arg4: memref<400x128xf32, #tpu.memory_space<vmem>>, %arg5: memref<400x128xf32, #tpu.memory_space<vmem>>) attributes {dimension_semantics = [#tpu.dimension_semantics<arbitrary>], iteration_bounds = array<i64: 25>, scalar_prefetch = 0 : i64, scratch_operands = 0 : i64, tpu.core_type = #tpu.core_type<tc>, window_params = [{transform_indices = @transform_0, window_bounds = array<i64: 400, 128>}, {pipeline_mode = #tpu.pipeline_mode<synchronous>, transform_indices = @transform_1, window_bounds = array<i64: 128, 128>}, {transform_indices = @transform_2, window_bounds = array<i64: 2, 400, 128>}, {transform_indices = @transform_3, window_bounds = array<i64: 400, 128>}, {transform_indices = @transform_4, window_bounds = array<i64: 400, 128>}]} {
    %get3A = arith.constant 0 : index
    %get3A_0 = arith.constant 0 : index
    %get3A_1 = arith.constant 0 : index
    %get3A_2 = vector.load %arg3[%get3A, %get3A_0, %get3A_1] : memref<2x400x128xf32, #tpu.memory_space<vmem>>, vector<1x400x1xf32>
    %get3A_3 = vector.shape_cast %get3A_2 : vector<1x400x1xf32> to vector<400x1xf32>
    %get3A_4 = arith.constant 1 : index
    %get3A_5 = arith.constant 0 : index
    %get3A_6 = arith.constant 0 : index
    %get3A_7 = vector.load %arg3[%get3A_4, %get3A_5, %get3A_6] : memref<2x400x128xf32, #tpu.memory_space<vmem>>, vector<1x400x1xf32>
    %get3A_8 = vector.shape_cast %get3A_7 : vector<1x400x1xf32> to vector<400x1xf32>
    %add3A = arith.addf %get3A_3, %get3A_8 : vector<400x1xf32>
    %add3A_9 = arith.constant 1.000000e+00 : f32
    %add3A_10 = vector.broadcast %add3A_9 : f32 to vector<400x1xf32>
    %add3A_11 = arith.addf %add3A, %add3A_10 : vector<400x1xf32>
    %rsqrt3A = math.rsqrt %add3A_11 : vector<400x1xf32>
    %get3A_12 = arith.constant 0 : index
    %get3A_13 = arith.constant 0 : index
    %get3A_14 = vector.load %arg1[%get3A_12, %get3A_13] : memref<400x128xf32, #tpu.memory_space<vmem>>, vector<400x128xf32>
    %get3A_15 = arith.constant 0 : index
    %get3A_16 = arith.constant 0 : index
    %get3A_17 = vector.load %arg2[%get3A_15, %get3A_16] : memref<128x128xf32, #tpu.memory_space<vmem>>, vector<128x128xf32>
    %dot_general3A = arith.constant dense<0.000000e+00> : vector<400x128xf32>
    %dot_general3A_18 = tpu.matmul %get3A_14, %get3A_17, %dot_general3A {dimension_numbers = #tpu.dot_dimension_numbers<[1], [0], [0], [1], [0, 0, 1, 1], [], []>, transpose_lhs_hint = false} : vector<400x128xf32>, vector<128x128xf32>, vector<400x128xf32> -> vector<400x128xf32>
    %mul3A = vector.broadcast %rsqrt3A : vector<400x1xf32> to vector<400x128xf32>
    %mul3A_19 = arith.mulf %dot_general3A_18, %mul3A : vector<400x128xf32>
    %swap3A = arith.constant 0 : index
    %swap3A_20 = arith.constant 0 : index
    %swap3A_21 = vector.load %arg4[%swap3A, %swap3A_20] : memref<400x128xf32, #tpu.memory_space<vmem>>, vector<400x128xf32>
    tpu.vector_store %arg4[%swap3A, %swap3A_20], %mul3A_19 {strides = array<i32>} : memref<400x128xf32, #tpu.memory_space<vmem>>, vector<400x128xf32>,
    %broadcast_in_dim3A = vector.shape_cast %rsqrt3A : vector<400x1xf32> to vector<400x1xf32>
    %broadcast_in_dim3A_22 = vector.broadcast %broadcast_in_dim3A : vector<400x1xf32> to vector<400x128xf32>
    %swap3A_23 = arith.constant 0 : index
    %swap3A_24 = arith.constant 0 : index
    %swap3A_25 = vector.load %arg5[%swap3A_23, %swap3A_24] : memref<400x128xf32, #tpu.memory_space<vmem>>, vector<400x128xf32>
    tpu.vector_store %arg5[%swap3A_23, %swap3A_24], %broadcast_in_dim3A_22 {strides = array<i32>} : memref<400x128xf32, #tpu.memory_space<vmem>>, vector<400x128xf32>,
    return
  }
  func.func @transform_0(%arg0: i32) -> (i32, i32) {
    %c0_i32 = arith.constant 0 : i32
    %c0_i32_0 = arith.constant 0 : i32
    return %arg0, %c0_i32 : i32, i32
  }
  func.func @transform_1(%arg0: i32) -> (i32, i32) {
    %c0_i32 = arith.constant 0 : i32
    %c0_i32_0 = arith.constant 0 : i32
    %c0_i32_1 = arith.constant 0 : i32
    return %c0_i32, %c0_i32_0 : i32, i32
  }
  func.func @transform_2(%arg0: i32) -> (i32, i32, i32) {
    %c0_i32 = arith.constant 0 : i32
    %c0_i32_0 = arith.constant 0 : i32
    %c0_i32_1 = arith.constant 0 : i32
    return %c0_i32, %arg0, %c0_i32_0 : i32, i32, i32
  }
  func.func @transform_3(%arg0: i32) -> (i32, i32) {
    %c0_i32 = arith.constant 0 : i32
    %c0_i32_0 = arith.constant 0 : i32
    return %arg0, %c0_i32 : i32, i32
  }
  func.func @transform_4(%arg0: i32) -> (i32, i32) {
    %c0_i32 = arith.constant 0 : i32
    %c0_i32_0 = arith.constant 0 : i32
    return %arg0, %c0_i32 : i32, i32
  }
}

module attributes {stable_mosaic.version = 14 : i64} {
  func.func @body(%arg0: i32, %arg1: memref<400x128xf32, #tpu.memory_space<vmem>>, %arg2: memref<400x128xf32, #tpu.memory_space<vmem>>, %arg3: memref<400x128xf32, #tpu.memory_space<vmem>>, %arg4: memref<1x128xf32, #tpu.memory_space<vmem>>, %arg5: memref<400x128xf32, #tpu.memory_space<vmem>>, %arg6: memref<128x128xf32, #tpu.memory_space<vmem>>, %arg7: memref<400x128xf32, #tpu.memory_space<vmem>>, %arg8: memref<400x128xf32, #tpu.memory_space<vmem>>) attributes {dimension_semantics = [#tpu.dimension_semantics<arbitrary>], iteration_bounds = array<i64: 25>, scalar_prefetch = 0 : i64, scratch_operands = 0 : i64, tpu.core_type = #tpu.core_type<tc>, window_params = [{transform_indices = @transform_0, window_bounds = array<i64: 400, 128>}, {transform_indices = @transform_1, window_bounds = array<i64: 400, 128>}, {transform_indices = @transform_2, window_bounds = array<i64: 400, 128>}, {pipeline_mode = #tpu.pipeline_mode<synchronous>, transform_indices = @transform_3, window_bounds = array<i64: 1, 128>}, {transform_indices = @transform_4, window_bounds = array<i64: 400, 128>}, {pipeline_mode = #tpu.pipeline_mode<synchronous>, transform_indices = @transform_5, window_bounds = array<i64: 128, 128>}, {transform_indices = @transform_6, window_bounds = array<i64: 400, 128>}, {transform_indices = @transform_7, window_bounds = array<i64: 400, 128>}]} {
    %get3A = arith.constant 0 : index
    %get3A_0 = arith.constant 0 : index
    %get3A_1 = vector.load %arg3[%get3A, %get3A_0] : memref<400x128xf32, #tpu.memory_space<vmem>>, vector<400x128xf32>
    %get3A_2 = arith.constant 0 : index
    %get3A_3 = arith.constant 0 : index
    %get3A_4 = vector.load %arg1[%get3A_2, %get3A_3] : memref<400x128xf32, #tpu.memory_space<vmem>>, vector<400x128xf32>
    %get3A_5 = arith.constant 0 : index
    %get3A_6 = arith.constant 0 : index
    %get3A_7 = vector.load %arg2[%get3A_5, %get3A_6] : memref<400x128xf32, #tpu.memory_space<vmem>>, vector<400x128xf32>
    %add3A = arith.addf %get3A_4, %get3A_7 : vector<400x128xf32>
    %mul3A = arith.mulf %get3A_1, %add3A : vector<400x128xf32>
    %get3A_8 = arith.constant 0 : index
    %get3A_9 = arith.constant 0 : index
    %get3A_10 = vector.load %arg4[%get3A_8, %get3A_9] : memref<1x128xf32, #tpu.memory_space<vmem>>, vector<1x128xf32>
    %add3A_11 = vector.broadcast %get3A_10 : vector<1x128xf32> to vector<400x128xf32>
    %add3A_12 = arith.addf %mul3A, %add3A_11 : vector<400x128xf32>
    %get3A_13 = arith.constant 0 : index
    %get3A_14 = arith.constant 0 : index
    %get3A_15 = vector.load %arg5[%get3A_13, %get3A_14] : memref<400x128xf32, #tpu.memory_space<vmem>>, vector<400x128xf32>
    %add3A_16 = arith.addf %add3A_12, %get3A_15 : vector<400x128xf32>
    %max3A = arith.constant 0.000000e+00 : f32
    %max3A_17 = vector.broadcast %max3A : f32 to vector<400x128xf32>
    %max3A_18 = arith.maximumf %add3A_16, %max3A_17 : vector<400x128xf32>
    %swap3A = arith.constant 0 : index
    %swap3A_19 = arith.constant 0 : index
    %swap3A_20 = vector.load %arg7[%swap3A, %swap3A_19] : memref<400x128xf32, #tpu.memory_space<vmem>>, vector<400x128xf32>
    tpu.vector_store %arg7[%swap3A, %swap3A_19], %max3A_18 {strides = array<i32>} : memref<400x128xf32, #tpu.memory_space<vmem>>, vector<400x128xf32>,
    %get3A_21 = arith.constant 0 : index
    %get3A_22 = arith.constant 0 : index
    %get3A_23 = vector.load %arg6[%get3A_21, %get3A_22] : memref<128x128xf32, #tpu.memory_space<vmem>>, vector<128x128xf32>
    %dot_general3A = arith.constant dense<0.000000e+00> : vector<400x128xf32>
    %dot_general3A_24 = tpu.matmul %max3A_18, %get3A_23, %dot_general3A {dimension_numbers = #tpu.dot_dimension_numbers<[1], [0], [0], [1], [0, 0, 1, 1], [], []>, transpose_lhs_hint = false} : vector<400x128xf32>, vector<128x128xf32>, vector<400x128xf32> -> vector<400x128xf32>
    %get3A_25 = arith.constant 0 : index
    %get3A_26 = arith.constant 0 : index
    %get3A_27 = vector.load %arg3[%get3A_25, %get3A_26] : memref<400x128xf32, #tpu.memory_space<vmem>>, vector<400x128xf32>
    %mul3A_28 = arith.mulf %dot_general3A_24, %get3A_27 : vector<400x128xf32>
    %swap3A_29 = arith.constant 0 : index
    %swap3A_30 = arith.constant 0 : index
    %swap3A_31 = vector.load %arg8[%swap3A_29, %swap3A_30] : memref<400x128xf32, #tpu.memory_space<vmem>>, vector<400x128xf32>
    tpu.vector_store %arg8[%swap3A_29, %swap3A_30], %mul3A_28 {strides = array<i32>} : memref<400x128xf32, #tpu.memory_space<vmem>>, vector<400x128xf32>,
    return
  }
  func.func @transform_0(%arg0: i32) -> (i32, i32) {
    %c0_i32 = arith.constant 0 : i32
    %c0_i32_0 = arith.constant 0 : i32
    return %arg0, %c0_i32 : i32, i32
  }
  func.func @transform_1(%arg0: i32) -> (i32, i32) {
    %c0_i32 = arith.constant 0 : i32
    %c0_i32_0 = arith.constant 0 : i32
    return %arg0, %c0_i32 : i32, i32
  }
  func.func @transform_2(%arg0: i32) -> (i32, i32) {
    %c0_i32 = arith.constant 0 : i32
    %c0_i32_0 = arith.constant 0 : i32
    return %arg0, %c0_i32 : i32, i32
  }
  func.func @transform_3(%arg0: i32) -> (i32, i32) {
    %c0_i32 = arith.constant 0 : i32
    %c0_i32_0 = arith.constant 0 : i32
    %c0_i32_1 = arith.constant 0 : i32
    return %c0_i32, %c0_i32_0 : i32, i32
  }
  func.func @transform_4(%arg0: i32) -> (i32, i32) {
    %c0_i32 = arith.constant 0 : i32
    %c0_i32_0 = arith.constant 0 : i32
    return %arg0, %c0_i32 : i32, i32
  }
  func.func @transform_5(%arg0: i32) -> (i32, i32) {
    %c0_i32 = arith.constant 0 : i32
    %c0_i32_0 = arith.constant 0 : i32
    %c0_i32_1 = arith.constant 0 : i32
    return %c0_i32, %c0_i32_0 : i32, i32
  }
  func.func @transform_6(%arg0: i32) -> (i32, i32) {
    %c0_i32 = arith.constant 0 : i32
    %c0_i32_0 = arith.constant 0 : i32
    return %arg0, %c0_i32 : i32, i32
  }
  func.func @transform_7(%arg0: i32) -> (i32, i32) {
    %c0_i32 = arith.constant 0 : i32
    %c0_i32_0 = arith.constant 0 : i32
    return %arg0, %c0_i32 : i32, i32
  }
}

</mosaic_0001>

<sc_bundles>
// kernel: closed_call.13.cloned.1.call-start
scs
__scs_entry_jumppad:
0x0: {  	(pc) =	sbr.rel $0x88, $3  }
0x1: {  	(tag) =	ssettag $0x0;
	lr =	simm.s32 $0x1  }
0x2: {  	[smem:$0x3F99] =	sst lr;
	_ =	strace $0xD0000000  }
0x3: {  	_ = 	snop  }
0x4: {  	_ = 	snop  }
0x5: {  	_ = 	snop  }
0x6: {  	_ = 	snop  }
0x7: {  	_ = 	snop  }
__scs_overlays_trampoline_lowered:
0x8: {  	[smem:$0x3FA8] =	sst s0  }
0x9: {  	[smem:$0x3FA9] =	sst s1  }
0xa: {  	[smem:$0x3FAA] =	sst s2  }
0xb: {  	[smem:$0x3FAB] =	sst s3  }
0xc: {  	[smem:$0x3FAC] =	sst s4  }
0xd: {  	[smem:$0x3FAD] =	sst s5  }
0xe: {  	[smem:$0x3FAE] =	sst s6  }
0xf: {  	[smem:$0x3FAF] =	sst s7  }
0x10: {  	[smem:$0x3FB0] =	sst s8  }
0x11: {  	[smem:$0x3FB1] =	sst s9;
	s0 =	simm.s32 @!p0 $0x0  }
0x12: {  	s1 =	sld [smem:$0x3F97];
	s0 =	simm.s32 @p0 $0x1  }
0x13: {  	[smem:$0x3FB2] =	sst s0;
	s0 =	simm.s32 @!p1 $0x0  }
0x14: {  	s2 =	sld [smem:$0x3F96];
	s0 =	simm.s32 @p1 $0x1  }
0x15: {  	[smem:$0x3FB3] =	sst s0;
	s0 =	simm.s32 @!p2 $0x0  }
0x16: {  	s3 =	sld [smem:$0x3FDB];
	s0 =	simm.s32 @p2 $0x1  }
0x17: {  	s4 =	simm.s32 $0x1BF5;
	[smem:$0x3FB5] =	sst s0  }
0x18: {  	s0 =	sld [smem:$0x3F98];
	_ =	swait.ge [sflag:s4], $0x0  }
0x19: {  	s7 =	sld [smem:$0x3F99]  }
0x1a: {  	s8 =	sadd.s32 $0xFFFFE003, lr  }
0x1b: {  	s9 =	sadd.s32 $0xFFFFFEF7, lr;
	s5 =	simm.s32 $0xFFFFFFFF;
	p2 =	slt.u32 s8, $0xFFFFF086  }
0x1c: {  	p1 =	slt.u32 s9, $0xF7A;
	s5 =	simm.s32 @!p2 $0x0  }
0x1d: {  	s5 =	simm.s32 @p1 $0x1;
	p0 =	seq.s32 s7, s2  }
0x1e: {  	s7 =	smul.u32 @!p0 $0xF7A, s2;
	p2 =	seq.s32 @!p0 s5, $0x0  }
0x1f: {  	s9 =	smul.u32 $0xF7A, s1;
	s8 =	simm.s32 @!p0 $0x1BF5;
	p2 =	por !p2, p0  }
0x20: {  	[sflag:s8] =	ssyncset.s32 @!p0 $0xFFFFF086;
	s6 =	sadd.s32 @!p0 s3, s7;
	s7 =	simm.s32 @!p0 $0x108  }
0x21: {  	s3 =	sadd.s32 s3, s9;
	s6 =	sadd.s32 @!p0 $0x88, s6;
	s7 =	simm.s32 @p2 $0x1082  }
0x22: {  	[simem:s7], [sflag:s8] =	dma.local @!p0 [hbm:s6], $0xF7A  }
0x23: {  	s9 =	sor.u32 $0xD0000000, s2;
	s6 =	simm.s32 $0x108;
	_ =	swait.ge @!p0 [sflag:s8], $0x0  }
0x24: {  	s3 =	sadd.s32 $0x88, s3;
	s6 =	simm.s32 @!p1 $0x1082;
	[sflag:s4] =	ssyncset.s32 $0xFFFFF086  }
0x25: {  	[simem:s6], [sflag:s4] =	dma.local [hbm:s3], $0xF7A  }
0x26: {  	[smem:$0x3F99] =	sst s1;
	(tag) =	ssettag s2;
	_ =	strace s9  }
0x27: {  	s1 =	sld [smem:$0x3FA9]  }
0x28: {  	s2 =	sld [smem:$0x3FAA]  }
0x29: {  	s4 =	sld [smem:$0x3FAC]  }
0x2a: {  	p0 =	seq.s32 s5, $0x0;
	s5 =	sld [smem:$0x3FAD]  }
0x2b: {  	s6 =	sld [smem:$0x3FAE]  }
0x2c: {  	s7 =	sld [smem:$0x3FAF]  }
0x2d: {  	s3 =	simm.s32 $0x108;
	s8 =	sld [smem:$0x3FB0]  }
0x2e: {  	s3 =	simm.s32 @!p0 $0x1082;
	s9 =	sld [smem:$0x3FB1]  }
0x2f: {  	lr =	sadd.s32 s0, s3;
	s0 =	sld [smem:$0x3FA8]  }
0x30: {  	s3 =	sld [smem:$0x3FAB]  }
0x31: {  	[smem:$0x3FB4] =	sst s10  }
0x32: {  	s10 =	sld [smem:$0x3FB2];
	_ =	sdelay $0x3  }
0x33: {  	p0 =	seq.s32 s10, $0x1;
	s10 =	sld [smem:$0x3FB4];
	_ =	sdelay $0x3  }
0x34: {  	[smem:$0x3FB4] =	sst s10  }
0x35: {  	s10 =	sld [smem:$0x3FB3];
	_ =	sdelay $0x3  }
0x36: {  	p1 =	seq.s32 s10, $0x1;
	s10 =	sld [smem:$0x3FB4];
	_ =	sdelay $0x3  }
0x37: {  	[smem:$0x3FB4] =	sst s10  }
0x38: {  	s10 =	sld [smem:$0x3FB5]  }
0x39: {  	_ = 	snop;
	(pc) =	sbr.ind lr, $3  }
0x3a: {  	_ = 	snop  }
0x3b: {  	_ = 	snop  }
0x3c: {  	p2 =	seq.s32 s10, $0x1;
	s10 =	sld [smem:$0x3FB4]  }
0x3d: {  	_ =	shalt  }
0x3e: {  	_ =	shalt  }
0x3f: {  	_ =	shalt  }
0x40: {  	_ =	shalt  }
0x41: {  	_ =	shalt  }
0x42: {  	_ =	shalt  }
0x43: {  	_ =	shalt  }
0x44: {  	_ =	shalt  }
0x45: {  	_ =	shalt  }
0x46: {  	_ =	shalt  }
0x47: {  	_ =	shalt  }
0x48: {  	_ =	shalt  }
0x49: {  	_ =	shalt  }
0x4a: {  	_ =	shalt  }
0x4b: {  	_ =	shalt  }
0x4c: {  	_ =	shalt  }
0x4d: {  	_ =	shalt  }
0x4e: {  	_ =	shalt  }
0x4f: {  	_ =	shalt  }
0x50: {  	_ =	shalt  }
0x51: {  	_ =	shalt  }
0x52: {  	_ =	shalt  }
0x53: {  	_ =	shalt  }
0x54: {  	_ =	shalt  }
0x55: {  	_ =	shalt  }
0x56: {  	_ =	shalt  }
0x57: {  	_ =	shalt  }
0x58: {  	_ =	shalt  }
0x59: {  	_ =	shalt  }
0x5a: {  	_ =	shalt  }
0x5b: {  	_ =	shalt  }
0x5c: {  	_ =	shalt  }
0x5d: {  	_ =	shalt  }
0x5e: {  	_ =	shalt  }
0x5f: {  	_ =	shalt  }
0x60: {  	_ =	shalt  }
0x61: {  	_ =	shalt  }
0x62: {  	_ =	shalt  }
0x63: {  	_ =	shalt  }
0x64: {  	_ =	shalt  }
0x65: {  	_ =	shalt  }
0x66: {  	_ =	shalt  }
0x67: {  	_ =	shalt  }
0x68: {  	_ =	shalt  }
0x69: {  	_ =	shalt  }
0x6a: {  	_ =	shalt  }
0x6b: {  	_ =	shalt  }
0x6c: {  	_ =	shalt  }
0x6d: {  	_ =	shalt  }
0x6e: {  	_ =	shalt  }
0x6f: {  	_ =	shalt  }
0x70: {  	_ =	shalt  }
0x71: {  	_ =	shalt  }
0x72: {  	_ =	shalt  }
0x73: {  	_ =	shalt  }
0x74: {  	_ =	shalt  }
0x75: {  	_ =	shalt  }
0x76: {  	_ =	shalt  }
0x77: {  	_ =	shalt  }
0x78: {  	_ =	shalt  }
0x79: {  	_ =	shalt  }
0x7a: {  	_ =	shalt  }
0x7b: {  	_ =	shalt  }
0x7c: {  	_ =	shalt  }
0x7d: {  	_ =	shalt  }
0x7e: {  	_ =	shalt  }
0x7f: {  	_ =	shalt  }
0x80: {  	_ =	shalt  }
0x81: {  	_ =	shalt  }
0x82: {  	_ =	shalt  }
0x83: {  	_ =	shalt  }
0x84: {  	_ =	shalt  }
0x85: {  	_ =	shalt  }
0x86: {  	_ =	shalt  }
0x87: {  	_ =	shalt  }
.Lfunc_end0:
.L_simem_size_0:
called_computation_lowered:
.L_overlay_start_0:
0x88: {  	s2 =	sld [smem:$0x3FD9]  }
0x89: {  	s3 =	sld [smem:$0x3FFE];
	_ =	sdelay $0x1  }
0x8a: {  	s1 =	srdreg.scid  }
0x8b: {  	s0 =	sand.u32 $0x1, s1  }
0x8c: {  	s17 =	sshll.u32 s0, $0xA;
	s2 =	sadd.s32 s3, s2  }
0x8d: {  	s2 =	sadd.s32 s2, s17  }
0x8e: {  	[smem:$0x3FC0] =	sst s2  }
0x8f: {  	_ = 	snop  }
0x90: {  	s2 =	sld [smem:$0x3FD0];
	(tm) =	ssettm $0x1  }
0x91: {  	s18 =	sld [smem:$0x3FFB];
	_ =	sdelay $0x3  }
0x92: {  	_ =	strace s18  }
0x93: {  	s3 =	sld [smem:$0x3FFC];
	_ =	sdelay $0x3  }
0x94: {  	_ =	strace s3  }
0x95: {  	s3 =	sld [smem:$0x3FFD];
	_ =	sdelay $0x3  }
0x96: {  	_ =	strace s3  }
0x97: {  	_ =	strace $0x8FFFFFFF  }
0x98: {  	s19 =	sld [smem:$0x3FDB];
	_ =	sdelay $0x1  }
0x99: {  	s4 =	simm.s32 $_scs_section_size  }
0x9a: {  	s5 =	simm.s32 $_size__tile_overlayer_lowered;
	s6 =	simm.s32 $_tile_overlayer_lowered  }
0x9b: {  	s22 =	simm.s32 $0x1BFF;
	s21 =	sshll.u32 s6, $0x1;
	s3 =	sadd.s32 s4, s19  }
0x9c: {  	s7 =	simm.s32 $0x0;
	s20 =	sshll.u32 s5, $0x1;
	s5 =	sadd.s32 s21, s3  }
0x9d: {  	[timem:s7], [sflag:s22] =	dma.local [hbm:s5], s20  }
0x9e: {  	_ =	swait.ge [sflag:s22], s20  }
0x9f: {  	s4 =	ssub.s32 $0x0, s20;
	[sflag:s22] =	ssyncset.done $0x0  }
0xa0: {  	[sflag:s22] =	ssyncadd.s32 s4;
	_ =	sdelay $0x1  }
0xa1: {  	s23 =	simm.s32 $0x1B8B  }
0xa2: {  	_ =	swait.ge [sflag:s23], $0x1  }
0xa3: {  	[sflag:s23] =	ssyncset.done $0x0  }
0xa4: {  	s25 =	simm.s32 $0x1B8E;
	s24 =	sld [smem:$0x3FFE];
	[sflag:s23] =	ssyncadd.s32 $0xFFFFFFFF  }
0xa5: {  	s26 =	simm.s32 $execute0_lowered;
	[smem:$0x3FD2] =	sst s25  }
0xa6: {  	s5 =	sshll.u32 s26, $0x1;
	_ =	strace $0x80000049;
	[dreg:$0x1] =	wrdreg $0xFFFFFFFF  }
0xa7: {  	s28 =	simm.s32 $_size_execute0_lowered;
	s3 =	sadd.s32 s3, s5;
	[dreg:$0x0] =	wrdreg $0x0  }
0xa8: {  	s5 =	sshll.u32 s28, $0x1;
	[dreg:$0x2] =	wrdreg s3  }
0xa9: {  	[dreg:$0x3] =	wrdreg s5  }
0xaa: {  	[dreg:$0x4] =	wrdreg $0xC0  }
0xab: {  	_ =	task [dreg:s7], $0x5FFFF  }
0xac: {  	[dreg:$0x1] =	wrdreg $0xFFFFFFFF  }
0xad: {  	[dreg:$0x0] =	wrdreg $0x60  }
0xae: {  	[dreg:$0x2] =	wrdreg s2  }
0xaf: {  	[dreg:$0x3] =	wrdreg s24  }
0xb0: {  	[dreg:$0x4] =	wrdreg $0xAA000  }
0xb1: {  	[dreg:$0x5] =	wrdreg $0x9  }
0xb2: {  	_ =	task.clear_ibuf [dreg:s7], $0x6FFFF;
	_ =	strace $0x90000049  }
0xb3: {  	s29 =	simm.s32 $0x9;
	_ =	strace $0x8000004B  }
0xb4: {  	_ =	swait.ge [sflag:s29], $0x1  }
0xb5: {  	[sflag:s29] =	ssyncadd.s32 $0xFFFFFFFF  }
0xb6: {  	_ =	strace $0x9000004B  }
0xb7: {  	_ =	sfence  }
0xb8: {  	s30 =	sld [smem:$0x0];
	_ =	sdelay $0x2  }
0xb9: {  	s31 =	sshll.u32 s1, $0xD;
	s1 =	sshrl.u32 s1, $0x2  }
0xba: {  	s3 =	sand.u32 $0x4000, s31;
	s1 =	sadd.s32 s1, s30  }
0xbb: {  	s0 =	sor.u32 s3, s0;
	s1 =	sshll.u32 s1, $0x11  }
0xbc: {  	s0 =	sor.u32 s1, s0  }
0xbd: {  	s0 =	sadd.s32 $0x8F2B, s0  }
0xbe: {  	[sflag:s0] =	ssyncadd.remote.s32 $0x1  }
0xbf: {  	_ =	sfence.sel $0xFFFF  }
0xc0: {  	[dreg:$0x0] =	wrdreg $0xFFFFFFFF;
	(pc) =	sbr.abs _section_cstart, $3  }
0xc1: {  	[dreg:$0x1] =	wrdreg $0xFFFFFFFF  }
0xc2: {  	_ =	task.clear_ibuf [dreg:s7], $0x2FFFF;
	_ =	strace $0x9FFFFFFF  }
0xc3: {  	(tm) =	ssettm $0x7FFFFFFF  }
tec
execute0_lowered:
.L_overlay_start_1:
0x0: {  	(tag) =	ssettag $0x1  }
0x1: {  	s1 =	srdreg.scid  }
0x2: {  	s1 =	sand.u32 $0x1, s1  }
0x3: {  	p0 =	seq.s32 s1, $0x1  }
.Ltmp0:
0x4: {  	s4 =	rddreg [dreg:$0x0];
	(pc) =	sbr.rel @p0 .LBB2_6-.Ltmp0, $4  }
0x5: {  	s8 =	rddreg [dreg:$0x1]  }
0x6: {  	s2 =	rddreg [dreg:$0x2];
	s9 =	simm.s32 $0x0  }
0x7: {  	[smem:$0x7FF] =	sst s9  }
0x8: {  	s0 =	rddreg [dreg:$0x3];
	_ =	strace $0x8000004A;
	s1 =	stileid.u32  }
0x9: {  	s5 =	smul.u32 $0x2780, s1  }
0xa: {  	s6 =	smul.u32 $0x4F000, s1;
	s3 =	sadd.s32 $0x128400, s2;
	p0 =	seq.s32 s1, $0xF  }
0xb: {  	s7 =	sadd.s32 $0x31880, s8;
	s3 =	sshrl.u32 @p0 s3, $0x3;
	s10 =	simm.s32 @p0 $0x1FC3  }
0xc: {  	[spmem:s3], [sflag:s10] =	dma.local @p0 [hbm:s7], $0x2380  }
0xd: {  	s6 =	sshrl.u32 s6, $0x2;
	s10 =	simm.s32 @p0 $0x3;
	s29 =	sadd.s32 s5, s8  }
0xe: {  	s5 =	sshll.u32 @!p0 s1, $0x6;
	s6 =	sadd.s32 s6, s2;
	_ =	swait.ge @p0 [sflag:s10], $0x2380  }
0xf: {  	s11 =	sadd.s32 $0xC800, s29;
	s5 =	sor.u32 @!p0 $0x1C03, s5;
	[sflag:s10] =	ssyncset.done @p0 $0x0  }
0x10: {  	s6 =	sshrl.u32 @!p0 s6, $0x3;
	[sflag:s10] =	ssyncadd.s32 @p0 $0xFFFFDC80;
	s10 =	simm.s32 @!p0 $0x3  }
0x11: {  	[spmem:s6], [sflag:s5] =	dma.local @!p0 [hbm:s11], $0x2780  }
0x12: {  	_ =	swait.ge @!p0 [sflag:s10], $0x2780  }
0x13: {  	s30 =	smul.u32 $0xA00, s1;
	[sflag:s10] =	ssyncset.done @!p0 $0x0  }
0x14: {  	s20 =	sadd.s32 $0x2800, s8;
	[sflag:s10] =	ssyncadd.s32 @!p0 $0xFFFFD880  }
0x15: {  	s31 =	sadd.s32 s20, s30;
	[bflag:$0x0] =	sbarrier.arrive $0xFFFF  }
0x16: {  	[tilespmem:s9], [sflag:$0x3] =	stream.linear.gather [hbm4b:s31+s9], $0x2800, $0x38;
	[tilespmem:$0x1E400] =	vst v63  }
0x17: {  	s9 =	simm.s32 $0x3  }
0x18: {  	_ =	swait.ge [sflag:s9], $0x2800  }
0x19: {  	[sflag:s9] =	ssyncset.done $0x0  }
0x1a: {  	[sflag:s9] =	ssyncadd.s32 $0xFFFFD800  }
0x1b: {  	v0 =	vld [tilespmem:$0x0];
	_ =	sdelay $0x1  }
0x1c: {  	v1 =	vld [tilespmem:$0x10];
	_ =	sdelay $0x1  }
0x1d: {  	v2 =	vld [tilespmem:$0x20]  }
0x1e: {  	v3 =	vand.u32 $0x3FFF, v0  }
0x1f: {  	v6 =	vld [tilespmem:$0x30];
	v0 =	vshrl.u32 v0, $0xE;
	[tilespmem:$0x2800] =	vst v3  }
0x20: {  	v7 =	vand.u32 $0x3FFF, v1;
	[tilespmem:$0x2880] =	vst v0  }
0x21: {  	v9 =	vld [tilespmem:$0x40];
	v8 =	vshrl.u32 v1, $0xE;
	[tilespmem:$0x2810] =	vst v7  }
0x22: {  	v10 =	vand.u32 $0x3FFF, v2;
	[tilespmem:$0x2890] =	vst v8  }
0x23: {  	v12 =	vld [tilespmem:$0x50];
	v11 =	vshrl.u32 v2, $0xE;
	[tilespmem:$0x2820] =	vst v10  }
0x24: {  	v13 =	vand.u32 $0x3FFF, v6;
	[tilespmem:$0x28A0] =	vst v11  }
0x25: {  	v15 =	vld [tilespmem:$0x60];
	v14 =	vshrl.u32 v6, $0xE;
	[tilespmem:$0x2830] =	vst v13  }
0x26: {  	v16 =	vand.u32 $0x3FFF, v9;
	[tilespmem:$0x28B0] =	vst v14  }
0x27: {  	v18 =	vld [tilespmem:$0x70];
	v17 =	vshrl.u32 v9, $0xE;
	[tilespmem:$0x2840] =	vst v16  }
0x28: {  	v19 =	vand.u32 $0x3FFF, v12;
	[tilespmem:$0x28C0] =	vst v17  }
0x29: {  	v20 =	vshrl.u32 v12, $0xE;
	[tilespmem:$0x2850] =	vst v19  }
0x2a: {  	v21 =	vand.u32 $0x3FFF, v15;
	[tilespmem:$0x28D0] =	vst v20  }
0x2b: {  	v22 =	vshrl.u32 v15, $0xE;
	[tilespmem:$0x2860] =	vst v21  }
0x2c: {  	v23 =	vand.u32 $0x3FFF, v18;
	[tilespmem:$0x28E0] =	vst v22  }
0x2d: {  	v24 =	vshrl.u32 v18, $0xE;
	[tilespmem:$0x2870] =	vst v23  }
0x2e: {  	s12 =	simm.s32 $0x2A00;
	s11 =	simm.s32 $0x2800;
	s10 =	simm.s32 $0x80;
	[tilespmem:$0x28F0] =	vst v24  }
0x2f: {  	[tilespmem:s12], [sflag:$0x1] =	stream.indirect.gather [hbm4b:s4+s10], $0x80, s11, s10, $0xb8;
	[tilespmem:$0x1E400] =	vst v63  }
0x30: {  	v25 =	vld [tilespmem:$0x80];
	_ =	sdelay $0x1  }
0x31: {  	v26 =	vld [tilespmem:$0x90];
	_ =	sdelay $0x1  }
0x32: {  	v27 =	vld [tilespmem:$0xA0]  }
0x33: {  	v28 =	vand.u32 $0x3FFF, v25  }
0x34: {  	v29 =	vld [tilespmem:$0xB0];
	v0 =	vshrl.u32 v25, $0xE;
	[tilespmem:$0x2900] =	vst v28  }
0x35: {  	v30 =	vand.u32 $0x3FFF, v26;
	[tilespmem:$0x2980] =	vst v0  }
0x36: {  	v32 =	vld [tilespmem:$0xC0];
	v31 =	vshrl.u32 v26, $0xE;
	[tilespmem:$0x2910] =	vst v30  }
0x37: {  	v33 =	vand.u32 $0x3FFF, v27;
	[tilespmem:$0x2990] =	vst v31  }
0x38: {  	v35 =	vld [tilespmem:$0xD0];
	v34 =	vshrl.u32 v27, $0xE;
	[tilespmem:$0x2920] =	vst v33  }
0x39: {  	v36 =	vand.u32 $0x3FFF, v29;
	[tilespmem:$0x29A0] =	vst v34  }
0x3a: {  	v38 =	vld [tilespmem:$0xE0];
	v37 =	vshrl.u32 v29, $0xE;
	[tilespmem:$0x2930] =	vst v36  }
0x3b: {  	v39 =	vand.u32 $0x3FFF, v32;
	[tilespmem:$0x29B0] =	vst v37  }
0x3c: {  	v41 =	vld [tilespmem:$0xF0];
	v40 =	vshrl.u32 v32, $0xE;
	[tilespmem:$0x2940] =	vst v39  }
0x3d: {  	v42 =	vand.u32 $0x3FFF, v35;
	[tilespmem:$0x29C0] =	vst v40  }
0x3e: {  	v43 =	vshrl.u32 v35, $0xE;
	[tilespmem:$0x2950] =	vst v42  }
0x3f: {  	v44 =	vand.u32 $0x3FFF, v38;
	[tilespmem:$0x29D0] =	vst v43  }
0x40: {  	v45 =	vshrl.u32 v38, $0xE;
	[tilespmem:$0x2960] =	vst v44  }
0x41: {  	v46 =	vand.u32 $0x3FFF, v41;
	[tilespmem:$0x29E0] =	vst v45  }
0x42: {  	v47 =	vshrl.u32 v41, $0xE;
	[tilespmem:$0x2970] =	vst v46  }
0x43: {  	s13 =	simm.s32 $0x2900;
	s14 =	simm.s32 $0x6A00;
	s15 =	simm.s32 $0x1;
	[tilespmem:$0x29F0] =	vst v47  }
0x44: {  	[tilespmem:s14], [sflag:$0x2] =	stream.indirect.gather [hbm4b:s4+s10], $0x80, s13, s10, $0xb8;
	[tilespmem:$0x1E400] =	vst v63  }
0x45: {  	_ =	swait.ge [sflag:s15], $0x4000  }
0x46: {  	[sflag:s15] =	ssyncset.done $0x0  }
0x47: {  	s16 =	simm.s32 $0x2880;
	[sflag:s15] =	ssyncadd.s32 $0xFFFFC000  }
0x48: {  	[spmem:s2] =	stream.indirect.scatter.add.f32 [tilespmem:s12], [sflag:$0x3], $0x80, s16, s10, $0xb8;
	[tilespmem:$0x1E400] =	vst v63  }
0x49: {  	_ =	swait.ge [sflag:s9], $0x4000  }
0x4a: {  	[sflag:s9] =	ssyncset.done $0x0  }
0x4b: {  	s17 =	simm.s32 $0x1F0;
	[sflag:s9] =	ssyncadd.s32 $0xFFFFC000  }
0x4c: {  	v48 =	vld [tilespmem:s17+$0xFFFFFF10];
	_ =	sdelay $0x4  }
0x4d: {  	v49 =	vand.u32 $0x3FFF, v48  }
0x4e: {  	v0 =	vshrl.u32 v48, $0xE;
	[tilespmem:$0x2800] =	vst v49  }
0x4f: {  	[tilespmem:$0x2880] =	vst v0  }
0x50: {  	v0 =	vld [tilespmem:s17+$0xFFFFFF20];
	_ =	sdelay $0x4  }
0x51: {  	v50 =	vand.u32 $0x3FFF, v0  }
0x52: {  	v0 =	vshrl.u32 v0, $0xE;
	[tilespmem:$0x2810] =	vst v50  }
0x53: {  	[tilespmem:$0x2890] =	vst v0  }
0x54: {  	v0 =	vld [tilespmem:s17+$0xFFFFFF30];
	_ =	sdelay $0x4  }
0x55: {  	v51 =	vand.u32 $0x3FFF, v0  }
0x56: {  	v0 =	vshrl.u32 v0, $0xE;
	[tilespmem:$0x2820] =	vst v51  }
0x57: {  	[tilespmem:$0x28A0] =	vst v0  }
0x58: {  	v0 =	vld [tilespmem:s17+$0xFFFFFF40];
	_ =	sdelay $0x4  }
0x59: {  	v52 =	vand.u32 $0x3FFF, v0  }
0x5a: {  	v0 =	vshrl.u32 v0, $0xE;
	[tilespmem:$0x2830] =	vst v52  }
0x5b: {  	[tilespmem:$0x28B0] =	vst v0  }
0x5c: {  	v0 =	vld [tilespmem:s17+$0xFFFFFF50];
	_ =	sdelay $0x4  }
0x5d: {  	v53 =	vand.u32 $0x3FFF, v0  }
0x5e: {  	v0 =	vshrl.u32 v0, $0xE;
	[tilespmem:$0x2840] =	vst v53  }
0x5f: {  	[tilespmem:$0x28C0] =	vst v0  }
0x60: {  	v0 =	vld [tilespmem:s17+$0xFFFFFF60];
	_ =	sdelay $0x4  }
0x61: {  	v54 =	vand.u32 $0x3FFF, v0  }
0x62: {  	v0 =	vshrl.u32 v0, $0xE;
	[tilespmem:$0x2850] =	vst v54  }
0x63: {  	[tilespmem:$0x28D0] =	vst v0  }
0x64: {  	v0 =	vld [tilespmem:s17+$0xFFFFFF70];
	_ =	sdelay $0x4  }
0x65: {  	v55 =	vand.u32 $0x3FFF, v0  }
0x66: {  	v0 =	vshrl.u32 v0, $0xE;
	[tilespmem:$0x2860] =	vst v55  }
0x67: {  	[tilespmem:$0x28E0] =	vst v0  }
0x68: {  	v0 =	vld [tilespmem:s17+$0xFFFFFF80];
	_ =	sdelay $0x4  }
0x69: {  	v56 =	vand.u32 $0x3FFF, v0  }
0x6a: {  	v0 =	vshrl.u32 v0, $0xE;
	[tilespmem:$0x2870] =	vst v56  }
0x6b: {  	s18 =	simm.s32 $0x2;
	[tilespmem:$0x28F0] =	vst v0  }
0x6c: {  	[tilespmem:s12], [sflag:$0x1] =	stream.indirect.gather [hbm4b:s4+s10], $0x80, s11, s10, $0xb8;
	[tilespmem:$0x1E400] =	vst v63  }
0x6d: {  	_ =	swait.ge [sflag:s18], $0x4000  }
0x6e: {  	[sflag:s18] =	ssyncset.done $0x0  }
0x6f: {  	s19 =	simm.s32 $0x2980;
	[sflag:s18] =	ssyncadd.s32 $0xFFFFC000  }
0x70: {  	[spmem:s2] =	stream.indirect.scatter.add.f32 [tilespmem:s14], [sflag:$0x3], $0x80, s19, s10, $0xb8;
	[tilespmem:$0x1E400] =	vst v63  }
0x71: {  	_ =	swait.ge [sflag:s9], $0x4000  }
0x72: {  	[sflag:s9] =	ssyncset.done $0x0  }
0x73: {  	[sflag:s9] =	ssyncadd.s32 $0xFFFFC000  }
0x74: {  	v57 =	vld [tilespmem:s17+$0xFFFFFF90];
	_ =	sdelay $0x4  }
0x75: {  	v58 =	vand.u32 $0x3FFF, v57  }
0x76: {  	v0 =	vshrl.u32 v57, $0xE;
	[tilespmem:$0x2900] =	vst v58  }
0x77: {  	[tilespmem:$0x2980] =	vst v0  }
0x78: {  	v0 =	vld [tilespmem:s17+$0xFFFFFFA0];
	_ =	sdelay $0x4  }
0x79: {  	v59 =	vand.u32 $0x3FFF, v0  }
0x7a: {  	v0 =	vshrl.u32 v0, $0xE;
	[tilespmem:$0x2910] =	vst v59  }
0x7b: {  	[tilespmem:$0x2990] =	vst v0  }
0x7c: {  	v0 =	vld [tilespmem:s17+$0xFFFFFFB0];
	_ =	sdelay $0x4  }
0x7d: {  	v60 =	vand.u32 $0x3FFF, v0  }
0x7e: {  	v0 =	vshrl.u32 v0, $0xE;
	[tilespmem:$0x2920] =	vst v60  }
0x7f: {  	[tilespmem:$0x29A0] =	vst v0  }
0x80: {  	v0 =	vld [tilespmem:s17+$0xFFFFFFC0];
	_ =	sdelay $0x4  }
0x81: {  	v61 =	vand.u32 $0x3FFF, v0  }
0x82: {  	v0 =	vshrl.u32 v0, $0xE;
	[tilespmem:$0x2930] =	vst v61  }
0x83: {  	[tilespmem:$0x29B0] =	vst v0  }
0x84: {  	v0 =	vld [tilespmem:s17+$0xFFFFFFD0];
	_ =	sdelay $0x4  }
0x85: {  	v62 =	vand.u32 $0x3FFF, v0  }
0x86: {  	v0 =	vshrl.u32 v0, $0xE;
	[tilespmem:$0x2940] =	vst v62  }
0x87: {  	[tilespmem:$0x29C0] =	vst v0  }
0x88: {  	v0 =	vld [tilespmem:s17+$0xFFFFFFE0];
	_ =	sdelay $0x2  }
0x89: {  	s21 =	smul.u32 $0x5000, s1;
	_ =	sdelay $0x1  }
0x8a: {  	s21 =	sshrl.u32 s21, $0x3;
	v63 =	vand.u32 $0x3FFF, v0  }
0x8b: {  	s8 =	sadd.s32 $0x58C80, s8;
	s20 =	sadd.s32 s20, s21;
	v0 =	vshrl.u32 v0, $0xE;
	[tilespmem:$0x2950] =	vst v63  }
0x8c: {  	s7 =	sadd.s32 $0x33C00, s29;
	s21 =	simm.s32 $0xBC0;
	s20 =	sadd.s32 $0x500, s20;
	[tilespmem:$0x29D0] =	vst v0  }
.LBB2_2:
0x8d: {  	p1 =	sne.s32 s21, $0x9FC0;
	v0 =	vld [tilespmem:s17+$0xFFFFFFF0];
	s22 =	smov.u32 s21;
	s21 =	sadd.s32 $0x400, s21  }
0x8e: {  	_ =	sdelay $0x3  }
0x8f: {  	v1 =	vand.u32 $0x3FFF, v0;
	v0 =	vshrl.u32 v0, $0xE  }
0x90: {  	[tilespmem:$0x2960] =	vst v1  }
0x91: {  	[tilespmem:$0x29E0] =	vst v0  }
0x92: {  	v0 =	vld [tilespmem:s17+$0x0];
	_ =	sdelay $0x4  }
0x93: {  	v1 =	vand.u32 $0x3FFF, v0;
	v0 =	vshrl.u32 v0, $0xE  }
0x94: {  	[tilespmem:$0x2970] =	vst v1  }
0x95: {  	[tilespmem:$0x29F0] =	vst v0  }
0x96: {  	[tilespmem:s14], [sflag:$0x2] =	stream.indirect.gather [hbm4b:s4+s10], $0x80, s13, s10, $0xb8;
	[tilespmem:$0x1E400] =	vst v63  }
0x97: {  	_ =	swait.ge [sflag:s15], $0x4000  }
0x98: {  	[sflag:s15] =	ssyncset.done $0x0  }
0x99: {  	[sflag:s15] =	ssyncadd.s32 $0xFFFFC000  }
0x9a: {  	[spmem:s2] =	stream.indirect.scatter.add.f32 [tilespmem:s12], [sflag:$0x3], $0x80, s16, s10, $0xb8;
	[tilespmem:$0x1E400] =	vst v63  }
0x9b: {  	_ =	swait.ge [sflag:s9], $0x4000  }
0x9c: {  	[sflag:s9] =	ssyncset.done $0x0  }
0x9d: {  	s17 =	sshra.s32 s22, $0x2;
	[sflag:s9] =	ssyncadd.s32 $0xFFFFC000  }
0x9e: {  	v0 =	vld [tilespmem:s17+$0xFFFFFF10];
	_ =	sdelay $0x4  }
0x9f: {  	v1 =	vand.u32 $0x3FFF, v0;
	v0 =	vshrl.u32 v0, $0xE  }
0xa0: {  	[tilespmem:$0x2800] =	vst v1  }
0xa1: {  	[tilespmem:$0x2880] =	vst v0  }
0xa2: {  	v0 =	vld [tilespmem:s17+$0xFFFFFF20];
	_ =	sdelay $0x4  }
0xa3: {  	v1 =	vand.u32 $0x3FFF, v0;
	v0 =	vshrl.u32 v0, $0xE  }
0xa4: {  	[tilespmem:$0x2810] =	vst v1  }
0xa5: {  	[tilespmem:$0x2890] =	vst v0  }
0xa6: {  	v0 =	vld [tilespmem:s17+$0xFFFFFF30];
	_ =	sdelay $0x4  }
0xa7: {  	v1 =	vand.u32 $0x3FFF, v0;
	v0 =	vshrl.u32 v0, $0xE  }
0xa8: {  	[tilespmem:$0x2820] =	vst v1  }
0xa9: {  	[tilespmem:$0x28A0] =	vst v0  }
0xaa: {  	v0 =	vld [tilespmem:s17+$0xFFFFFF40];
	_ =	sdelay $0x4  }
0xab: {  	v1 =	vand.u32 $0x3FFF, v0;
	v0 =	vshrl.u32 v0, $0xE  }
0xac: {  	[tilespmem:$0x2830] =	vst v1  }
0xad: {  	[tilespmem:$0x28B0] =	vst v0  }
0xae: {  	v0 =	vld [tilespmem:s17+$0xFFFFFF50];
	_ =	sdelay $0x4  }
0xaf: {  	v1 =	vand.u32 $0x3FFF, v0;
	v0 =	vshrl.u32 v0, $0xE  }
0xb0: {  	[tilespmem:$0x2840] =	vst v1  }
0xb1: {  	[tilespmem:$0x28C0] =	vst v0  }
0xb2: {  	v0 =	vld [tilespmem:s17+$0xFFFFFF60];
	_ =	sdelay $0x4  }
0xb3: {  	v1 =	vand.u32 $0x3FFF, v0;
	v0 =	vshrl.u32 v0, $0xE  }
0xb4: {  	[tilespmem:$0x2850] =	vst v1  }
0xb5: {  	[tilespmem:$0x28D0] =	vst v0  }
0xb6: {  	v0 =	vld [tilespmem:s17+$0xFFFFFF70];
	_ =	sdelay $0x4  }
0xb7: {  	v1 =	vand.u32 $0x3FFF, v0;
	v0 =	vshrl.u32 v0, $0xE  }
0xb8: {  	[tilespmem:$0x2860] =	vst v1  }
0xb9: {  	[tilespmem:$0x28E0] =	vst v0  }
0xba: {  	v0 =	vld [tilespmem:s17+$0xFFFFFF80];
	_ =	sdelay $0x4  }
0xbb: {  	v1 =	vand.u32 $0x3FFF, v0;
	v0 =	vshrl.u32 v0, $0xE  }
0xbc: {  	[tilespmem:$0x2870] =	vst v1  }
0xbd: {  	[tilespmem:$0x28F0] =	vst v0  }
0xbe: {  	[tilespmem:s12], [sflag:$0x1] =	stream.indirect.gather [hbm4b:s4+s10], $0x80, s11, s10, $0xb8;
	[tilespmem:$0x1E400] =	vst v63  }
0xbf: {  	_ =	swait.ge [sflag:s18], $0x4000  }
0xc0: {  	[sflag:s18] =	ssyncset.done $0x0  }
0xc1: {  	[sflag:s18] =	ssyncadd.s32 $0xFFFFC000  }
0xc2: {  	[spmem:s2] =	stream.indirect.scatter.add.f32 [tilespmem:s14], [sflag:$0x3], $0x80, s19, s10, $0xb8;
	[tilespmem:$0x1E400] =	vst v63  }
0xc3: {  	_ =	swait.ge [sflag:s9], $0x4000  }
0xc4: {  	[sflag:s9] =	ssyncset.done $0x0  }
0xc5: {  	[sflag:s9] =	ssyncadd.s32 $0xFFFFC000  }
0xc6: {  	v0 =	vld [tilespmem:s17+$0xFFFFFF90];
	_ =	sdelay $0x4  }
0xc7: {  	v1 =	vand.u32 $0x3FFF, v0;
	v0 =	vshrl.u32 v0, $0xE  }
0xc8: {  	[tilespmem:$0x2900] =	vst v1  }
0xc9: {  	[tilespmem:$0x2980] =	vst v0  }
0xca: {  	v0 =	vld [tilespmem:s17+$0xFFFFFFA0];
	_ =	sdelay $0x4  }
0xcb: {  	v1 =	vand.u32 $0x3FFF, v0;
	v0 =	vshrl.u32 v0, $0xE  }
0xcc: {  	[tilespmem:$0x2910] =	vst v1  }
0xcd: {  	[tilespmem:$0x2990] =	vst v0  }
0xce: {  	v0 =	vld [tilespmem:s17+$0xFFFFFFB0];
	_ =	sdelay $0x4  }
0xcf: {  	v1 =	vand.u32 $0x3FFF, v0;
	v0 =	vshrl.u32 v0, $0xE  }
0xd0: {  	[tilespmem:$0x2920] =	vst v1  }
0xd1: {  	[tilespmem:$0x29A0] =	vst v0  }
0xd2: {  	v0 =	vld [tilespmem:s17+$0xFFFFFFC0];
	_ =	sdelay $0x4  }
0xd3: {  	v1 =	vand.u32 $0x3FFF, v0;
	v0 =	vshrl.u32 v0, $0xE  }
0xd4: {  	[tilespmem:$0x2930] =	vst v1  }
0xd5: {  	[tilespmem:$0x29B0] =	vst v0  }
0xd6: {  	v0 =	vld [tilespmem:s17+$0xFFFFFFD0];
	_ =	sdelay $0x4  }
0xd7: {  	v1 =	vand.u32 $0x3FFF, v0;
	v0 =	vshrl.u32 v0, $0xE  }
0xd8: {  	[tilespmem:$0x2940] =	vst v1  }
0xd9: {  	[tilespmem:$0x29C0] =	vst v0  }
0xda: {  	v0 =	vld [tilespmem:s17+$0xFFFFFFE0];
	_ =	sdelay $0x2  }
.Ltmp1:
0xdb: {  	(pc) =	sbr.rel @p1 .LBB2_2-.Ltmp1, $4  }
0xdc: {  	_ = 	snop  }
0xdd: {  	v1 =	vand.u32 $0x3FFF, v0;
	v0 =	vshrl.u32 v0, $0xE  }
0xde: {  	[tilespmem:$0x2950] =	vst v1  }
0xdf: {  	[tilespmem:$0x29D0] =	vst v0  }
0xe0: {  	v0 =	vld [tilespmem:s17+$0xFFFFFFF0];
	_ =	sdelay $0x4  }
0xe1: {  	v1 =	vand.u32 $0x3FFF, v0  }
0xe2: {  	v0 =	vshrl.u32 v0, $0xE;
	[tilespmem:$0x2960] =	vst v1  }
0xe3: {  	[tilespmem:$0x29E0] =	vst v0  }
0xe4: {  	v0 =	vld [tilespmem:s17+$0x0];
	_ =	sdelay $0x4  }
0xe5: {  	v61 =	vand.u32 $0x3FFF, v0  }
0xe6: {  	v0 =	vshrl.u32 v0, $0xE;
	[tilespmem:$0x2970] =	vst v61  }
0xe7: {  	[tilespmem:$0x29F0] =	vst v0  }
0xe8: {  	[tilespmem:s14], [sflag:$0x2] =	stream.indirect.gather [hbm4b:s4+s10], $0x80, s13, s10, $0xb8;
	[tilespmem:$0x1E400] =	vst v63  }
0xe9: {  	s10 =	simm.s32 $0x1  }
0xea: {  	_ =	swait.ge [sflag:s10], $0x4000  }
0xeb: {  	s9 =	simm.s32 $0x80;
	s11 =	simm.s32 $0x2880;
	[sflag:s10] =	ssyncset.done $0x0  }
0xec: {  	s13 =	simm.s32 $0x2A00;
	s14 =	simm.s32 $0x3;
	[sflag:s10] =	ssyncadd.s32 $0xFFFFC000  }
0xed: {  	[spmem:s2] =	stream.indirect.scatter.add.f32 [tilespmem:s13], [sflag:$0x3], $0x80, s11, s9, $0xb8;
	[tilespmem:$0x1E400] =	vst v63  }
0xee: {  	_ =	swait.ge [sflag:s14], $0x4000  }
0xef: {  	[sflag:s14] =	ssyncset.done $0x0  }
0xf0: {  	s15 =	simm.s32 $0x2;
	[sflag:s14] =	ssyncadd.s32 $0xFFFFC000  }
0xf1: {  	_ =	swait.ge [sflag:s15], $0x4000  }
0xf2: {  	[sflag:s15] =	ssyncset.done $0x0  }
0xf3: {  	s16 =	simm.s32 $0x2980;
	s12 =	simm.s32 $0x6A00;
	[sflag:s15] =	ssyncadd.s32 $0xFFFFC000  }
0xf4: {  	[spmem:s2] =	stream.indirect.scatter.add.f32 [tilespmem:s12], [sflag:$0x3], $0x80, s16, s9, $0xb8;
	[tilespmem:$0x1E400] =	vst v63  }
0xf5: {  	_ =	swait.ge [sflag:s14], $0x4000  }
0xf6: {  	[sflag:s14] =	ssyncset.done $0x0  }
0xf7: {  	s31 =	simm.s32 $0x0;
	[sflag:s14] =	ssyncadd.s32 $0xFFFFC000  }
0xf8: {  	[tilespmem:s31], [sflag:$0x3] =	stream.linear.gather [hbm4b:s20+s31], $0x2800, $0x38;
	[tilespmem:$0x1E400] =	vst v63  }
0xf9: {  	_ =	swait.ge [sflag:s14], $0x2800  }
0xfa: {  	[sflag:s14] =	ssyncset.done $0x0  }
0xfb: {  	[sflag:s14] =	ssyncadd.s32 $0xFFFFD800  }
0xfc: {  	v62 =	vld [tilespmem:$0x0];
	_ =	sdelay $0x1  }
0xfd: {  	v63 =	vld [tilespmem:$0x10];
	_ =	sdelay $0x1  }
0xfe: {  	v2 =	vld [tilespmem:$0x20]  }
0xff: {  	v3 =	vand.u32 $0x3FFF, v62  }
0x100: {  	v6 =	vld [tilespmem:$0x30];
	v0 =	vshrl.u32 v62, $0xE;
	[tilespmem:$0x2800] =	vst v3  }
0x101: {  	v7 =	vand.u32 $0x3FFF, v63;
	[tilespmem:$0x2880] =	vst v0  }
0x102: {  	v9 =	vld [tilespmem:$0x40];
	v8 =	vshrl.u32 v63, $0xE;
	[tilespmem:$0x2810] =	vst v7  }
0x103: {  	v10 =	vand.u32 $0x3FFF, v2;
	[tilespmem:$0x2890] =	vst v8  }
0x104: {  	v12 =	vld [tilespmem:$0x50];
	v11 =	vshrl.u32 v2, $0xE;
	[tilespmem:$0x2820] =	vst v10  }
0x105: {  	v13 =	vand.u32 $0x3FFF, v6;
	[tilespmem:$0x28A0] =	vst v11  }
0x106: {  	v15 =	vld [tilespmem:$0x60];
	v14 =	vshrl.u32 v6, $0xE;
	[tilespmem:$0x2830] =	vst v13  }
0x107: {  	v16 =	vand.u32 $0x3FFF, v9;
	[tilespmem:$0x28B0] =	vst v14  }
0x108: {  	v18 =	vld [tilespmem:$0x70];
	v17 =	vshrl.u32 v9, $0xE;
	[tilespmem:$0x2840] =	vst v16  }
0x109: {  	v19 =	vand.u32 $0x3FFF, v12;
	[tilespmem:$0x28C0] =	vst v17  }
0x10a: {  	v20 =	vshrl.u32 v12, $0xE;
	[tilespmem:$0x2850] =	vst v19  }
0x10b: {  	v21 =	vand.u32 $0x3FFF, v15;
	[tilespmem:$0x28D0] =	vst v20  }
0x10c: {  	v22 =	vshrl.u32 v15, $0xE;
	[tilespmem:$0x2860] =	vst v21  }
0x10d: {  	v23 =	vand.u32 $0x3FFF, v18;
	[tilespmem:$0x28E0] =	vst v22  }
0x10e: {  	v24 =	vshrl.u32 v18, $0xE;
	[tilespmem:$0x2870] =	vst v23  }
0x10f: {  	s17 =	simm.s32 $0x2800;
	[tilespmem:$0x28F0] =	vst v24  }
0x110: {  	[tilespmem:s13], [sflag:$0x1] =	stream.indirect.gather [hbm4b:s4+s9], $0x80, s17, s9, $0xb8;
	[tilespmem:$0x1E400] =	vst v63  }
0x111: {  	v25 =	vld [tilespmem:$0x80];
	_ =	sdelay $0x1  }
0x112: {  	v26 =	vld [tilespmem:$0x90];
	_ =	sdelay $0x1  }
0x113: {  	v27 =	vld [tilespmem:$0xA0]  }
0x114: {  	v28 =	vand.u32 $0x3FFF, v25  }
0x115: {  	v29 =	vld [tilespmem:$0xB0];
	v0 =	vshrl.u32 v25, $0xE;
	[tilespmem:$0x2900] =	vst v28  }
0x116: {  	v30 =	vand.u32 $0x3FFF, v26;
	[tilespmem:$0x2980] =	vst v0  }
0x117: {  	v32 =	vld [tilespmem:$0xC0];
	v31 =	vshrl.u32 v26, $0xE;
	[tilespmem:$0x2910] =	vst v30  }
0x118: {  	v33 =	vand.u32 $0x3FFF, v27;
	[tilespmem:$0x2990] =	vst v31  }
0x119: {  	v35 =	vld [tilespmem:$0xD0];
	v34 =	vshrl.u32 v27, $0xE;
	[tilespmem:$0x2920] =	vst v33  }
0x11a: {  	v36 =	vand.u32 $0x3FFF, v29;
	[tilespmem:$0x29A0] =	vst v34  }
0x11b: {  	v38 =	vld [tilespmem:$0xE0];
	v37 =	vshrl.u32 v29, $0xE;
	[tilespmem:$0x2930] =	vst v36  }
0x11c: {  	v39 =	vand.u32 $0x3FFF, v32;
	[tilespmem:$0x29B0] =	vst v37  }
0x11d: {  	v41 =	vld [tilespmem:$0xF0];
	v40 =	vshrl.u32 v32, $0xE;
	[tilespmem:$0x2940] =	vst v39  }
0x11e: {  	v42 =	vand.u32 $0x3FFF, v35;
	[tilespmem:$0x29C0] =	vst v40  }
0x11f: {  	v43 =	vshrl.u32 v35, $0xE;
	[tilespmem:$0x2950] =	vst v42  }
0x120: {  	v44 =	vand.u32 $0x3FFF, v38;
	[tilespmem:$0x29D0] =	vst v43  }
0x121: {  	v45 =	vshrl.u32 v38, $0xE;
	[tilespmem:$0x2960] =	vst v44  }
0x122: {  	v46 =	vand.u32 $0x3FFF, v41;
	[tilespmem:$0x29E0] =	vst v45  }
0x123: {  	v47 =	vshrl.u32 v41, $0xE;
	[tilespmem:$0x2970] =	vst v46  }
0x124: {  	s18 =	simm.s32 $0x2900;
	[tilespmem:$0x29F0] =	vst v47  }
0x125: {  	[tilespmem:s12], [sflag:$0x2] =	stream.indirect.gather [hbm4b:s4+s9], $0x80, s18, s9, $0xb8;
	[tilespmem:$0x1E400] =	vst v63  }
0x126: {  	_ =	swait.ge [sflag:s10], $0x4000  }
0x127: {  	[sflag:s10] =	ssyncset.done $0x0  }
0x128: {  	[sflag:s10] =	ssyncadd.s32 $0xFFFFC000  }
0x129: {  	[spmem:s2] =	stream.indirect.scatter.add.f32 [tilespmem:s13], [sflag:$0x3], $0x80, s11, s9, $0xb8;
	[tilespmem:$0x1E400] =	vst v63  }
0x12a: {  	_ =	swait.ge [sflag:s14], $0x4000  }
0x12b: {  	[sflag:s14] =	ssyncset.done $0x0  }
0x12c: {  	s19 =	simm.s32 $0x1F0;
	[sflag:s14] =	ssyncadd.s32 $0xFFFFC000  }
0x12d: {  	v48 =	vld [tilespmem:s19+$0xFFFFFF10];
	_ =	sdelay $0x4  }
0x12e: {  	v49 =	vand.u32 $0x3FFF, v48  }
0x12f: {  	v0 =	vshrl.u32 v48, $0xE;
	[tilespmem:$0x2800] =	vst v49  }
0x130: {  	[tilespmem:$0x2880] =	vst v0  }
0x131: {  	v0 =	vld [tilespmem:s19+$0xFFFFFF20];
	_ =	sdelay $0x4  }
0x132: {  	v50 =	vand.u32 $0x3FFF, v0  }
0x133: {  	v0 =	vshrl.u32 v0, $0xE;
	[tilespmem:$0x2810] =	vst v50  }
0x134: {  	[tilespmem:$0x2890] =	vst v0  }
0x135: {  	v0 =	vld [tilespmem:s19+$0xFFFFFF30];
	_ =	sdelay $0x4  }
0x136: {  	v51 =	vand.u32 $0x3FFF, v0  }
0x137: {  	v0 =	vshrl.u32 v0, $0xE;
	[tilespmem:$0x2820] =	vst v51  }
0x138: {  	[tilespmem:$0x28A0] =	vst v0  }
0x139: {  	v0 =	vld [tilespmem:s19+$0xFFFFFF40];
	_ =	sdelay $0x4  }
0x13a: {  	v52 =	vand.u32 $0x3FFF, v0  }
0x13b: {  	v0 =	vshrl.u32 v0, $0xE;
	[tilespmem:$0x2830] =	vst v52  }
0x13c: {  	[tilespmem:$0x28B0] =	vst v0  }
0x13d: {  	v0 =	vld [tilespmem:s19+$0xFFFFFF50];
	_ =	sdelay $0x4  }
0x13e: {  	v53 =	vand.u32 $0x3FFF, v0  }
0x13f: {  	v0 =	vshrl.u32 v0, $0xE;
	[tilespmem:$0x2840] =	vst v53  }
0x140: {  	[tilespmem:$0x28C0] =	vst v0  }
0x141: {  	v0 =	vld [tilespmem:s19+$0xFFFFFF60];
	_ =	sdelay $0x4  }
0x142: {  	v54 =	vand.u32 $0x3FFF, v0  }
0x143: {  	v0 =	vshrl.u32 v0, $0xE;
	[tilespmem:$0x2850] =	vst v54  }
0x144: {  	[tilespmem:$0x28D0] =	vst v0  }
0x145: {  	v0 =	vld [tilespmem:s19+$0xFFFFFF70];
	_ =	sdelay $0x4  }
0x146: {  	v55 =	vand.u32 $0x3FFF, v0  }
0x147: {  	v0 =	vshrl.u32 v0, $0xE;
	[tilespmem:$0x2860] =	vst v55  }
0x148: {  	[tilespmem:$0x28E0] =	vst v0  }
0x149: {  	v0 =	vld [tilespmem:s19+$0xFFFFFF80];
	_ =	sdelay $0x4  }
0x14a: {  	v56 =	vand.u32 $0x3FFF, v0  }
0x14b: {  	v0 =	vshrl.u32 v0, $0xE;
	[tilespmem:$0x2870] =	vst v56  }
0x14c: {  	[tilespmem:$0x28F0] =	vst v0  }
0x14d: {  	[tilespmem:s13], [sflag:$0x1] =	stream.indirect.gather [hbm4b:s4+s9], $0x80, s17, s9, $0xb8;
	[tilespmem:$0x1E400] =	vst v63  }
0x14e: {  	_ =	swait.ge [sflag:s15], $0x4000  }
0x14f: {  	[sflag:s15] =	ssyncset.done $0x0  }
0x150: {  	[sflag:s15] =	ssyncadd.s32 $0xFFFFC000  }
0x151: {  	[spmem:s2] =	stream.indirect.scatter.add.f32 [tilespmem:s12], [sflag:$0x3], $0x80, s16, s9, $0xb8;
	[tilespmem:$0x1E400] =	vst v63  }
0x152: {  	_ =	swait.ge [sflag:s14], $0x4000  }
0x153: {  	[sflag:s14] =	ssyncset.done $0x0  }
0x154: {  	[sflag:s14] =	ssyncadd.s32 $0xFFFFC000  }
0x155: {  	v57 =	vld [tilespmem:s19+$0xFFFFFF90];
	_ =	sdelay $0x4  }
0x156: {  	v58 =	vand.u32 $0x3FFF, v57  }
0x157: {  	v0 =	vshrl.u32 v57, $0xE;
	[tilespmem:$0x2900] =	vst v58  }
0x158: {  	[tilespmem:$0x2980] =	vst v0  }
0x159: {  	v0 =	vld [tilespmem:s19+$0xFFFFFFA0];
	_ =	sdelay $0x4  }
0x15a: {  	v59 =	vand.u32 $0x3FFF, v0  }
0x15b: {  	v0 =	vshrl.u32 v0, $0xE;
	[tilespmem:$0x2910] =	vst v59  }
0x15c: {  	[tilespmem:$0x2990] =	vst v0  }
0x15d: {  	v0 =	vld [tilespmem:s19+$0xFFFFFFB0];
	_ =	sdelay $0x4  }
0x15e: {  	v60 =	vand.u32 $0x3FFF, v0  }
0x15f: {  	v0 =	vshrl.u32 v0, $0xE;
	[tilespmem:$0x2920] =	vst v60  }
0x160: {  	[tilespmem:$0x29A0] =	vst v0  }
0x161: {  	v0 =	vld [tilespmem:s19+$0xFFFFFFC0];
	_ =	sdelay $0x4  }
0x162: {  	v61 =	vand.u32 $0x3FFF, v0  }
0x163: {  	v0 =	vshrl.u32 v0, $0xE;
	[tilespmem:$0x2930] =	vst v61  }
0x164: {  	[tilespmem:$0x29B0] =	vst v0  }
0x165: {  	v0 =	vld [tilespmem:s19+$0xFFFFFFD0];
	_ =	sdelay $0x4  }
0x166: {  	v62 =	vand.u32 $0x3FFF, v0  }
0x167: {  	v0 =	vshrl.u32 v0, $0xE;
	[tilespmem:$0x2940] =	vst v62  }
0x168: {  	[tilespmem:$0x29C0] =	vst v0  }
0x169: {  	v0 =	vld [tilespmem:s19+$0xFFFFFFE0];
	_ =	sdelay $0x4  }
0x16a: {  	v63 =	vand.u32 $0x3FFF, v0  }
0x16b: {  	v0 =	vshrl.u32 v0, $0xE;
	[tilespmem:$0x2950] =	vst v63  }
0x16c: {  	s20 =	simm.s32 $0xBC0;
	[tilespmem:$0x29D0] =	vst v0  }
.LBB2_4:
0x16d: {  	p1 =	sne.s32 s20, $0x9FC0;
	v0 =	vld [tilespmem:s19+$0xFFFFFFF0];
	s21 =	smov.u32 s20;
	s20 =	sadd.s32 $0x400, s20  }
0x16e: {  	_ =	sdelay $0x3  }
0x16f: {  	v1 =	vand.u32 $0x3FFF, v0;
	v0 =	vshrl.u32 v0, $0xE  }
0x170: {  	[tilespmem:$0x2960] =	vst v1  }
0x171: {  	[tilespmem:$0x29E0] =	vst v0  }
0x172: {  	v0 =	vld [tilespmem:s19+$0x0];
	_ =	sdelay $0x4  }
0x173: {  	v1 =	vand.u32 $0x3FFF, v0;
	v0 =	vshrl.u32 v0, $0xE  }
0x174: {  	[tilespmem:$0x2970] =	vst v1  }
0x175: {  	[tilespmem:$0x29F0] =	vst v0  }
0x176: {  	[tilespmem:s12], [sflag:$0x2] =	stream.indirect.gather [hbm4b:s4+s9], $0x80, s18, s9, $0xb8;
	[tilespmem:$0x1E400] =	vst v63  }
0x177: {  	_ =	swait.ge [sflag:s10], $0x4000  }
0x178: {  	[sflag:s10] =	ssyncset.done $0x0  }
0x179: {  	[sflag:s10] =	ssyncadd.s32 $0xFFFFC000  }
0x17a: {  	[spmem:s2] =	stream.indirect.scatter.add.f32 [tilespmem:s13], [sflag:$0x3], $0x80, s11, s9, $0xb8;
	[tilespmem:$0x1E400] =	vst v63  }
0x17b: {  	_ =	swait.ge [sflag:s14], $0x4000  }
0x17c: {  	[sflag:s14] =	ssyncset.done $0x0  }
0x17d: {  	s19 =	sshra.s32 s21, $0x2;
	[sflag:s14] =	ssyncadd.s32 $0xFFFFC000  }
0x17e: {  	v0 =	vld [tilespmem:s19+$0xFFFFFF10];
	_ =	sdelay $0x4  }
0x17f: {  	v1 =	vand.u32 $0x3FFF, v0;
	v0 =	vshrl.u32 v0, $0xE  }
0x180: {  	[tilespmem:$0x2800] =	vst v1  }
0x181: {  	[tilespmem:$0x2880] =	vst v0  }
0x182: {  	v0 =	vld [tilespmem:s19+$0xFFFFFF20];
	_ =	sdelay $0x4  }
0x183: {  	v1 =	vand.u32 $0x3FFF, v0;
	v0 =	vshrl.u32 v0, $0xE  }
0x184: {  	[tilespmem:$0x2810] =	vst v1  }
0x185: {  	[tilespmem:$0x2890] =	vst v0  }
0x186: {  	v0 =	vld [tilespmem:s19+$0xFFFFFF30];
	_ =	sdelay $0x4  }
0x187: {  	v1 =	vand.u32 $0x3FFF, v0;
	v0 =	vshrl.u32 v0, $0xE  }
0x188: {  	[tilespmem:$0x2820] =	vst v1  }
0x189: {  	[tilespmem:$0x28A0] =	vst v0  }
0x18a: {  	v0 =	vld [tilespmem:s19+$0xFFFFFF40];
	_ =	sdelay $0x4  }
0x18b: {  	v1 =	vand.u32 $0x3FFF, v0;
	v0 =	vshrl.u32 v0, $0xE  }
0x18c: {  	[tilespmem:$0x2830] =	vst v1  }
0x18d: {  	[tilespmem:$0x28B0] =	vst v0  }
0x18e: {  	v0 =	vld [tilespmem:s19+$0xFFFFFF50];
	_ =	sdelay $0x4  }
0x18f: {  	v1 =	vand.u32 $0x3FFF, v0;
	v0 =	vshrl.u32 v0, $0xE  }
0x190: {  	[tilespmem:$0x2840] =	vst v1  }
0x191: {  	[tilespmem:$0x28C0] =	vst v0  }
0x192: {  	v0 =	vld [tilespmem:s19+$0xFFFFFF60];
	_ =	sdelay $0x4  }
0x193: {  	v1 =	vand.u32 $0x3FFF, v0;
	v0 =	vshrl.u32 v0, $0xE  }
0x194: {  	[tilespmem:$0x2850] =	vst v1  }
0x195: {  	[tilespmem:$0x28D0] =	vst v0  }
0x196: {  	v0 =	vld [tilespmem:s19+$0xFFFFFF70];
	_ =	sdelay $0x4  }
0x197: {  	v1 =	vand.u32 $0x3FFF, v0;
	v0 =	vshrl.u32 v0, $0xE  }
0x198: {  	[tilespmem:$0x2860] =	vst v1  }
0x199: {  	[tilespmem:$0x28E0] =	vst v0  }
0x19a: {  	v0 =	vld [tilespmem:s19+$0xFFFFFF80];
	_ =	sdelay $0x4  }
0x19b: {  	v1 =	vand.u32 $0x3FFF, v0;
	v0 =	vshrl.u32 v0, $0xE  }
0x19c: {  	[tilespmem:$0x2870] =	vst v1  }
0x19d: {  	[tilespmem:$0x28F0] =	vst v0  }
0x19e: {  	[tilespmem:s13], [sflag:$0x1] =	stream.indirect.gather [hbm4b:s4+s9], $0x80, s17, s9, $0xb8;
	[tilespmem:$0x1E400] =	vst v63  }
0x19f: {  	_ =	swait.ge [sflag:s15], $0x4000  }
0x1a0: {  	[sflag:s15] =	ssyncset.done $0x0  }
0x1a1: {  	[sflag:s15] =	ssyncadd.s32 $0xFFFFC000  }
0x1a2: {  	[spmem:s2] =	stream.indirect.scatter.add.f32 [tilespmem:s12], [sflag:$0x3], $0x80, s16, s9, $0xb8;
	[tilespmem:$0x1E400] =	vst v63  }
0x1a3: {  	_ =	swait.ge [sflag:s14], $0x4000  }
0x1a4: {  	[sflag:s14] =	ssyncset.done $0x0  }
0x1a5: {  	[sflag:s14] =	ssyncadd.s32 $0xFFFFC000  }
0x1a6: {  	v0 =	vld [tilespmem:s19+$0xFFFFFF90];
	_ =	sdelay $0x4  }
0x1a7: {  	v1 =	vand.u32 $0x3FFF, v0;
	v0 =	vshrl.u32 v0, $0xE  }
0x1a8: {  	[tilespmem:$0x2900] =	vst v1  }
0x1a9: {  	[tilespmem:$0x2980] =	vst v0  }
0x1aa: {  	v0 =	vld [tilespmem:s19+$0xFFFFFFA0];
	_ =	sdelay $0x4  }
0x1ab: {  	v1 =	vand.u32 $0x3FFF, v0;
	v0 =	vshrl.u32 v0, $0xE  }
0x1ac: {  	[tilespmem:$0x2910] =	vst v1  }
0x1ad: {  	[tilespmem:$0x2990] =	vst v0  }
0x1ae: {  	v0 =	vld [tilespmem:s19+$0xFFFFFFB0];
	_ =	sdelay $0x4  }
0x1af: {  	v1 =	vand.u32 $0x3FFF, v0;
	v0 =	vshrl.u32 v0, $0xE  }
0x1b0: {  	[tilespmem:$0x2920] =	vst v1  }
0x1b1: {  	[tilespmem:$0x29A0] =	vst v0  }
0x1b2: {  	v0 =	vld [tilespmem:s19+$0xFFFFFFC0];
	_ =	sdelay $0x4  }
0x1b3: {  	v1 =	vand.u32 $0x3FFF, v0;
	v0 =	vshrl.u32 v0, $0xE  }
0x1b4: {  	[tilespmem:$0x2930] =	vst v1  }
0x1b5: {  	[tilespmem:$0x29B0] =	vst v0  }
0x1b6: {  	v0 =	vld [tilespmem:s19+$0xFFFFFFD0];
	_ =	sdelay $0x4  }
0x1b7: {  	v1 =	vand.u32 $0x3FFF, v0;
	v0 =	vshrl.u32 v0, $0xE  }
0x1b8: {  	[tilespmem:$0x2940] =	vst v1  }
0x1b9: {  	[tilespmem:$0x29C0] =	vst v0  }
0x1ba: {  	v0 =	vld [tilespmem:s19+$0xFFFFFFE0];
	_ =	sdelay $0x2  }
.Ltmp2:
0x1bb: {  	(pc) =	sbr.rel @p1 .LBB2_4-.Ltmp2, $4  }
0x1bc: {  	_ = 	snop  }
0x1bd: {  	v1 =	vand.u32 $0x3FFF, v0;
	v0 =	vshrl.u32 v0, $0xE  }
0x1be: {  	[tilespmem:$0x2950] =	vst v1  }
0x1bf: {  	[tilespmem:$0x29D0] =	vst v0  }
0x1c0: {  	v0 =	vld [tilespmem:s19+$0xFFFFFFF0];
	_ =	sdelay $0x4  }
0x1c1: {  	v1 =	vand.u32 $0x3FFF, v0  }
0x1c2: {  	v0 =	vshrl.u32 v0, $0xE;
	[tilespmem:$0x2960] =	vst v1  }
0x1c3: {  	[tilespmem:$0x29E0] =	vst v0  }
0x1c4: {  	v0 =	vld [tilespmem:s19+$0x0];
	_ =	sdelay $0x4  }
0x1c5: {  	v63 =	vand.u32 $0x3FFF, v0  }
0x1c6: {  	v0 =	vshrl.u32 v0, $0xE;
	[tilespmem:$0x2970] =	vst v63  }
0x1c7: {  	s25 =	simm.s32 $0x1;
	[tilespmem:$0x29F0] =	vst v0  }
0x1c8: {  	[tilespmem:s12], [sflag:$0x2] =	stream.indirect.gather [hbm4b:s4+s9], $0x80, s18, s9, $0xb8;
	[tilespmem:$0x1E400] =	vst v63  }
0x1c9: {  	_ =	swait.ge [sflag:s25], $0x4000  }
0x1ca: {  	s26 =	simm.s32 $0x80;
	s28 =	simm.s32 $0x2880;
	[sflag:s25] =	ssyncset.done $0x0  }
0x1cb: {  	s10 =	simm.s32 $0x2A00;
	s29 =	simm.s32 $0x3;
	[sflag:s25] =	ssyncadd.s32 $0xFFFFC000  }
0x1cc: {  	[spmem:s2] =	stream.indirect.scatter.add.f32 [tilespmem:s10], [sflag:$0x3], $0x80, s28, s26, $0xb8;
	[tilespmem:$0x1E400] =	vst v63  }
0x1cd: {  	_ =	swait.ge [sflag:s29], $0x4000  }
0x1ce: {  	[sflag:s29] =	ssyncset.done $0x0  }
0x1cf: {  	s30 =	simm.s32 $0x2;
	[sflag:s29] =	ssyncadd.s32 $0xFFFFC000  }
0x1d0: {  	_ =	swait.ge [sflag:s30], $0x4000  }
0x1d1: {  	[sflag:s30] =	ssyncset.done $0x0  }
0x1d2: {  	s31 =	simm.s32 $0x2980;
	s11 =	simm.s32 $0x6A00;
	[sflag:s30] =	ssyncadd.s32 $0xFFFFC000  }
0x1d3: {  	[spmem:s2] =	stream.indirect.scatter.add.f32 [tilespmem:s11], [sflag:$0x3], $0x80, s31, s26, $0xb8;
	[tilespmem:$0x1E400] =	vst v63  }
0x1d4: {  	_ =	swait.ge [sflag:s29], $0x4000  }
0x1d5: {  	[sflag:s29] =	ssyncset.done $0x0  }
0x1d6: {  	[sflag:s29] =	ssyncadd.s32 $0xFFFFC000  }
0x1d7: {  	s2 =	simm.s32 @p0 $0x1FC3;
	[bflag:$0x0] =	sbarrier.arrive $0xFFFF  }
0x1d8: {  	[hbm:s8], [sflag:s2] =	dma.local @p0 [spmem:s3], $0x2380  }
0x1d9: {  	s2 =	simm.s32 @p0 $0x3  }
0x1da: {  	_ =	swait.ge @p0 [sflag:s2], $0x2380  }
0x1db: {  	[sflag:s2] =	ssyncset.done @p0 $0x0  }
0x1dc: {  	[sflag:s2] =	ssyncadd.s32 @p0 $0xFFFFDC80;
	s2 =	simm.s32 @!p0 $0x3  }
0x1dd: {  	[hbm:s7], [sflag:s5] =	dma.local @!p0 [spmem:s6], $0x2780  }
0x1de: {  	_ =	swait.ge @!p0 [sflag:s2], $0x2780  }
0x1df: {  	[sflag:s2] =	ssyncset.done @!p0 $0x0  }
0x1e0: {  	[sflag:s2] =	ssyncadd.s32 @!p0 $0xFFFFD880  }
.LBB2_6:
0x1e1: {  	_ =	sfence.sel $0x180000  }
0x1e2: {  	[bflag:$0x0] =	sbarrier.arrive $0xFFFF  }
0x1e3: {  	p0 =	sne.s32 s1, $0x0;
	_ =	strace $0x9000004A  }
0x1e4: {  	s0 =	sadd.s32 @!p0 $0x100000, s0;
	[bflag:$0x2] =	sbarrier.arrive $0xFFFF  }
0x1e5: {  	[sflag:s0] =	ssyncadd.tile.s32 @!p0 $0x1;
	_ =	shalt  }
.Lfunc_end2:
_tile_overlayer_lowered:
.L_overlay_start_2:
0x1e6: {  	(tag) =	ssettag $0x2  }
0x1e7: {  	s0 =	rddreg [dreg:$0x0];
	s2 =	stileid.u32  }
0x1e8: {  	s1 =	rddreg [dreg:$0x1];
	p0 =	sne.s32 s2, $0x0  }
0x1e9: {  	s3 =	rddreg [dreg:$0x2];
	[bflag:$0x3] =	sbarrier.arrive $0xFFFF;
	s2 =	simm.s32 @!p0 $0x1C03  }
0x1ea: {  	[timem:s3], [sflag:s2] =	dma.local @!p0 [hbm:s0], s1  }
0x1eb: {  	s0 =	simm.s32 @!p0 $0x3  }
0x1ec: {  	_ =	swait.ge @!p0 [sflag:s0], s1  }
0x1ed: {  	s1 =	ssub.s32 @!p0 $0x0, s1;
	[sflag:s0] =	ssyncset.done @!p0 $0x0  }
0x1ee: {  	[sflag:s0] =	ssyncadd.s32 @!p0 s1  }
0x1ef: {  	[bflag:$0x3] =	sbarrier.arrive $0xFFFF  }
0x1f0: {  	_ =	shalt  }

// kernel: kernel.4.cloned.1.call-start
scs
__scs_entry_jumppad:
0x0: {  	(pc) =	sbr.rel $0x88, $3  }
0x1: {  	(tag) =	ssettag $0x0;
	lr =	simm.s32 $0x1  }
0x2: {  	[smem:$0x3F99] =	sst lr;
	_ =	strace $0xD0000000  }
0x3: {  	_ = 	snop  }
0x4: {  	_ = 	snop  }
0x5: {  	_ = 	snop  }
0x6: {  	_ = 	snop  }
0x7: {  	_ = 	snop  }
__scs_overlays_trampoline_lowered:
0x8: {  	[smem:$0x3FA8] =	sst s0  }
0x9: {  	[smem:$0x3FA9] =	sst s1  }
0xa: {  	[smem:$0x3FAA] =	sst s2  }
0xb: {  	[smem:$0x3FAB] =	sst s3  }
0xc: {  	[smem:$0x3FAC] =	sst s4  }
0xd: {  	[smem:$0x3FAD] =	sst s5  }
0xe: {  	[smem:$0x3FAE] =	sst s6  }
0xf: {  	[smem:$0x3FAF] =	sst s7  }
0x10: {  	[smem:$0x3FB0] =	sst s8  }
0x11: {  	[smem:$0x3FB1] =	sst s9;
	s0 =	simm.s32 @!p0 $0x0  }
0x12: {  	s1 =	sld [smem:$0x3F97];
	s0 =	simm.s32 @p0 $0x1  }
0x13: {  	[smem:$0x3FB2] =	sst s0;
	s0 =	simm.s32 @!p1 $0x0  }
0x14: {  	s2 =	sld [smem:$0x3F96];
	s0 =	simm.s32 @p1 $0x1  }
0x15: {  	[smem:$0x3FB3] =	sst s0;
	s0 =	simm.s32 @!p2 $0x0  }
0x16: {  	s3 =	sld [smem:$0x3FDB];
	s0 =	simm.s32 @p2 $0x1  }
0x17: {  	s4 =	simm.s32 $0x1BF5;
	[smem:$0x3FB5] =	sst s0  }
0x18: {  	s0 =	sld [smem:$0x3F98];
	_ =	swait.ge [sflag:s4], $0x0  }
0x19: {  	s7 =	sld [smem:$0x3F99]  }
0x1a: {  	s8 =	sadd.s32 $0xFFFFE003, lr  }
0x1b: {  	s9 =	sadd.s32 $0xFFFFFEF7, lr;
	s5 =	simm.s32 $0xFFFFFFFF;
	p2 =	slt.u32 s8, $0xFFFFF086  }
0x1c: {  	p1 =	slt.u32 s9, $0xF7A;
	s5 =	simm.s32 @!p2 $0x0  }
0x1d: {  	s5 =	simm.s32 @p1 $0x1;
	p0 =	seq.s32 s7, s2  }
0x1e: {  	s7 =	smul.u32 @!p0 $0xF7A, s2;
	p2 =	seq.s32 @!p0 s5, $0x0  }
0x1f: {  	s9 =	smul.u32 $0xF7A, s1;
	s8 =	simm.s32 @!p0 $0x1BF5;
	p2 =	por !p2, p0  }
0x20: {  	[sflag:s8] =	ssyncset.s32 @!p0 $0xFFFFF086;
	s6 =	sadd.s32 @!p0 s3, s7;
	s7 =	simm.s32 @!p0 $0x108  }
0x21: {  	s3 =	sadd.s32 s3, s9;
	s6 =	sadd.s32 @!p0 $0x88, s6;
	s7 =	simm.s32 @p2 $0x1082  }
0x22: {  	[simem:s7], [sflag:s8] =	dma.local @!p0 [hbm:s6], $0xF7A  }
0x23: {  	s9 =	sor.u32 $0xD0000000, s2;
	s6 =	simm.s32 $0x108;
	_ =	swait.ge @!p0 [sflag:s8], $0x0  }
0x24: {  	s3 =	sadd.s32 $0x88, s3;
	s6 =	simm.s32 @!p1 $0x1082;
	[sflag:s4] =	ssyncset.s32 $0xFFFFF086  }
0x25: {  	[simem:s6], [sflag:s4] =	dma.local [hbm:s3], $0xF7A  }
0x26: {  	[smem:$0x3F99] =	sst s1;
	(tag) =	ssettag s2;
	_ =	strace s9  }
0x27: {  	s1 =	sld [smem:$0x3FA9]  }
0x28: {  	s2 =	sld [smem:$0x3FAA]  }
0x29: {  	s4 =	sld [smem:$0x3FAC]  }
0x2a: {  	p0 =	seq.s32 s5, $0x0;
	s5 =	sld [smem:$0x3FAD]  }
0x2b: {  	s6 =	sld [smem:$0x3FAE]  }
0x2c: {  	s7 =	sld [smem:$0x3FAF]  }
0x2d: {  	s3 =	simm.s32 $0x108;
	s8 =	sld [smem:$0x3FB0]  }
0x2e: {  	s3 =	simm.s32 @!p0 $0x1082;
	s9 =	sld [smem:$0x3FB1]  }
0x2f: {  	lr =	sadd.s32 s0, s3;
	s0 =	sld [smem:$0x3FA8]  }
0x30: {  	s3 =	sld [smem:$0x3FAB]  }
0x31: {  	[smem:$0x3FB4] =	sst s10  }
0x32: {  	s10 =	sld [smem:$0x3FB2];
	_ =	sdelay $0x3  }
0x33: {  	p0 =	seq.s32 s10, $0x1;
	s10 =	sld [smem:$0x3FB4];
	_ =	sdelay $0x3  }
0x34: {  	[smem:$0x3FB4] =	sst s10  }
0x35: {  	s10 =	sld [smem:$0x3FB3];
	_ =	sdelay $0x3  }
0x36: {  	p1 =	seq.s32 s10, $0x1;
	s10 =	sld [smem:$0x3FB4];
	_ =	sdelay $0x3  }
0x37: {  	[smem:$0x3FB4] =	sst s10  }
0x38: {  	s10 =	sld [smem:$0x3FB5]  }
0x39: {  	_ = 	snop;
	(pc) =	sbr.ind lr, $3  }
0x3a: {  	_ = 	snop  }
0x3b: {  	_ = 	snop  }
0x3c: {  	p2 =	seq.s32 s10, $0x1;
	s10 =	sld [smem:$0x3FB4]  }
0x3d: {  	_ =	shalt  }
0x3e: {  	_ =	shalt  }
0x3f: {  	_ =	shalt  }
0x40: {  	_ =	shalt  }
0x41: {  	_ =	shalt  }
0x42: {  	_ =	shalt  }
0x43: {  	_ =	shalt  }
0x44: {  	_ =	shalt  }
0x45: {  	_ =	shalt  }
0x46: {  	_ =	shalt  }
0x47: {  	_ =	shalt  }
0x48: {  	_ =	shalt  }
0x49: {  	_ =	shalt  }
0x4a: {  	_ =	shalt  }
0x4b: {  	_ =	shalt  }
0x4c: {  	_ =	shalt  }
0x4d: {  	_ =	shalt  }
0x4e: {  	_ =	shalt  }
0x4f: {  	_ =	shalt  }
0x50: {  	_ =	shalt  }
0x51: {  	_ =	shalt  }
0x52: {  	_ =	shalt  }
0x53: {  	_ =	shalt  }
0x54: {  	_ =	shalt  }
0x55: {  	_ =	shalt  }
0x56: {  	_ =	shalt  }
0x57: {  	_ =	shalt  }
0x58: {  	_ =	shalt  }
0x59: {  	_ =	shalt  }
0x5a: {  	_ =	shalt  }
0x5b: {  	_ =	shalt  }
0x5c: {  	_ =	shalt  }
0x5d: {  	_ =	shalt  }
0x5e: {  	_ =	shalt  }
0x5f: {  	_ =	shalt  }
0x60: {  	_ =	shalt  }
0x61: {  	_ =	shalt  }
0x62: {  	_ =	shalt  }
0x63: {  	_ =	shalt  }
0x64: {  	_ =	shalt  }
0x65: {  	_ =	shalt  }
0x66: {  	_ =	shalt  }
0x67: {  	_ =	shalt  }
0x68: {  	_ =	shalt  }
0x69: {  	_ =	shalt  }
0x6a: {  	_ =	shalt  }
0x6b: {  	_ =	shalt  }
0x6c: {  	_ =	shalt  }
0x6d: {  	_ =	shalt  }
0x6e: {  	_ =	shalt  }
0x6f: {  	_ =	shalt  }
0x70: {  	_ =	shalt  }
0x71: {  	_ =	shalt  }
0x72: {  	_ =	shalt  }
0x73: {  	_ =	shalt  }
0x74: {  	_ =	shalt  }
0x75: {  	_ =	shalt  }
0x76: {  	_ =	shalt  }
0x77: {  	_ =	shalt  }
0x78: {  	_ =	shalt  }
0x79: {  	_ =	shalt  }
0x7a: {  	_ =	shalt  }
0x7b: {  	_ =	shalt  }
0x7c: {  	_ =	shalt  }
0x7d: {  	_ =	shalt  }
0x7e: {  	_ =	shalt  }
0x7f: {  	_ =	shalt  }
0x80: {  	_ =	shalt  }
0x81: {  	_ =	shalt  }
0x82: {  	_ =	shalt  }
0x83: {  	_ =	shalt  }
0x84: {  	_ =	shalt  }
0x85: {  	_ =	shalt  }
0x86: {  	_ =	shalt  }
0x87: {  	_ =	shalt  }
.Lfunc_end0:
.L_simem_size_0:
called_computation.1_lowered:
.L_overlay_start_0:
0x88: {  	s2 =	sld [smem:$0x3FD9]  }
0x89: {  	s3 =	sld [smem:$0x3FFE];
	_ =	sdelay $0x1  }
0x8a: {  	s1 =	srdreg.scid  }
0x8b: {  	s0 =	sand.u32 $0x1, s1  }
0x8c: {  	s17 =	sshll.u32 s0, $0xA;
	s2 =	sadd.s32 s3, s2  }
0x8d: {  	s2 =	sadd.s32 s2, s17  }
0x8e: {  	[smem:$0x3FC0] =	sst s2  }
0x8f: {  	_ = 	snop  }
0x90: {  	s2 =	sld [smem:$0x3FD0];
	(tm) =	ssettm $0x1  }
0x91: {  	s18 =	sld [smem:$0x3FFB];
	_ =	sdelay $0x3  }
0x92: {  	_ =	strace s18  }
0x93: {  	s3 =	sld [smem:$0x3FFC];
	_ =	sdelay $0x3  }
0x94: {  	_ =	strace s3  }
0x95: {  	s3 =	sld [smem:$0x3FFD];
	_ =	sdelay $0x3  }
0x96: {  	_ =	strace s3  }
0x97: {  	_ =	strace $0x8FFFFFFF  }
0x98: {  	s19 =	sld [smem:$0x3FDB];
	_ =	sdelay $0x1  }
0x99: {  	s4 =	simm.s32 $_scs_section_size  }
0x9a: {  	s5 =	simm.s32 $_size__tile_overlayer_lowered;
	s6 =	simm.s32 $_tile_overlayer_lowered  }
0x9b: {  	s22 =	simm.s32 $0x1BFF;
	s21 =	sshll.u32 s6, $0x1;
	s3 =	sadd.s32 s4, s19  }
0x9c: {  	s7 =	simm.s32 $0x0;
	s20 =	sshll.u32 s5, $0x1;
	s5 =	sadd.s32 s21, s3  }
0x9d: {  	[timem:s7], [sflag:s22] =	dma.local [hbm:s5], s20  }
0x9e: {  	_ =	swait.ge [sflag:s22], s20  }
0x9f: {  	s4 =	ssub.s32 $0x0, s20;
	[sflag:s22] =	ssyncset.done $0x0  }
0xa0: {  	[sflag:s22] =	ssyncadd.s32 s4;
	_ =	sdelay $0x1  }
0xa1: {  	s23 =	simm.s32 $0x1B8B  }
0xa2: {  	_ =	swait.ge [sflag:s23], $0x1  }
0xa3: {  	[sflag:s23] =	ssyncset.done $0x0  }
0xa4: {  	s25 =	simm.s32 $0x1B8E;
	s24 =	sld [smem:$0x3FFE];
	[sflag:s23] =	ssyncadd.s32 $0xFFFFFFFF  }
0xa5: {  	s26 =	simm.s32 $execute0_lowered;
	[smem:$0x3FD2] =	sst s25  }
0xa6: {  	s5 =	sshll.u32 s26, $0x1;
	_ =	strace $0x80000046;
	[dreg:$0x1] =	wrdreg $0xFFFFFFFF  }
0xa7: {  	s28 =	simm.s32 $_size_execute0_lowered;
	s3 =	sadd.s32 s3, s5;
	[dreg:$0x0] =	wrdreg $0x0  }
0xa8: {  	s5 =	sshll.u32 s28, $0x1;
	[dreg:$0x2] =	wrdreg s3  }
0xa9: {  	[dreg:$0x3] =	wrdreg s5  }
0xaa: {  	[dreg:$0x4] =	wrdreg $0xC0  }
0xab: {  	_ =	task [dreg:s7], $0x5FFFF  }
0xac: {  	[dreg:$0x1] =	wrdreg $0xFFFFFFFF  }
0xad: {  	[dreg:$0x0] =	wrdreg $0x60  }
0xae: {  	[dreg:$0x2] =	wrdreg s2  }
0xaf: {  	[dreg:$0x3] =	wrdreg s24  }
0xb0: {  	[dreg:$0x4] =	wrdreg $0x68000  }
0xb1: {  	[dreg:$0x5] =	wrdreg $0x9  }
0xb2: {  	_ =	task.clear_ibuf [dreg:s7], $0x6FFFF;
	_ =	strace $0x90000046  }
0xb3: {  	s29 =	simm.s32 $0x9;
	_ =	strace $0x80000048  }
0xb4: {  	_ =	swait.ge [sflag:s29], $0x1  }
0xb5: {  	[sflag:s29] =	ssyncadd.s32 $0xFFFFFFFF  }
0xb6: {  	_ =	strace $0x90000048  }
0xb7: {  	_ =	sfence  }
0xb8: {  	s30 =	sld [smem:$0x0];
	_ =	sdelay $0x2  }
0xb9: {  	s31 =	sshll.u32 s1, $0xD;
	s1 =	sshrl.u32 s1, $0x2  }
0xba: {  	s3 =	sand.u32 $0x4000, s31;
	s1 =	sadd.s32 s1, s30  }
0xbb: {  	s0 =	sor.u32 s3, s0;
	s1 =	sshll.u32 s1, $0x11  }
0xbc: {  	s0 =	sor.u32 s1, s0  }
0xbd: {  	s0 =	sadd.s32 $0x8F2B, s0  }
0xbe: {  	[sflag:s0] =	ssyncadd.remote.s32 $0x1  }
0xbf: {  	_ =	sfence.sel $0xFFFF  }
0xc0: {  	[dreg:$0x0] =	wrdreg $0xFFFFFFFF;
	(pc) =	sbr.abs _section_cstart, $3  }
0xc1: {  	[dreg:$0x1] =	wrdreg $0xFFFFFFFF  }
0xc2: {  	_ =	task.clear_ibuf [dreg:s7], $0x2FFFF;
	_ =	strace $0x9FFFFFFF  }
0xc3: {  	(tm) =	ssettm $0x7FFFFFFF  }
tec
execute0_lowered:
.L_overlay_start_1:
0x0: {  	(tag) =	ssettag $0x1  }
0x1: {  	s7 =	rddreg [dreg:$0x0]  }
0x2: {  	s6 =	rddreg [dreg:$0x1]  }
0x3: {  	s2 =	rddreg [dreg:$0x2]  }
0x4: {  	s0 =	rddreg [dreg:$0x3];
	s3 =	simm.s32 $0x0  }
0x5: {  	s1 =	stileid.u32;
	s4 =	srdreg.scid;
	s14 =	simm.s32 $0x80  }
0x6: {  	[smem:$0x7FF] =	sst s3;
	s16 =	smul.u32 $0x2780, s1;
	s5 =	sand.u32 $0x1, s4  }
0x7: {  	s4 =	sadd.s32 $0x2800, s6;
	s11 =	smul.u32 $0x4F000, s1;
	s13 =	sadd.s32 $0x128400, s2  }
0x8: {  	p0 =	seq.s32 s1, $0xF;
	_ =	strace $0x80000047;
	s9 =	smul.u32 $0x27400, s5  }
0x9: {  	s10 =	ssub.s32 $0x2, s5;
	s5 =	sshll.u32 s5, $0x4;
	s8 =	sadd.s32 s16, s6  }
0xa: {  	s12 =	sshrl.u32 s10, $0x1;
	s5 =	sor.u32 s1, s5;
	s11 =	sshrl.u32 s11, $0x2  }
0xb: {  	s9 =	sadd.s32 s9, s6;
	s10 =	ssub.s32 s10, s12;
	s31 =	smul.u32 $0x500, s5  }
0xc: {  	s11 =	sadd.s32 s11, s2;
	s5 =	sadd.s32 $0x3000, s8;
	s6 =	sadd.s32 $0x28080, s6  }
0xd: {  	s12 =	simm.s32 $0x1;
	s17 =	sadd.s32 $0x2A400, s9;
	s8 =	smax.u32 s10, $0x1  }
0xe: {  	s10 =	sshll.u32 @!p0 s1, $0x6;
	s9 =	sshrl.u32 @p0 s13, $0x3;
	s11 =	sshrl.u32 @!p0 s11, $0x3  }
0xf: {  	s13 =	simm.s32 $0x2800;
	s7 =	sadd.s32 s7, s31;
	s10 =	sor.u32 @!p0 $0x1C01, s10  }
0x10: {  	s15 =	sadd.s32 @p0 $0x25080, s17;
	s16 =	sadd.s32 @!p0 s16, s17;
	s17 =	simm.s32 $0x0  }
.LBB2_1:
0x11: {  	s18 =	simm.s32 @p0 $0x1FC1  }
0x12: {  	[spmem:s9], [sflag:s18] =	dma.local @p0 [hbm:s6], $0x2380  }
0x13: {  	s18 =	simm.s32 @p0 $0x1  }
0x14: {  	_ =	swait.ge @p0 [sflag:s18], $0x2380  }
0x15: {  	[sflag:s18] =	ssyncset.done @p0 $0x0  }
0x16: {  	[sflag:s18] =	ssyncadd.s32 @p0 $0xFFFFDC80;
	s18 =	simm.s32 @!p0 $0x1  }
0x17: {  	[spmem:s11], [sflag:s10] =	dma.local @!p0 [hbm:s5], $0x2780  }
0x18: {  	_ =	swait.ge @!p0 [sflag:s18], $0x2780  }
0x19: {  	[sflag:s18] =	ssyncset.done @!p0 $0x0  }
0x1a: {  	[sflag:s18] =	ssyncadd.s32 @!p0 $0xFFFFD880  }
0x1b: {  	[tilespmem:s3], [sflag:$0x1] =	stream.linear.gather [hbm4b:s7+s3], $0x2800, $0x38;
	[tilespmem:$0x1A200] =	vst v63  }
0x1c: {  	_ =	swait.ge [sflag:s12], $0x2800  }
0x1d: {  	[sflag:s12] =	ssyncset.done $0x0  }
0x1e: {  	[sflag:s12] =	ssyncadd.s32 $0xFFFFD800  }
0x1f: {  	[tilespmem:s13], [sflag:$0x1] =	stream.linear.gather [hbm4b:s4+s3], $0x4000, $0x38;
	[tilespmem:$0x1A200] =	vst v63  }
0x20: {  	_ =	swait.ge [sflag:s12], $0x4000  }
0x21: {  	[sflag:s12] =	ssyncset.done $0x0  }
0x22: {  	[sflag:s12] =	ssyncadd.s32 $0xFFFFC000  }
0x23: {  	s31 =	simm.s32 $0x0;
	[bflag:$0x0] =	sbarrier.arrive $0xFFFF  }
0x24: {  	[spmem:s2] =	stream.indirect.scatter.add.f32 [tilespmem:s13], [sflag:$0x1], $0x80, s31, s14, $0xb8;
	[tilespmem:$0x1A200] =	vst v63  }
0x25: {  	_ =	swait.ge [sflag:s12], $0x4000  }
0x26: {  	s18 =	simm.s32 $0x200;
	[sflag:s12] =	ssyncset.done $0x0  }
.LBB2_2:
0x27: {  	s19 =	sshra.s32 s18, $0x2;
	[sflag:s12] =	ssyncadd.s32 $0xFFFFC000;
	p1 =	sne.s32 s18, $0x9E00  }
0x28: {  	[spmem:s2] =	stream.indirect.scatter.add.f32 [tilespmem:s13], [sflag:$0x1], $0x80, s19, s14, $0xb8;
	[tilespmem:$0x1A200] =	vst v63  }
.Ltmp0:
0x29: {  	_ = 	snop;
	(pc) =	sbr.rel @p1 .LBB2_2-.Ltmp0, $4  }
0x2a: {  	_ = 	snop  }
0x2b: {  	s18 =	sadd.s32 $0x200, s18  }
0x2c: {  	_ =	swait.ge [sflag:s12], $0x4000  }
0x2d: {  	[sflag:s12] =	ssyncset.done $0x0  }
0x2e: {  	[sflag:s12] =	ssyncadd.s32 $0xFFFFC000  }
0x2f: {  	s18 =	simm.s32 @p0 $0x1FC1;
	[bflag:$0x0] =	sbarrier.arrive $0xFFFF  }
0x30: {  	[hbm:s15], [sflag:s18] =	dma.local @p0 [spmem:s9], $0x2380  }
0x31: {  	s18 =	simm.s32 @p0 $0x1  }
0x32: {  	s17 =	sadd.s32 $0x1, s17;
	_ =	swait.ge @p0 [sflag:s18], $0x2380  }
0x33: {  	p1 =	sne.s32 s17, s8;
	[sflag:s18] =	ssyncset.done @p0 $0x0  }
.Ltmp1:
0x34: {  	[sflag:s18] =	ssyncadd.s32 @p0 $0xFFFFDC80;
	s18 =	simm.s32 @!p0 $0x1;
	(pc) =	sbr.rel @p1 .LBB2_1-.Ltmp1, $4  }
0x35: {  	[hbm:s16], [sflag:s10] =	dma.local @!p0 [spmem:s11], $0x2780  }
0x36: {  	_ =	swait.ge @!p0 [sflag:s18], $0x2780  }
0x37: {  	[sflag:s18] =	ssyncset.done @!p0 $0x0  }
0x38: {  	[sflag:s18] =	ssyncadd.s32 @!p0 $0xFFFFD880  }
0x39: {  	_ =	sfence.sel $0x180000  }
0x3a: {  	[bflag:$0x0] =	sbarrier.arrive $0xFFFF  }
0x3b: {  	p0 =	sne.s32 s1, $0x0;
	_ =	strace $0x90000047  }
0x3c: {  	s0 =	sadd.s32 @!p0 $0x100000, s0;
	[bflag:$0x2] =	sbarrier.arrive $0xFFFF  }
0x3d: {  	[sflag:s0] =	ssyncadd.tile.s32 @!p0 $0x1;
	_ =	shalt  }
.Lfunc_end2:
_tile_overlayer_lowered:
.L_overlay_start_2:
0x3e: {  	(tag) =	ssettag $0x2  }
0x3f: {  	s0 =	rddreg [dreg:$0x0];
	s2 =	stileid.u32  }
0x40: {  	s1 =	rddreg [dreg:$0x1];
	p0 =	sne.s32 s2, $0x0  }
0x41: {  	s3 =	rddreg [dreg:$0x2];
	[bflag:$0x3] =	sbarrier.arrive $0xFFFF;
	s2 =	simm.s32 @!p0 $0x1C01  }
0x42: {  	[timem:s3], [sflag:s2] =	dma.local @!p0 [hbm:s0], s1  }
0x43: {  	s0 =	simm.s32 @!p0 $0x1  }
0x44: {  	_ =	swait.ge @!p0 [sflag:s0], s1  }
0x45: {  	s1 =	ssub.s32 @!p0 $0x0, s1;
	[sflag:s0] =	ssyncset.done @!p0 $0x0  }
0x46: {  	[sflag:s0] =	ssyncadd.s32 @!p0 s1  }
0x47: {  	[bflag:$0x3] =	sbarrier.arrive $0xFFFF  }
0x48: {  	_ =	shalt  }

</sc_bundles>
